<compile_context>
chip_gen: v7x
topology: tpu7x:2x2x1
jax: 0.10.2.dev20260603
libtpu: 0.0.44.dev20260713+nightly
codegen_flags: <defaults>
</compile_context>

<pallas_src>
import functools

import jax
import jax.numpy as jnp
from jax import lax
from jax.experimental import pallas as pl
from jax.experimental.pallas import tpu as pltpu
from jax.experimental.pallas import tpu_sc as plsc

NC = 2
NS = 16
NW = NC * NS


def _sc_mesh():
    return plsc.VectorSubcoreMesh(
        core_axis_name="c", subcore_axis_name="s",
        num_cores=NC, num_subcores=NS)


def _emb_gather(emb, xp, n_pad, hd):
    nech, ech = xp.shape[1], xp.shape[2]
    per_w = nech * ech

    @functools.partial(
        pl.kernel,
        out_type=jax.ShapeDtypeStruct((n_pad, hd), jnp.float32),
        mesh=_sc_mesh(),
        scratch_types=[
            pltpu.VMEM((nech, ech), jnp.int32),
            pltpu.VMEM((ech, hd), jnp.float32),
            pltpu.SemaphoreType.DMA,
        ],
    )
    def k(emb_hbm, x_hbm, out_hbm, idx_v, rows_v, sem):
        c = lax.axis_index("c")
        s = lax.axis_index("s")
        wid = s * NC + c
        pltpu.sync_copy(x_hbm.at[wid], idx_v)

        def chunk(i, carry):
            off = pl.multiple_of(wid * per_w + i * ech, 8)
            pltpu.async_copy(emb_hbm.at[idx_v.at[i]], rows_v, sem).wait()
            pltpu.sync_copy(rows_v, out_hbm.at[pl.ds(off, ech)])
            return carry

        lax.fori_loop(0, nech, chunk, 0)

    return k(emb, xp)


def _sc_aggregate(allt_flat, gidx3, dst3, zeros, n2, hd):
    nch, ch = gidx3.shape[1], gidx3.shape[2]
    rpt = n2 // NS
    nbuf = 2
    npass = 2
    hn = nch // npass

    @functools.partial(
        pl.kernel,
        out_type=jax.ShapeDtypeStruct((NC, n2, hd), jnp.float32),
        mesh=_sc_mesh(),
        scratch_types=[
            pltpu.VMEM((hn, ch), jnp.int32),
            pltpu.VMEM((hn, ch), jnp.int32),
            pltpu.VMEM((nbuf, ch, hd), jnp.float32),
            pltpu.VMEM_SHARED((n2, hd), jnp.float32),
            [pltpu.SemaphoreType.DMA] * nbuf,
            [pltpu.SemaphoreType.DMA] * nbuf,
            pltpu.SemaphoreType.DMA,
        ],
    )
    def k(allt_hbm, gidx_hbm, dst_hbm, z_hbm, out_hbm,
          gi_v, di_v, rows_v, aggr_sh, gsems, ssems, sem):
        c = lax.axis_index("c")
        s = lax.axis_index("s")
        wid = s * NC + c
        roff = pl.multiple_of(s * rpt, 8)
        pltpu.sync_copy(z_hbm.at[pl.ds(roff, rpt)],
                        aggr_sh.at[pl.ds(roff, rpt)])
        plsc.subcore_barrier()

        def one_pass(p, carry):
            poff = pl.multiple_of(p * hn, 8)
            ig = pltpu.async_copy(gidx_hbm.at[wid, pl.ds(poff, hn)], gi_v, sem)
            idd = pltpu.async_copy(dst_hbm.at[wid, pl.ds(poff, hn)], di_v, sem)
            ig.wait()
            idd.wait()

            def group(g, carry2):
                base = g * nbuf
                gops = [
                    pltpu.async_copy(allt_hbm.at[gi_v.at[base + b]],
                                     rows_v.at[b], gsems[b])
                    for b in range(nbuf)
                ]
                for b in range(nbuf):
                    gops[b].wait()
                    pltpu.sync_copy(rows_v.at[b],
                                    aggr_sh.at[di_v.at[base + b]], add=True)
                return carry2

            lax.fori_loop(0, hn // nbuf, group, 0)
            return carry

        lax.fori_loop(0, npass, one_pass, 0)
        plsc.subcore_barrier()
        pltpu.sync_copy(aggr_sh.at[pl.ds(roff, rpt)],
                        out_hbm.at[c, pl.ds(roff, rpt)])

    return k(allt_flat, gidx3, dst3, zeros)


def _msg_transform(h, W_msg, b_msg3, bn):
    n, hd = h.shape
    t = W_msg.shape[0]
    nb = n // bn

    def body(h_ref, w_ref, b_ref, o_ref):
        o_ref[0] = (jnp.dot(h_ref[...], w_ref[0],
                            preferred_element_type=jnp.float32) + b_ref[0])

    return pl.pallas_call(
        body,
        grid=(nb, t),
        in_specs=[
            pl.BlockSpec((bn, hd), lambda i, j: (i, 0)),
            pl.BlockSpec((1, hd, hd), lambda i, j: (j, 0, 0)),
            pl.BlockSpec((1, 1, hd), lambda i, j: (j, 0, 0)),
        ],
        out_specs=pl.BlockSpec((1, bn, hd), lambda i, j: (j, i, 0)),
        out_shape=jax.ShapeDtypeStruct((t, n, hd), jnp.float32),
    )(h, W_msg, b_msg3)


def _gru(parts, h, WihT, WhhT, bih2, bhh2, bn):
    n, hd = h.shape
    nb = n // bn

    def body(p_ref, h_ref, wi_ref, wh_ref, bi_ref, bh_ref, o_ref):
        a = p_ref[0] + p_ref[1]
        hv = h_ref[...]
        gi = jnp.dot(a, wi_ref[...],
                     preferred_element_type=jnp.float32) + bi_ref[...]
        gh = jnp.dot(hv, wh_ref[...],
                     preferred_element_type=jnp.float32) + bh_ref[...]
        r = jax.nn.sigmoid(gi[:, :hd] + gh[:, :hd])
        z = jax.nn.sigmoid(gi[:, hd:2 * hd] + gh[:, hd:2 * hd])
        nn = jnp.tanh(gi[:, 2 * hd:] + r * gh[:, 2 * hd:])
        o_ref[...] = (1.0 - z) * nn + z * hv

    h3 = 3 * hd
    return pl.pallas_call(
        body,
        grid=(nb,),
        in_specs=[
            pl.BlockSpec((NC, bn, hd), lambda i: (0, i, 0)),
            pl.BlockSpec((bn, hd), lambda i: (i, 0)),
            pl.BlockSpec((hd, h3), lambda i: (0, 0)),
            pl.BlockSpec((hd, h3), lambda i: (0, 0)),
            pl.BlockSpec((1, h3), lambda i: (0, 0)),
            pl.BlockSpec((1, h3), lambda i: (0, 0)),
        ],
        out_specs=pl.BlockSpec((bn, hd), lambda i: (i, 0)),
        out_shape=jax.ShapeDtypeStruct((n, hd), jnp.float32),
    )(parts, h, WihT, WhhT, bih2, bhh2)


def kernel(x, edge_index, edge_type, emb, W_msg, b_msg, W_ih, W_hh, b_ih, b_hh):
    n = x.shape[0]
    e = edge_index.shape[1]
    t, hd, _ = W_msg.shape

    ech = 80
    per_w = -(-n // (NW * ech)) * ech
    n_pad = per_w * NW
    xp = jnp.pad(x, (0, n_pad - n)).reshape(NW, per_w // ech, ech)
    h = _emb_gather(emb, xp, n_pad, hd)[:n]

    n2 = -(-n // (NS * 8)) * (NS * 8)
    ch = 128
    nbuf = 2
    npass = 2
    e_pad = -(-e // (NW * ch * nbuf * npass)) * (NW * ch * nbuf * npass)
    nch = e_pad // (NW * ch)
    src = edge_index[0]
    dst = edge_index[1]
    gidx3 = jnp.pad(edge_type * n + src, (0, e_pad - e)).reshape(NW, nch, ch)
    dst3 = jnp.pad(dst, (0, e_pad - e), constant_values=n).reshape(NW, nch, ch)
    zeros = jnp.zeros((n2, hd), jnp.float32)

    b_msg3 = b_msg.reshape(t, 1, hd)
    WihT = W_ih.T
    WhhT = W_hh.T
    bih2 = b_ih.reshape(1, 3 * hd)
    bhh2 = b_hh.reshape(1, 3 * hd)

    bn = 1000
    for _ in range(5):
        allt = _msg_transform(h, W_msg, b_msg3, bn)
        parts = _sc_aggregate(allt.reshape(t * n, hd), gidx3, dst3, zeros, n2, hd)
        h = _gru(parts, h, WihT, WhhT, bih2, bhh2, bn)
    return h

# --- scband reference (transcript-rebuilt; emitter-appended) ---
"""Pipeline reference for scband-gnn-encoder-88734024335671 (READ-ONLY COPY).

The authoritative reference and input builder live on the scoring server;
editing this copy changes nothing except your own understanding.
"""

import jax, jax.numpy as jnp
import numpy as np

N = 10000
E = 320000
VOCAB = 100000
H = 128
T = 16


def setup_inputs(seed: int = 0) -> dict:
    key = jax.random.key(seed)
    ks = jax.random.split(key, 10)
    x = jax.random.randint(ks[0], (N,), 0, VOCAB, dtype=jnp.int64 if jax.config.jax_enable_x64 else jnp.int32).astype(jnp.int32)
    edge_index = jax.random.randint(ks[1], (2, E), 0, N).astype(jnp.int32)
    edge_type = jax.random.randint(ks[2], (E,), 0, T).astype(jnp.int32)
    s = 1.0 / np.sqrt(H)
    emb = jax.random.normal(ks[3], (VOCAB, H), jnp.float32) * 0.02
    W_msg = jax.random.uniform(ks[4], (T, H, H), jnp.float32, -s, s)
    b_msg = jax.random.uniform(ks[5], (T, H), jnp.float32, -s, s)
    W_ih = jax.random.uniform(ks[6], (3 * H, H), jnp.float32, -s, s)
    W_hh = jax.random.uniform(ks[7], (3 * H, H), jnp.float32, -s, s)
    b_ih = jax.random.uniform(ks[8], (3 * H,), jnp.float32, -s, s)
    b_hh = jax.random.uniform(ks[9], (3 * H,), jnp.float32, -s, s)
    return {"x": x, "edge_index": edge_index, "edge_type": edge_type, "emb": emb,
            "W_msg": W_msg, "b_msg": b_msg, "W_ih": W_ih, "W_hh": W_hh,
            "b_ih": b_ih, "b_hh": b_hh}


def _gru_cell(inp, h, W_ih, W_hh, b_ih, b_hh):
    # faithful to torch.nn.GRUCell math
    gi = inp @ W_ih.T + b_ih
    gh = h @ W_hh.T + b_hh
    i_r, i_z, i_n = jnp.split(gi, 3, axis=-1)
    h_r, h_z, h_n = jnp.split(gh, 3, axis=-1)
    r = jax.nn.sigmoid(i_r + h_r)
    z = jax.nn.sigmoid(i_z + h_z)
    n = jnp.tanh(i_n + r * h_n)
    return (1.0 - z) * n + z * h


def _msg_op(h, src, dst, edge_type, W_msg, b_msg):
    # typed message passing (GGNN-style graphOP): per-edge-type linear on src,
    # scatter-add aggregated at dst
    all_t = jnp.einsum('nh,thd->ntd', h, W_msg) + b_msg[None, :, :]  # [N, T, H]
    msg = all_t[src, edge_type]                                      # [E, H] gather
    aggr = jax.ops.segment_sum(msg, dst, num_segments=N)             # [N, H] scatter-add
    return aggr


def reference(x, edge_index, edge_type, emb, W_msg, b_msg, W_ih, W_hh, b_ih, b_hh):
    h = jnp.take(emb, x, axis=0)  # embedding lookup
    src = edge_index[0]
    dst = edge_index[1]
    for _ in range(5):
        aggr = _msg_op(h, src, dst, edge_type, W_msg, b_msg)
        h = _gru_cell(aggr, h, W_ih, W_hh, b_ih, b_hh)
    return h

if __name__ == "__main__":
    import jax
    _d = setup_inputs()
    print(jax.jit(kernel)(*tuple(_d.values())))

</pallas_src>

<mosaic_0001>
#map = affine_map<(d0, d1) -> (0, 0)>
#map1 = affine_map<(d0, d1) -> (0, 0, 0)>
module attributes {stable_mosaic.version = 14 : i64} {
  func.func @k(%arg0: i32, %arg1: i32, %arg2: memref<160000x128xf32, #tpu.memory_space<hbm>>, %arg3: memref<32x80x128xi32, #tpu.memory_space<hbm>>, %arg4: memref<32x80x128xi32, #tpu.memory_space<hbm>>, %arg5: memref<10112x128xf32, #tpu.memory_space<hbm>>, %arg6: memref<2x10112x128xf32, #tpu.memory_space<hbm>>, %arg7: memref<40x128xi32, #tpu.memory_space<vmem>>, %arg8: memref<40x128xi32, #tpu.memory_space<vmem>>, %arg9: memref<2x128x128xf32, #tpu.memory_space<vmem>>, %arg10: memref<10112x128xf32, #tpu.memory_space<vmem_shared>>, %arg11: memref<!tpu.dma_semaphore, #tpu.memory_space<semaphore_mem>>, %arg12: memref<!tpu.dma_semaphore, #tpu.memory_space<semaphore_mem>>, %arg13: memref<!tpu.dma_semaphore, #tpu.memory_space<semaphore_mem>>, %arg14: memref<!tpu.dma_semaphore, #tpu.memory_space<semaphore_mem>>, %arg15: memref<!tpu.dma_semaphore, #tpu.memory_space<semaphore_mem>>) attributes {dimension_semantics = [#tpu.dimension_semantics<core_parallel>, #tpu.dimension_semantics<subcore_parallel>], iteration_bounds = array<i64: 2, 16>, scalar_prefetch = 0 : i64, scratch_operands = 9 : i64, tpu.core_type = #tpu.core_type<sc_vector_subcore>, window_params = [{transform_indices = #map}, {transform_indices = #map1}, {transform_indices = #map1}, {transform_indices = #map}, {transform_indices = #map1}]} {
    %mul3A = arith.constant 2 : i32
    %mul3A_0 = arith.muli %arg1, %mul3A : i32
    %add3A = arith.addi %mul3A_0, %arg0 : i32
    %mul3A_1 = arith.constant 632 : i32
    %mul3A_2 = arith.muli %arg1, %mul3A_1 : i32
    %multiple_of3A = tpu.assume_multiple %mul3A_2, 8 : i32
    "tpu.region"() ({
      %run_scoped3A = tpu.sem_alloc : memref<!tpu.dma_semaphore, #tpu.memory_space<semaphore_mem>>
      %dma_start3A = arith.constant 0 : i32
      %dma_start3A_9 = tpu.memref_slice %arg10[%multiple_of3A, %dma_start3A] : memref<10112x128xf32, #tpu.memory_space<vmem_shared>> -> memref<632x128xf32, #tpu.memory_space<vmem_shared>>
      %dma_start3A_10 = arith.constant 0 : i32
      %dma_start3A_11 = tpu.memref_slice %arg5[%multiple_of3A, %dma_start3A_10] : memref<10112x128xf32, #tpu.memory_space<hbm>> -> memref<632x128xf32, #tpu.memory_space<hbm>>
      tpu.enqueue_dma source(%dma_start3A_11 : memref<632x128xf32, #tpu.memory_space<hbm>>) target(%dma_start3A_9 : memref<632x128xf32, #tpu.memory_space<vmem_shared>>) target_semaphore(%run_scoped3A : memref<!tpu.dma_semaphore, #tpu.memory_space<semaphore_mem>>)
      %dma_wait3A = arith.constant 0 : i32
      %dma_wait3A_12 = tpu.memref_slice %arg10[%multiple_of3A, %dma_wait3A] : memref<10112x128xf32, #tpu.memory_space<vmem_shared>> -> memref<632x128xf32, #tpu.memory_space<vmem_shared>>
      %dma_wait3A_13 = arith.constant 0 : i32
      %dma_wait3A_14 = tpu.memref_slice %arg5[%multiple_of3A, %dma_wait3A_13] : memref<10112x128xf32, #tpu.memory_space<hbm>> -> memref<632x128xf32, #tpu.memory_space<hbm>>
      tpu.wait_dma2 semaphore(%run_scoped3A : memref<!tpu.dma_semaphore, #tpu.memory_space<semaphore_mem>>) src(%dma_wait3A_14 : memref<632x128xf32, #tpu.memory_space<hbm>>) dst(%dma_wait3A_12 : memref<632x128xf32, #tpu.memory_space<vmem_shared>>)
      tpu.yield
    }) : () -> ()
    %barrier3A = arith.constant 0 : index
    tpu.barrier barrier_id(%barrier3A)
    %scan3A = arith.constant 0 : i32
    %scan3A_3 = arith.constant 0 : i32
    %scan3A_4 = arith.constant 2 : i32
    %scan3A_5 = arith.addi %scan3A_3, %scan3A_4 : i32
    %scan3A_6 = arith.constant 1 : i32
    scf.for %scan3A_9 = %scan3A_3 to %scan3A_5 step %scan3A_6  : i32 {
      %mul3A_10 = arith.constant 40 : i32
      %mul3A_11 = arith.muli %scan3A_9, %mul3A_10 : i32
      %multiple_of3A_12 = tpu.assume_multiple %mul3A_11, 8 : i32
      %dma_start3A = arith.constant 0 : i32
      %dma_start3A_13 = tpu.memref_slice %arg3[%add3A, %multiple_of3A_12, %dma_start3A] : memref<32x80x128xi32, #tpu.memory_space<hbm>> -> memref<1x40x128xi32, #tpu.memory_space<hbm>>
      %dma_start3A_14 = tpu.memref_squeeze %dma_start3A_13 : memref<1x40x128xi32, #tpu.memory_space<hbm>> -> memref<40x128xi32, #tpu.memory_space<hbm>>
      %dma_start3A_15 = arith.constant 0 : i32
      %dma_start3A_16 = tpu.memref_slice %arg3[%add3A, %multiple_of3A_12, %dma_start3A_15] : memref<32x80x128xi32, #tpu.memory_space<hbm>> -> memref<1x40x128xi32, #tpu.memory_space<hbm>>
      %dma_start3A_17 = tpu.memref_squeeze %dma_start3A_16 : memref<1x40x128xi32, #tpu.memory_space<hbm>> -> memref<40x128xi32, #tpu.memory_space<hbm>>
      tpu.enqueue_dma source(%dma_start3A_17 : memref<40x128xi32, #tpu.memory_space<hbm>>) target(%arg7 : memref<40x128xi32, #tpu.memory_space<vmem>>) target_semaphore(%arg15 : memref<!tpu.dma_semaphore, #tpu.memory_space<semaphore_mem>>)
      %dma_start3A_18 = arith.constant 0 : i32
      %dma_start3A_19 = tpu.memref_slice %arg4[%add3A, %multiple_of3A_12, %dma_start3A_18] : memref<32x80x128xi32, #tpu.memory_space<hbm>> -> memref<1x40x128xi32, #tpu.memory_space<hbm>>
      %dma_start3A_20 = tpu.memref_squeeze %dma_start3A_19 : memref<1x40x128xi32, #tpu.memory_space<hbm>> -> memref<40x128xi32, #tpu.memory_space<hbm>>
      %dma_start3A_21 = arith.constant 0 : i32
      %dma_start3A_22 = tpu.memref_slice %arg4[%add3A, %multiple_of3A_12, %dma_start3A_21] : memref<32x80x128xi32, #tpu.memory_space<hbm>> -> memref<1x40x128xi32, #tpu.memory_space<hbm>>
      %dma_start3A_23 = tpu.memref_squeeze %dma_start3A_22 : memref<1x40x128xi32, #tpu.memory_space<hbm>> -> memref<40x128xi32, #tpu.memory_space<hbm>>
      tpu.enqueue_dma source(%dma_start3A_23 : memref<40x128xi32, #tpu.memory_space<hbm>>) target(%arg8 : memref<40x128xi32, #tpu.memory_space<vmem>>) target_semaphore(%arg15 : memref<!tpu.dma_semaphore, #tpu.memory_space<semaphore_mem>>)
      %dma_wait3A = arith.constant 0 : i32
      %dma_wait3A_24 = tpu.memref_slice %arg3[%add3A, %multiple_of3A_12, %dma_wait3A] : memref<32x80x128xi32, #tpu.memory_space<hbm>> -> memref<1x40x128xi32, #tpu.memory_space<hbm>>
      %dma_wait3A_25 = tpu.memref_squeeze %dma_wait3A_24 : memref<1x40x128xi32, #tpu.memory_space<hbm>> -> memref<40x128xi32, #tpu.memory_space<hbm>>
      %dma_wait3A_26 = arith.constant 0 : i32
      %dma_wait3A_27 = tpu.memref_slice %arg3[%add3A, %multiple_of3A_12, %dma_wait3A_26] : memref<32x80x128xi32, #tpu.memory_space<hbm>> -> memref<1x40x128xi32, #tpu.memory_space<hbm>>
      %dma_wait3A_28 = tpu.memref_squeeze %dma_wait3A_27 : memref<1x40x128xi32, #tpu.memory_space<hbm>> -> memref<40x128xi32, #tpu.memory_space<hbm>>
      tpu.wait_dma2 semaphore(%arg15 : memref<!tpu.dma_semaphore, #tpu.memory_space<semaphore_mem>>) src(%dma_wait3A_28 : memref<40x128xi32, #tpu.memory_space<hbm>>) dst(%arg7 : memref<40x128xi32, #tpu.memory_space<vmem>>)
      %dma_wait3A_29 = arith.constant 0 : i32
      %dma_wait3A_30 = tpu.memref_slice %arg4[%add3A, %multiple_of3A_12, %dma_wait3A_29] : memref<32x80x128xi32, #tpu.memory_space<hbm>> -> memref<1x40x128xi32, #tpu.memory_space<hbm>>
      %dma_wait3A_31 = tpu.memref_squeeze %dma_wait3A_30 : memref<1x40x128xi32, #tpu.memory_space<hbm>> -> memref<40x128xi32, #tpu.memory_space<hbm>>
      %dma_wait3A_32 = arith.constant 0 : i32
      %dma_wait3A_33 = tpu.memref_slice %arg4[%add3A, %multiple_of3A_12, %dma_wait3A_32] : memref<32x80x128xi32, #tpu.memory_space<hbm>> -> memref<1x40x128xi32, #tpu.memory_space<hbm>>
      %dma_wait3A_34 = tpu.memref_squeeze %dma_wait3A_33 : memref<1x40x128xi32, #tpu.memory_space<hbm>> -> memref<40x128xi32, #tpu.memory_space<hbm>>
      tpu.wait_dma2 semaphore(%arg15 : memref<!tpu.dma_semaphore, #tpu.memory_space<semaphore_mem>>) src(%dma_wait3A_34 : memref<40x128xi32, #tpu.memory_space<hbm>>) dst(%arg8 : memref<40x128xi32, #tpu.memory_space<vmem>>)
      %scan3A_35 = arith.constant 0 : i32
      %scan3A_36 = arith.constant 0 : i32
      %scan3A_37 = arith.constant 20 : i32
      %scan3A_38 = arith.addi %scan3A_36, %scan3A_37 : i32
      %scan3A_39 = arith.constant 1 : i32
      scf.for %scan3A_41 = %scan3A_36 to %scan3A_38 step %scan3A_39  : i32 {
        %mul3A_42 = arith.constant 2 : i32
        %mul3A_43 = arith.muli %scan3A_41, %mul3A_42 : i32
        %add3A_44 = arith.constant 0 : i32
        %add3A_45 = arith.addi %mul3A_43, %add3A_44 : i32
        %dma_start3A_46 = arith.constant 0 : i32
        %dma_start3A_47 = arith.constant 0 : i32
        %dma_start3A_48 = arith.constant 0 : i32
        %dma_start3A_49 = tpu.memref_slice %arg9[%dma_start3A_46, %dma_start3A_47, %dma_start3A_48] : memref<2x128x128xf32, #tpu.memory_space<vmem>> -> memref<1x128x128xf32, #tpu.memory_space<vmem>>
        %dma_start3A_50 = tpu.memref_squeeze %dma_start3A_49 : memref<1x128x128xf32, #tpu.memory_space<vmem>> -> memref<128x128xf32, #tpu.memory_space<vmem>>
        %dma_start3A_51 = arith.constant 0 : i32
        %dma_start3A_52 = tpu.memref_slice %arg7[%add3A_45, %dma_start3A_51] : memref<40x128xi32, #tpu.memory_space<vmem>> -> memref<1x128xi32, #tpu.memory_space<vmem>>
        %dma_start3A_53 = tpu.memref_squeeze %dma_start3A_52 : memref<1x128xi32, #tpu.memory_space<vmem>> -> memref<128xi32, #tpu.memory_space<vmem>>
        %dma_start3A_54 = arith.constant 0 : i32
        %dma_start3A_55 = arith.constant 0 : i32
        %dma_start3A_56 = tpu.memref_slice %arg2[%dma_start3A_54, %dma_start3A_55] : memref<160000x128xf32, #tpu.memory_space<hbm>> -> memref<160000x128xf32, #tpu.memory_space<hbm>>
        tpu.enqueue_indirect_dma source(%dma_start3A_56 : memref<160000x128xf32, #tpu.memory_space<hbm>>) target(%dma_start3A_50 : memref<128x128xf32, #tpu.memory_space<vmem>>) offsets(%dma_start3A_53 : memref<128xi32, #tpu.memory_space<vmem>>) semaphore(%arg11 : memref<!tpu.dma_semaphore, #tpu.memory_space<semaphore_mem>>)
        %add3A_57 = arith.constant 1 : i32
        %add3A_58 = arith.addi %mul3A_43, %add3A_57 : i32
        %dma_start3A_59 = arith.constant 1 : i32
        %dma_start3A_60 = arith.constant 0 : i32
        %dma_start3A_61 = arith.constant 0 : i32
        %dma_start3A_62 = tpu.memref_slice %arg9[%dma_start3A_59, %dma_start3A_60, %dma_start3A_61] : memref<2x128x128xf32, #tpu.memory_space<vmem>> -> memref<1x128x128xf32, #tpu.memory_space<vmem>>
        %dma_start3A_63 = tpu.memref_squeeze %dma_start3A_62 : memref<1x128x128xf32, #tpu.memory_space<vmem>> -> memref<128x128xf32, #tpu.memory_space<vmem>>
        %dma_start3A_64 = arith.constant 0 : i32
        %dma_start3A_65 = tpu.memref_slice %arg7[%add3A_58, %dma_start3A_64] : memref<40x128xi32, #tpu.memory_space<vmem>> -> memref<1x128xi32, #tpu.memory_space<vmem>>
        %dma_start3A_66 = tpu.memref_squeeze %dma_start3A_65 : memref<1x128xi32, #tpu.memory_space<vmem>> -> memref<128xi32, #tpu.memory_space<vmem>>
        %dma_start3A_67 = arith.constant 0 : i32
        %dma_start3A_68 = arith.constant 0 : i32
        %dma_start3A_69 = tpu.memref_slice %arg2[%dma_start3A_67, %dma_start3A_68] : memref<160000x128xf32, #tpu.memory_space<hbm>> -> memref<160000x128xf32, #tpu.memory_space<hbm>>
        tpu.enqueue_indirect_dma source(%dma_start3A_69 : memref<160000x128xf32, #tpu.memory_space<hbm>>) target(%dma_start3A_63 : memref<128x128xf32, #tpu.memory_space<vmem>>) offsets(%dma_start3A_66 : memref<128xi32, #tpu.memory_space<vmem>>) semaphore(%arg12 : memref<!tpu.dma_semaphore, #tpu.memory_space<semaphore_mem>>)
        %dma_wait3A_70 = arith.constant 0 : i32
        %dma_wait3A_71 = arith.constant 0 : i32
        %dma_wait3A_72 = arith.constant 0 : i32
        %dma_wait3A_73 = tpu.memref_slice %arg9[%dma_wait3A_70, %dma_wait3A_71, %dma_wait3A_72] : memref<2x128x128xf32, #tpu.memory_space<vmem>> -> memref<1x128x128xf32, #tpu.memory_space<vmem>>
        %dma_wait3A_74 = tpu.memref_squeeze %dma_wait3A_73 : memref<1x128x128xf32, #tpu.memory_space<vmem>> -> memref<128x128xf32, #tpu.memory_space<vmem>>
        %dma_wait3A_75 = arith.constant 0 : i32
        %dma_wait3A_76 = tpu.memref_slice %arg7[%add3A_45, %dma_wait3A_75] : memref<40x128xi32, #tpu.memory_space<vmem>> -> memref<1x128xi32, #tpu.memory_space<vmem>>
        %dma_wait3A_77 = tpu.memref_squeeze %dma_wait3A_76 : memref<1x128xi32, #tpu.memory_space<vmem>> -> memref<128xi32, #tpu.memory_space<vmem>>
        %dma_wait3A_78 = arith.constant 0 : i32
        %dma_wait3A_79 = arith.constant 0 : i32
        %dma_wait3A_80 = tpu.memref_slice %arg2[%dma_wait3A_78, %dma_wait3A_79] : memref<160000x128xf32, #tpu.memory_space<hbm>> -> memref<160000x128xf32, #tpu.memory_space<hbm>>
        tpu.wait_indirect_dma semaphore(%arg11 : memref<!tpu.dma_semaphore, #tpu.memory_space<semaphore_mem>>) src(%dma_wait3A_80 : memref<160000x128xf32, #tpu.memory_space<hbm>>) dst(%dma_wait3A_74 : memref<128x128xf32, #tpu.memory_space<vmem>>)
        %add3A_81 = arith.constant 0 : i32
        %add3A_82 = arith.addi %mul3A_43, %add3A_81 : i32
        %run_scoped3A = arith.constant 0 : i32
        "tpu.region"() ({
          %run_scoped3A_97 = tpu.sem_alloc : memref<!tpu.dma_semaphore, #tpu.memory_space<semaphore_mem>>
          %dma_start3A_98 = arith.constant 0 : i32
          %dma_start3A_99 = arith.constant 0 : i32
          %dma_start3A_100 = tpu.memref_slice %arg9[%run_scoped3A, %dma_start3A_98, %dma_start3A_99] : memref<2x128x128xf32, #tpu.memory_space<vmem>> -> memref<1x128x128xf32, #tpu.memory_space<vmem>>
          %dma_start3A_101 = tpu.memref_squeeze %dma_start3A_100 : memref<1x128x128xf32, #tpu.memory_space<vmem>> -> memref<128x128xf32, #tpu.memory_space<vmem>>
          %dma_start3A_102 = arith.constant 0 : i32
          %dma_start3A_103 = tpu.memref_slice %arg8[%add3A_82, %dma_start3A_102] : memref<40x128xi32, #tpu.memory_space<vmem>> -> memref<1x128xi32, #tpu.memory_space<vmem>>
          %dma_start3A_104 = tpu.memref_squeeze %dma_start3A_103 : memref<1x128xi32, #tpu.memory_space<vmem>> -> memref<128xi32, #tpu.memory_space<vmem>>
          %dma_start3A_105 = arith.constant 0 : i32
          %dma_start3A_106 = arith.constant 0 : i32
          %dma_start3A_107 = tpu.memref_slice %arg10[%dma_start3A_105, %dma_start3A_106] : memref<10112x128xf32, #tpu.memory_space<vmem_shared>> -> memref<10112x128xf32, #tpu.memory_space<vmem_shared>>
          tpu.enqueue_indirect_dma source(%dma_start3A_101 : memref<128x128xf32, #tpu.memory_space<vmem>>) target(%dma_start3A_107 : memref<10112x128xf32, #tpu.memory_space<vmem_shared>>) offsets(%dma_start3A_104 : memref<128xi32, #tpu.memory_space<vmem>>) semaphore(%run_scoped3A_97 : memref<!tpu.dma_semaphore, #tpu.memory_space<semaphore_mem>>) {add = true}
          %dma_wait3A_108 = arith.constant 0 : i32
          %dma_wait3A_109 = arith.constant 0 : i32
          %dma_wait3A_110 = tpu.memref_slice %arg9[%run_scoped3A, %dma_wait3A_108, %dma_wait3A_109] : memref<2x128x128xf32, #tpu.memory_space<vmem>> -> memref<1x128x128xf32, #tpu.memory_space<vmem>>
          %dma_wait3A_111 = tpu.memref_squeeze %dma_wait3A_110 : memref<1x128x128xf32, #tpu.memory_space<vmem>> -> memref<128x128xf32, #tpu.memory_space<vmem>>
          %dma_wait3A_112 = arith.constant 0 : i32
          %dma_wait3A_113 = tpu.memref_slice %arg8[%add3A_82, %dma_wait3A_112] : memref<40x128xi32, #tpu.memory_space<vmem>> -> memref<1x128xi32, #tpu.memory_space<vmem>>
          %dma_wait3A_114 = tpu.memref_squeeze %dma_wait3A_113 : memref<1x128xi32, #tpu.memory_space<vmem>> -> memref<128xi32, #tpu.memory_space<vmem>>
          %dma_wait3A_115 = arith.constant 0 : i32
          %dma_wait3A_116 = arith.constant 0 : i32
          %dma_wait3A_117 = tpu.memref_slice %arg10[%dma_wait3A_115, %dma_wait3A_116] : memref<10112x128xf32, #tpu.memory_space<vmem_shared>> -> memref<10112x128xf32, #tpu.memory_space<vmem_shared>>
          tpu.wait_indirect_dma semaphore(%run_scoped3A_97 : memref<!tpu.dma_semaphore, #tpu.memory_space<semaphore_mem>>) src(%dma_wait3A_111 : memref<128x128xf32, #tpu.memory_space<vmem>>) dst(%dma_wait3A_117 : memref<10112x128xf32, #tpu.memory_space<vmem_shared>>)
          tpu.yield
        }) : () -> ()
        %dma_wait3A_83 = arith.constant 1 : i32
        %dma_wait3A_84 = arith.constant 0 : i32
        %dma_wait3A_85 = arith.constant 0 : i32
        %dma_wait3A_86 = tpu.memref_slice %arg9[%dma_wait3A_83, %dma_wait3A_84, %dma_wait3A_85] : memref<2x128x128xf32, #tpu.memory_space<vmem>> -> memref<1x128x128xf32, #tpu.memory_space<vmem>>
        %dma_wait3A_87 = tpu.memref_squeeze %dma_wait3A_86 : memref<1x128x128xf32, #tpu.memory_space<vmem>> -> memref<128x128xf32, #tpu.memory_space<vmem>>
        %dma_wait3A_88 = arith.constant 0 : i32
        %dma_wait3A_89 = tpu.memref_slice %arg7[%add3A_58, %dma_wait3A_88] : memref<40x128xi32, #tpu.memory_space<vmem>> -> memref<1x128xi32, #tpu.memory_space<vmem>>
        %dma_wait3A_90 = tpu.memref_squeeze %dma_wait3A_89 : memref<1x128xi32, #tpu.memory_space<vmem>> -> memref<128xi32, #tpu.memory_space<vmem>>
        %dma_wait3A_91 = arith.constant 0 : i32
        %dma_wait3A_92 = arith.constant 0 : i32
        %dma_wait3A_93 = tpu.memref_slice %arg2[%dma_wait3A_91, %dma_wait3A_92] : memref<160000x128xf32, #tpu.memory_space<hbm>> -> memref<160000x128xf32, #tpu.memory_space<hbm>>
        tpu.wait_indirect_dma semaphore(%arg12 : memref<!tpu.dma_semaphore, #tpu.memory_space<semaphore_mem>>) src(%dma_wait3A_93 : memref<160000x128xf32, #tpu.memory_space<hbm>>) dst(%dma_wait3A_87 : memref<128x128xf32, #tpu.memory_space<vmem>>)
        %add3A_94 = arith.constant 1 : i32
        %add3A_95 = arith.addi %mul3A_43, %add3A_94 : i32
        %run_scoped3A_96 = arith.constant 1 : i32
        "tpu.region"() ({
          %run_scoped3A_97 = tpu.sem_alloc : memref<!tpu.dma_semaphore, #tpu.memory_space<semaphore_mem>>
          %dma_start3A_98 = arith.constant 0 : i32
          %dma_start3A_99 = arith.constant 0 : i32
          %dma_start3A_100 = tpu.memref_slice %arg9[%run_scoped3A_96, %dma_start3A_98, %dma_start3A_99] : memref<2x128x128xf32, #tpu.memory_space<vmem>> -> memref<1x128x128xf32, #tpu.memory_space<vmem>>
          %dma_start3A_101 = tpu.memref_squeeze %dma_start3A_100 : memref<1x128x128xf32, #tpu.memory_space<vmem>> -> memref<128x128xf32, #tpu.memory_space<vmem>>
          %dma_start3A_102 = arith.constant 0 : i32
          %dma_start3A_103 = tpu.memref_slice %arg8[%add3A_95, %dma_start3A_102] : memref<40x128xi32, #tpu.memory_space<vmem>> -> memref<1x128xi32, #tpu.memory_space<vmem>>
          %dma_start3A_104 = tpu.memref_squeeze %dma_start3A_103 : memref<1x128xi32, #tpu.memory_space<vmem>> -> memref<128xi32, #tpu.memory_space<vmem>>
          %dma_start3A_105 = arith.constant 0 : i32
          %dma_start3A_106 = arith.constant 0 : i32
          %dma_start3A_107 = tpu.memref_slice %arg10[%dma_start3A_105, %dma_start3A_106] : memref<10112x128xf32, #tpu.memory_space<vmem_shared>> -> memref<10112x128xf32, #tpu.memory_space<vmem_shared>>
          tpu.enqueue_indirect_dma source(%dma_start3A_101 : memref<128x128xf32, #tpu.memory_space<vmem>>) target(%dma_start3A_107 : memref<10112x128xf32, #tpu.memory_space<vmem_shared>>) offsets(%dma_start3A_104 : memref<128xi32, #tpu.memory_space<vmem>>) semaphore(%run_scoped3A_97 : memref<!tpu.dma_semaphore, #tpu.memory_space<semaphore_mem>>) {add = true}
          %dma_wait3A_108 = arith.constant 0 : i32
          %dma_wait3A_109 = arith.constant 0 : i32
          %dma_wait3A_110 = tpu.memref_slice %arg9[%run_scoped3A_96, %dma_wait3A_108, %dma_wait3A_109] : memref<2x128x128xf32, #tpu.memory_space<vmem>> -> memref<1x128x128xf32, #tpu.memory_space<vmem>>
          %dma_wait3A_111 = tpu.memref_squeeze %dma_wait3A_110 : memref<1x128x128xf32, #tpu.memory_space<vmem>> -> memref<128x128xf32, #tpu.memory_space<vmem>>
          %dma_wait3A_112 = arith.constant 0 : i32
          %dma_wait3A_113 = tpu.memref_slice %arg8[%add3A_95, %dma_wait3A_112] : memref<40x128xi32, #tpu.memory_space<vmem>> -> memref<1x128xi32, #tpu.memory_space<vmem>>
          %dma_wait3A_114 = tpu.memref_squeeze %dma_wait3A_113 : memref<1x128xi32, #tpu.memory_space<vmem>> -> memref<128xi32, #tpu.memory_space<vmem>>
          %dma_wait3A_115 = arith.constant 0 : i32
          %dma_wait3A_116 = arith.constant 0 : i32
          %dma_wait3A_117 = tpu.memref_slice %arg10[%dma_wait3A_115, %dma_wait3A_116] : memref<10112x128xf32, #tpu.memory_space<vmem_shared>> -> memref<10112x128xf32, #tpu.memory_space<vmem_shared>>
          tpu.wait_indirect_dma semaphore(%run_scoped3A_97 : memref<!tpu.dma_semaphore, #tpu.memory_space<semaphore_mem>>) src(%dma_wait3A_111 : memref<128x128xf32, #tpu.memory_space<vmem>>) dst(%dma_wait3A_117 : memref<10112x128xf32, #tpu.memory_space<vmem_shared>>)
          tpu.yield
        }) : () -> ()
      }
      %scan3A_40 = arith.constant 20 : i32
    }
    %scan3A_7 = arith.constant 2 : i32
    %barrier3A_8 = arith.constant 0 : index
    tpu.barrier barrier_id(%barrier3A_8)
    "tpu.region"() ({
      %run_scoped3A = tpu.sem_alloc : memref<!tpu.dma_semaphore, #tpu.memory_space<semaphore_mem>>
      %dma_start3A = arith.constant 0 : i32
      %dma_start3A_9 = tpu.memref_slice %arg6[%arg0, %multiple_of3A, %dma_start3A] : memref<2x10112x128xf32, #tpu.memory_space<hbm>> -> memref<1x632x128xf32, #tpu.memory_space<hbm>>
      %dma_start3A_10 = tpu.memref_squeeze %dma_start3A_9 : memref<1x632x128xf32, #tpu.memory_space<hbm>> -> memref<632x128xf32, #tpu.memory_space<hbm>>
      %dma_start3A_11 = arith.constant 0 : i32
      %dma_start3A_12 = tpu.memref_slice %arg10[%multiple_of3A, %dma_start3A_11] : memref<10112x128xf32, #tpu.memory_space<vmem_shared>> -> memref<632x128xf32, #tpu.memory_space<vmem_shared>>
      tpu.enqueue_dma source(%dma_start3A_12 : memref<632x128xf32, #tpu.memory_space<vmem_shared>>) target(%dma_start3A_10 : memref<632x128xf32, #tpu.memory_space<hbm>>) target_semaphore(%run_scoped3A : memref<!tpu.dma_semaphore, #tpu.memory_space<semaphore_mem>>)
      %dma_wait3A = arith.constant 0 : i32
      %dma_wait3A_13 = tpu.memref_slice %arg6[%arg0, %multiple_of3A, %dma_wait3A] : memref<2x10112x128xf32, #tpu.memory_space<hbm>> -> memref<1x632x128xf32, #tpu.memory_space<hbm>>
      %dma_wait3A_14 = tpu.memref_squeeze %dma_wait3A_13 : memref<1x632x128xf32, #tpu.memory_space<hbm>> -> memref<632x128xf32, #tpu.memory_space<hbm>>
      %dma_wait3A_15 = arith.constant 0 : i32
      %dma_wait3A_16 = tpu.memref_slice %arg10[%multiple_of3A, %dma_wait3A_15] : memref<10112x128xf32, #tpu.memory_space<vmem_shared>> -> memref<632x128xf32, #tpu.memory_space<vmem_shared>>
      tpu.wait_dma2 semaphore(%run_scoped3A : memref<!tpu.dma_semaphore, #tpu.memory_space<semaphore_mem>>) src(%dma_wait3A_16 : memref<632x128xf32, #tpu.memory_space<vmem_shared>>) dst(%dma_wait3A_14 : memref<632x128xf32, #tpu.memory_space<hbm>>)
      tpu.yield
    }) : () -> ()
    return
  }
}

#map = affine_map<(d0, d1) -> (0, 0)>
#map1 = affine_map<(d0, d1) -> (0, 0, 0)>
module attributes {stable_mosaic.version = 14 : i64} {
  func.func @k(%arg0: i32, %arg1: i32, %arg2: memref<160000x128xf32, #tpu.memory_space<hbm>>, %arg3: memref<32x80x128xi32, #tpu.memory_space<hbm>>, %arg4: memref<32x80x128xi32, #tpu.memory_space<hbm>>, %arg5: memref<10112x128xf32, #tpu.memory_space<hbm>>, %arg6: memref<2x10112x128xf32, #tpu.memory_space<hbm>>, %arg7: memref<40x128xi32, #tpu.memory_space<vmem>>, %arg8: memref<40x128xi32, #tpu.memory_space<vmem>>, %arg9: memref<2x128x128xf32, #tpu.memory_space<vmem>>, %arg10: memref<10112x128xf32, #tpu.memory_space<vmem_shared>>, %arg11: memref<!tpu.dma_semaphore, #tpu.memory_space<semaphore_mem>>, %arg12: memref<!tpu.dma_semaphore, #tpu.memory_space<semaphore_mem>>, %arg13: memref<!tpu.dma_semaphore, #tpu.memory_space<semaphore_mem>>, %arg14: memref<!tpu.dma_semaphore, #tpu.memory_space<semaphore_mem>>, %arg15: memref<!tpu.dma_semaphore, #tpu.memory_space<semaphore_mem>>) attributes {dimension_semantics = [#tpu.dimension_semantics<core_parallel>, #tpu.dimension_semantics<subcore_parallel>], iteration_bounds = array<i64: 2, 16>, scalar_prefetch = 0 : i64, scratch_operands = 9 : i64, tpu.core_type = #tpu.core_type<sc_vector_subcore>, window_params = [{transform_indices = #map}, {transform_indices = #map1}, {transform_indices = #map1}, {transform_indices = #map}, {transform_indices = #map1}]} {
    %mul3A = arith.constant 2 : i32
    %mul3A_0 = arith.muli %arg1, %mul3A : i32
    %add3A = arith.addi %mul3A_0, %arg0 : i32
    %mul3A_1 = arith.constant 632 : i32
    %mul3A_2 = arith.muli %arg1, %mul3A_1 : i32
    %multiple_of3A = tpu.assume_multiple %mul3A_2, 8 : i32
    "tpu.region"() ({
      %run_scoped3A = tpu.sem_alloc : memref<!tpu.dma_semaphore, #tpu.memory_space<semaphore_mem>>
      %dma_start3A = arith.constant 0 : i32
      %dma_start3A_9 = tpu.memref_slice %arg10[%multiple_of3A, %dma_start3A] : memref<10112x128xf32, #tpu.memory_space<vmem_shared>> -> memref<632x128xf32, #tpu.memory_space<vmem_shared>>
      %dma_start3A_10 = arith.constant 0 : i32
      %dma_start3A_11 = tpu.memref_slice %arg5[%multiple_of3A, %dma_start3A_10] : memref<10112x128xf32, #tpu.memory_space<hbm>> -> memref<632x128xf32, #tpu.memory_space<hbm>>
      tpu.enqueue_dma source(%dma_start3A_11 : memref<632x128xf32, #tpu.memory_space<hbm>>) target(%dma_start3A_9 : memref<632x128xf32, #tpu.memory_space<vmem_shared>>) target_semaphore(%run_scoped3A : memref<!tpu.dma_semaphore, #tpu.memory_space<semaphore_mem>>)
      %dma_wait3A = arith.constant 0 : i32
      %dma_wait3A_12 = tpu.memref_slice %arg10[%multiple_of3A, %dma_wait3A] : memref<10112x128xf32, #tpu.memory_space<vmem_shared>> -> memref<632x128xf32, #tpu.memory_space<vmem_shared>>
      %dma_wait3A_13 = arith.constant 0 : i32
      %dma_wait3A_14 = tpu.memref_slice %arg5[%multiple_of3A, %dma_wait3A_13] : memref<10112x128xf32, #tpu.memory_space<hbm>> -> memref<632x128xf32, #tpu.memory_space<hbm>>
      tpu.wait_dma2 semaphore(%run_scoped3A : memref<!tpu.dma_semaphore, #tpu.memory_space<semaphore_mem>>) src(%dma_wait3A_14 : memref<632x128xf32, #tpu.memory_space<hbm>>) dst(%dma_wait3A_12 : memref<632x128xf32, #tpu.memory_space<vmem_shared>>)
      tpu.yield
    }) : () -> ()
    %barrier3A = arith.constant 0 : index
    tpu.barrier barrier_id(%barrier3A)
    %scan3A = arith.constant 0 : i32
    %scan3A_3 = arith.constant 0 : i32
    %scan3A_4 = arith.constant 2 : i32
    %scan3A_5 = arith.addi %scan3A_3, %scan3A_4 : i32
    %scan3A_6 = arith.constant 1 : i32
    scf.for %scan3A_9 = %scan3A_3 to %scan3A_5 step %scan3A_6  : i32 {
      %mul3A_10 = arith.constant 40 : i32
      %mul3A_11 = arith.muli %scan3A_9, %mul3A_10 : i32
      %multiple_of3A_12 = tpu.assume_multiple %mul3A_11, 8 : i32
      %dma_start3A = arith.constant 0 : i32
      %dma_start3A_13 = tpu.memref_slice %arg3[%add3A, %multiple_of3A_12, %dma_start3A] : memref<32x80x128xi32, #tpu.memory_space<hbm>> -> memref<1x40x128xi32, #tpu.memory_space<hbm>>
      %dma_start3A_14 = tpu.memref_squeeze %dma_start3A_13 : memref<1x40x128xi32, #tpu.memory_space<hbm>> -> memref<40x128xi32, #tpu.memory_space<hbm>>
      %dma_start3A_15 = arith.constant 0 : i32
      %dma_start3A_16 = tpu.memref_slice %arg3[%add3A, %multiple_of3A_12, %dma_start3A_15] : memref<32x80x128xi32, #tpu.memory_space<hbm>> -> memref<1x40x128xi32, #tpu.memory_space<hbm>>
      %dma_start3A_17 = tpu.memref_squeeze %dma_start3A_16 : memref<1x40x128xi32, #tpu.memory_space<hbm>> -> memref<40x128xi32, #tpu.memory_space<hbm>>
      tpu.enqueue_dma source(%dma_start3A_17 : memref<40x128xi32, #tpu.memory_space<hbm>>) target(%arg7 : memref<40x128xi32, #tpu.memory_space<vmem>>) target_semaphore(%arg15 : memref<!tpu.dma_semaphore, #tpu.memory_space<semaphore_mem>>)
      %dma_start3A_18 = arith.constant 0 : i32
      %dma_start3A_19 = tpu.memref_slice %arg4[%add3A, %multiple_of3A_12, %dma_start3A_18] : memref<32x80x128xi32, #tpu.memory_space<hbm>> -> memref<1x40x128xi32, #tpu.memory_space<hbm>>
      %dma_start3A_20 = tpu.memref_squeeze %dma_start3A_19 : memref<1x40x128xi32, #tpu.memory_space<hbm>> -> memref<40x128xi32, #tpu.memory_space<hbm>>
      %dma_start3A_21 = arith.constant 0 : i32
      %dma_start3A_22 = tpu.memref_slice %arg4[%add3A, %multiple_of3A_12, %dma_start3A_21] : memref<32x80x128xi32, #tpu.memory_space<hbm>> -> memref<1x40x128xi32, #tpu.memory_space<hbm>>
      %dma_start3A_23 = tpu.memref_squeeze %dma_start3A_22 : memref<1x40x128xi32, #tpu.memory_space<hbm>> -> memref<40x128xi32, #tpu.memory_space<hbm>>
      tpu.enqueue_dma source(%dma_start3A_23 : memref<40x128xi32, #tpu.memory_space<hbm>>) target(%arg8 : memref<40x128xi32, #tpu.memory_space<vmem>>) target_semaphore(%arg15 : memref<!tpu.dma_semaphore, #tpu.memory_space<semaphore_mem>>)
      %dma_wait3A = arith.constant 0 : i32
      %dma_wait3A_24 = tpu.memref_slice %arg3[%add3A, %multiple_of3A_12, %dma_wait3A] : memref<32x80x128xi32, #tpu.memory_space<hbm>> -> memref<1x40x128xi32, #tpu.memory_space<hbm>>
      %dma_wait3A_25 = tpu.memref_squeeze %dma_wait3A_24 : memref<1x40x128xi32, #tpu.memory_space<hbm>> -> memref<40x128xi32, #tpu.memory_space<hbm>>
      %dma_wait3A_26 = arith.constant 0 : i32
      %dma_wait3A_27 = tpu.memref_slice %arg3[%add3A, %multiple_of3A_12, %dma_wait3A_26] : memref<32x80x128xi32, #tpu.memory_space<hbm>> -> memref<1x40x128xi32, #tpu.memory_space<hbm>>
      %dma_wait3A_28 = tpu.memref_squeeze %dma_wait3A_27 : memref<1x40x128xi32, #tpu.memory_space<hbm>> -> memref<40x128xi32, #tpu.memory_space<hbm>>
      tpu.wait_dma2 semaphore(%arg15 : memref<!tpu.dma_semaphore, #tpu.memory_space<semaphore_mem>>) src(%dma_wait3A_28 : memref<40x128xi32, #tpu.memory_space<hbm>>) dst(%arg7 : memref<40x128xi32, #tpu.memory_space<vmem>>)
      %dma_wait3A_29 = arith.constant 0 : i32
      %dma_wait3A_30 = tpu.memref_slice %arg4[%add3A, %multiple_of3A_12, %dma_wait3A_29] : memref<32x80x128xi32, #tpu.memory_space<hbm>> -> memref<1x40x128xi32, #tpu.memory_space<hbm>>
      %dma_wait3A_31 = tpu.memref_squeeze %dma_wait3A_30 : memref<1x40x128xi32, #tpu.memory_space<hbm>> -> memref<40x128xi32, #tpu.memory_space<hbm>>
      %dma_wait3A_32 = arith.constant 0 : i32
      %dma_wait3A_33 = tpu.memref_slice %arg4[%add3A, %multiple_of3A_12, %dma_wait3A_32] : memref<32x80x128xi32, #tpu.memory_space<hbm>> -> memref<1x40x128xi32, #tpu.memory_space<hbm>>
      %dma_wait3A_34 = tpu.memref_squeeze %dma_wait3A_33 : memref<1x40x128xi32, #tpu.memory_space<hbm>> -> memref<40x128xi32, #tpu.memory_space<hbm>>
      tpu.wait_dma2 semaphore(%arg15 : memref<!tpu.dma_semaphore, #tpu.memory_space<semaphore_mem>>) src(%dma_wait3A_34 : memref<40x128xi32, #tpu.memory_space<hbm>>) dst(%arg8 : memref<40x128xi32, #tpu.memory_space<vmem>>)
      %scan3A_35 = arith.constant 0 : i32
      %scan3A_36 = arith.constant 0 : i32
      %scan3A_37 = arith.constant 20 : i32
      %scan3A_38 = arith.addi %scan3A_36, %scan3A_37 : i32
      %scan3A_39 = arith.constant 1 : i32
      scf.for %scan3A_41 = %scan3A_36 to %scan3A_38 step %scan3A_39  : i32 {
        %mul3A_42 = arith.constant 2 : i32
        %mul3A_43 = arith.muli %scan3A_41, %mul3A_42 : i32
        %add3A_44 = arith.constant 0 : i32
        %add3A_45 = arith.addi %mul3A_43, %add3A_44 : i32
        %dma_start3A_46 = arith.constant 0 : i32
        %dma_start3A_47 = arith.constant 0 : i32
        %dma_start3A_48 = arith.constant 0 : i32
        %dma_start3A_49 = tpu.memref_slice %arg9[%dma_start3A_46, %dma_start3A_47, %dma_start3A_48] : memref<2x128x128xf32, #tpu.memory_space<vmem>> -> memref<1x128x128xf32, #tpu.memory_space<vmem>>
        %dma_start3A_50 = tpu.memref_squeeze %dma_start3A_49 : memref<1x128x128xf32, #tpu.memory_space<vmem>> -> memref<128x128xf32, #tpu.memory_space<vmem>>
        %dma_start3A_51 = arith.constant 0 : i32
        %dma_start3A_52 = tpu.memref_slice %arg7[%add3A_45, %dma_start3A_51] : memref<40x128xi32, #tpu.memory_space<vmem>> -> memref<1x128xi32, #tpu.memory_space<vmem>>
        %dma_start3A_53 = tpu.memref_squeeze %dma_start3A_52 : memref<1x128xi32, #tpu.memory_space<vmem>> -> memref<128xi32, #tpu.memory_space<vmem>>
        %dma_start3A_54 = arith.constant 0 : i32
        %dma_start3A_55 = arith.constant 0 : i32
        %dma_start3A_56 = tpu.memref_slice %arg2[%dma_start3A_54, %dma_start3A_55] : memref<160000x128xf32, #tpu.memory_space<hbm>> -> memref<160000x128xf32, #tpu.memory_space<hbm>>
        tpu.enqueue_indirect_dma source(%dma_start3A_56 : memref<160000x128xf32, #tpu.memory_space<hbm>>) target(%dma_start3A_50 : memref<128x128xf32, #tpu.memory_space<vmem>>) offsets(%dma_start3A_53 : memref<128xi32, #tpu.memory_space<vmem>>) semaphore(%arg11 : memref<!tpu.dma_semaphore, #tpu.memory_space<semaphore_mem>>)
        %add3A_57 = arith.constant 1 : i32
        %add3A_58 = arith.addi %mul3A_43, %add3A_57 : i32
        %dma_start3A_59 = arith.constant 1 : i32
        %dma_start3A_60 = arith.constant 0 : i32
        %dma_start3A_61 = arith.constant 0 : i32
        %dma_start3A_62 = tpu.memref_slice %arg9[%dma_start3A_59, %dma_start3A_60, %dma_start3A_61] : memref<2x128x128xf32, #tpu.memory_space<vmem>> -> memref<1x128x128xf32, #tpu.memory_space<vmem>>
        %dma_start3A_63 = tpu.memref_squeeze %dma_start3A_62 : memref<1x128x128xf32, #tpu.memory_space<vmem>> -> memref<128x128xf32, #tpu.memory_space<vmem>>
        %dma_start3A_64 = arith.constant 0 : i32
        %dma_start3A_65 = tpu.memref_slice %arg7[%add3A_58, %dma_start3A_64] : memref<40x128xi32, #tpu.memory_space<vmem>> -> memref<1x128xi32, #tpu.memory_space<vmem>>
        %dma_start3A_66 = tpu.memref_squeeze %dma_start3A_65 : memref<1x128xi32, #tpu.memory_space<vmem>> -> memref<128xi32, #tpu.memory_space<vmem>>
        %dma_start3A_67 = arith.constant 0 : i32
        %dma_start3A_68 = arith.constant 0 : i32
        %dma_start3A_69 = tpu.memref_slice %arg2[%dma_start3A_67, %dma_start3A_68] : memref<160000x128xf32, #tpu.memory_space<hbm>> -> memref<160000x128xf32, #tpu.memory_space<hbm>>
        tpu.enqueue_indirect_dma source(%dma_start3A_69 : memref<160000x128xf32, #tpu.memory_space<hbm>>) target(%dma_start3A_63 : memref<128x128xf32, #tpu.memory_space<vmem>>) offsets(%dma_start3A_66 : memref<128xi32, #tpu.memory_space<vmem>>) semaphore(%arg12 : memref<!tpu.dma_semaphore, #tpu.memory_space<semaphore_mem>>)
        %dma_wait3A_70 = arith.constant 0 : i32
        %dma_wait3A_71 = arith.constant 0 : i32
        %dma_wait3A_72 = arith.constant 0 : i32
        %dma_wait3A_73 = tpu.memref_slice %arg9[%dma_wait3A_70, %dma_wait3A_71, %dma_wait3A_72] : memref<2x128x128xf32, #tpu.memory_space<vmem>> -> memref<1x128x128xf32, #tpu.memory_space<vmem>>
        %dma_wait3A_74 = tpu.memref_squeeze %dma_wait3A_73 : memref<1x128x128xf32, #tpu.memory_space<vmem>> -> memref<128x128xf32, #tpu.memory_space<vmem>>
        %dma_wait3A_75 = arith.constant 0 : i32
        %dma_wait3A_76 = tpu.memref_slice %arg7[%add3A_45, %dma_wait3A_75] : memref<40x128xi32, #tpu.memory_space<vmem>> -> memref<1x128xi32, #tpu.memory_space<vmem>>
        %dma_wait3A_77 = tpu.memref_squeeze %dma_wait3A_76 : memref<1x128xi32, #tpu.memory_space<vmem>> -> memref<128xi32, #tpu.memory_space<vmem>>
        %dma_wait3A_78 = arith.constant 0 : i32
        %dma_wait3A_79 = arith.constant 0 : i32
        %dma_wait3A_80 = tpu.memref_slice %arg2[%dma_wait3A_78, %dma_wait3A_79] : memref<160000x128xf32, #tpu.memory_space<hbm>> -> memref<160000x128xf32, #tpu.memory_space<hbm>>
        tpu.wait_indirect_dma semaphore(%arg11 : memref<!tpu.dma_semaphore, #tpu.memory_space<semaphore_mem>>) src(%dma_wait3A_80 : memref<160000x128xf32, #tpu.memory_space<hbm>>) dst(%dma_wait3A_74 : memref<128x128xf32, #tpu.memory_space<vmem>>)
        %add3A_81 = arith.constant 0 : i32
        %add3A_82 = arith.addi %mul3A_43, %add3A_81 : i32
        %run_scoped3A = arith.constant 0 : i32
        "tpu.region"() ({
          %run_scoped3A_97 = tpu.sem_alloc : memref<!tpu.dma_semaphore, #tpu.memory_space<semaphore_mem>>
          %dma_start3A_98 = arith.constant 0 : i32
          %dma_start3A_99 = arith.constant 0 : i32
          %dma_start3A_100 = tpu.memref_slice %arg9[%run_scoped3A, %dma_start3A_98, %dma_start3A_99] : memref<2x128x128xf32, #tpu.memory_space<vmem>> -> memref<1x128x128xf32, #tpu.memory_space<vmem>>
          %dma_start3A_101 = tpu.memref_squeeze %dma_start3A_100 : memref<1x128x128xf32, #tpu.memory_space<vmem>> -> memref<128x128xf32, #tpu.memory_space<vmem>>
          %dma_start3A_102 = arith.constant 0 : i32
          %dma_start3A_103 = tpu.memref_slice %arg8[%add3A_82, %dma_start3A_102] : memref<40x128xi32, #tpu.memory_space<vmem>> -> memref<1x128xi32, #tpu.memory_space<vmem>>
          %dma_start3A_104 = tpu.memref_squeeze %dma_start3A_103 : memref<1x128xi32, #tpu.memory_space<vmem>> -> memref<128xi32, #tpu.memory_space<vmem>>
          %dma_start3A_105 = arith.constant 0 : i32
          %dma_start3A_106 = arith.constant 0 : i32
          %dma_start3A_107 = tpu.memref_slice %arg10[%dma_start3A_105, %dma_start3A_106] : memref<10112x128xf32, #tpu.memory_space<vmem_shared>> -> memref<10112x128xf32, #tpu.memory_space<vmem_shared>>
          tpu.enqueue_indirect_dma source(%dma_start3A_101 : memref<128x128xf32, #tpu.memory_space<vmem>>) target(%dma_start3A_107 : memref<10112x128xf32, #tpu.memory_space<vmem_shared>>) offsets(%dma_start3A_104 : memref<128xi32, #tpu.memory_space<vmem>>) semaphore(%run_scoped3A_97 : memref<!tpu.dma_semaphore, #tpu.memory_space<semaphore_mem>>) {add = true}
          %dma_wait3A_108 = arith.constant 0 : i32
          %dma_wait3A_109 = arith.constant 0 : i32
          %dma_wait3A_110 = tpu.memref_slice %arg9[%run_scoped3A, %dma_wait3A_108, %dma_wait3A_109] : memref<2x128x128xf32, #tpu.memory_space<vmem>> -> memref<1x128x128xf32, #tpu.memory_space<vmem>>
          %dma_wait3A_111 = tpu.memref_squeeze %dma_wait3A_110 : memref<1x128x128xf32, #tpu.memory_space<vmem>> -> memref<128x128xf32, #tpu.memory_space<vmem>>
          %dma_wait3A_112 = arith.constant 0 : i32
          %dma_wait3A_113 = tpu.memref_slice %arg8[%add3A_82, %dma_wait3A_112] : memref<40x128xi32, #tpu.memory_space<vmem>> -> memref<1x128xi32, #tpu.memory_space<vmem>>
          %dma_wait3A_114 = tpu.memref_squeeze %dma_wait3A_113 : memref<1x128xi32, #tpu.memory_space<vmem>> -> memref<128xi32, #tpu.memory_space<vmem>>
          %dma_wait3A_115 = arith.constant 0 : i32
          %dma_wait3A_116 = arith.constant 0 : i32
          %dma_wait3A_117 = tpu.memref_slice %arg10[%dma_wait3A_115, %dma_wait3A_116] : memref<10112x128xf32, #tpu.memory_space<vmem_shared>> -> memref<10112x128xf32, #tpu.memory_space<vmem_shared>>
          tpu.wait_indirect_dma semaphore(%run_scoped3A_97 : memref<!tpu.dma_semaphore, #tpu.memory_space<semaphore_mem>>) src(%dma_wait3A_111 : memref<128x128xf32, #tpu.memory_space<vmem>>) dst(%dma_wait3A_117 : memref<10112x128xf32, #tpu.memory_space<vmem_shared>>)
          tpu.yield
        }) : () -> ()
        %dma_wait3A_83 = arith.constant 1 : i32
        %dma_wait3A_84 = arith.constant 0 : i32
        %dma_wait3A_85 = arith.constant 0 : i32
        %dma_wait3A_86 = tpu.memref_slice %arg9[%dma_wait3A_83, %dma_wait3A_84, %dma_wait3A_85] : memref<2x128x128xf32, #tpu.memory_space<vmem>> -> memref<1x128x128xf32, #tpu.memory_space<vmem>>
        %dma_wait3A_87 = tpu.memref_squeeze %dma_wait3A_86 : memref<1x128x128xf32, #tpu.memory_space<vmem>> -> memref<128x128xf32, #tpu.memory_space<vmem>>
        %dma_wait3A_88 = arith.constant 0 : i32
        %dma_wait3A_89 = tpu.memref_slice %arg7[%add3A_58, %dma_wait3A_88] : memref<40x128xi32, #tpu.memory_space<vmem>> -> memref<1x128xi32, #tpu.memory_space<vmem>>
        %dma_wait3A_90 = tpu.memref_squeeze %dma_wait3A_89 : memref<1x128xi32, #tpu.memory_space<vmem>> -> memref<128xi32, #tpu.memory_space<vmem>>
        %dma_wait3A_91 = arith.constant 0 : i32
        %dma_wait3A_92 = arith.constant 0 : i32
        %dma_wait3A_93 = tpu.memref_slice %arg2[%dma_wait3A_91, %dma_wait3A_92] : memref<160000x128xf32, #tpu.memory_space<hbm>> -> memref<160000x128xf32, #tpu.memory_space<hbm>>
        tpu.wait_indirect_dma semaphore(%arg12 : memref<!tpu.dma_semaphore, #tpu.memory_space<semaphore_mem>>) src(%dma_wait3A_93 : memref<160000x128xf32, #tpu.memory_space<hbm>>) dst(%dma_wait3A_87 : memref<128x128xf32, #tpu.memory_space<vmem>>)
        %add3A_94 = arith.constant 1 : i32
        %add3A_95 = arith.addi %mul3A_43, %add3A_94 : i32
        %run_scoped3A_96 = arith.constant 1 : i32
        "tpu.region"() ({
          %run_scoped3A_97 = tpu.sem_alloc : memref<!tpu.dma_semaphore, #tpu.memory_space<semaphore_mem>>
          %dma_start3A_98 = arith.constant 0 : i32
          %dma_start3A_99 = arith.constant 0 : i32
          %dma_start3A_100 = tpu.memref_slice %arg9[%run_scoped3A_96, %dma_start3A_98, %dma_start3A_99] : memref<2x128x128xf32, #tpu.memory_space<vmem>> -> memref<1x128x128xf32, #tpu.memory_space<vmem>>
          %dma_start3A_101 = tpu.memref_squeeze %dma_start3A_100 : memref<1x128x128xf32, #tpu.memory_space<vmem>> -> memref<128x128xf32, #tpu.memory_space<vmem>>
          %dma_start3A_102 = arith.constant 0 : i32
          %dma_start3A_103 = tpu.memref_slice %arg8[%add3A_95, %dma_start3A_102] : memref<40x128xi32, #tpu.memory_space<vmem>> -> memref<1x128xi32, #tpu.memory_space<vmem>>
          %dma_start3A_104 = tpu.memref_squeeze %dma_start3A_103 : memref<1x128xi32, #tpu.memory_space<vmem>> -> memref<128xi32, #tpu.memory_space<vmem>>
          %dma_start3A_105 = arith.constant 0 : i32
          %dma_start3A_106 = arith.constant 0 : i32
          %dma_start3A_107 = tpu.memref_slice %arg10[%dma_start3A_105, %dma_start3A_106] : memref<10112x128xf32, #tpu.memory_space<vmem_shared>> -> memref<10112x128xf32, #tpu.memory_space<vmem_shared>>
          tpu.enqueue_indirect_dma source(%dma_start3A_101 : memref<128x128xf32, #tpu.memory_space<vmem>>) target(%dma_start3A_107 : memref<10112x128xf32, #tpu.memory_space<vmem_shared>>) offsets(%dma_start3A_104 : memref<128xi32, #tpu.memory_space<vmem>>) semaphore(%run_scoped3A_97 : memref<!tpu.dma_semaphore, #tpu.memory_space<semaphore_mem>>) {add = true}
          %dma_wait3A_108 = arith.constant 0 : i32
          %dma_wait3A_109 = arith.constant 0 : i32
          %dma_wait3A_110 = tpu.memref_slice %arg9[%run_scoped3A_96, %dma_wait3A_108, %dma_wait3A_109] : memref<2x128x128xf32, #tpu.memory_space<vmem>> -> memref<1x128x128xf32, #tpu.memory_space<vmem>>
          %dma_wait3A_111 = tpu.memref_squeeze %dma_wait3A_110 : memref<1x128x128xf32, #tpu.memory_space<vmem>> -> memref<128x128xf32, #tpu.memory_space<vmem>>
          %dma_wait3A_112 = arith.constant 0 : i32
          %dma_wait3A_113 = tpu.memref_slice %arg8[%add3A_95, %dma_wait3A_112] : memref<40x128xi32, #tpu.memory_space<vmem>> -> memref<1x128xi32, #tpu.memory_space<vmem>>
          %dma_wait3A_114 = tpu.memref_squeeze %dma_wait3A_113 : memref<1x128xi32, #tpu.memory_space<vmem>> -> memref<128xi32, #tpu.memory_space<vmem>>
          %dma_wait3A_115 = arith.constant 0 : i32
          %dma_wait3A_116 = arith.constant 0 : i32
          %dma_wait3A_117 = tpu.memref_slice %arg10[%dma_wait3A_115, %dma_wait3A_116] : memref<10112x128xf32, #tpu.memory_space<vmem_shared>> -> memref<10112x128xf32, #tpu.memory_space<vmem_shared>>
          tpu.wait_indirect_dma semaphore(%run_scoped3A_97 : memref<!tpu.dma_semaphore, #tpu.memory_space<semaphore_mem>>) src(%dma_wait3A_111 : memref<128x128xf32, #tpu.memory_space<vmem>>) dst(%dma_wait3A_117 : memref<10112x128xf32, #tpu.memory_space<vmem_shared>>)
          tpu.yield
        }) : () -> ()
      }
      %scan3A_40 = arith.constant 20 : i32
    }
    %scan3A_7 = arith.constant 2 : i32
    %barrier3A_8 = arith.constant 0 : index
    tpu.barrier barrier_id(%barrier3A_8)
    "tpu.region"() ({
      %run_scoped3A = tpu.sem_alloc : memref<!tpu.dma_semaphore, #tpu.memory_space<semaphore_mem>>
      %dma_start3A = arith.constant 0 : i32
      %dma_start3A_9 = tpu.memref_slice %arg6[%arg0, %multiple_of3A, %dma_start3A] : memref<2x10112x128xf32, #tpu.memory_space<hbm>> -> memref<1x632x128xf32, #tpu.memory_space<hbm>>
      %dma_start3A_10 = tpu.memref_squeeze %dma_start3A_9 : memref<1x632x128xf32, #tpu.memory_space<hbm>> -> memref<632x128xf32, #tpu.memory_space<hbm>>
      %dma_start3A_11 = arith.constant 0 : i32
      %dma_start3A_12 = tpu.memref_slice %arg10[%multiple_of3A, %dma_start3A_11] : memref<10112x128xf32, #tpu.memory_space<vmem_shared>> -> memref<632x128xf32, #tpu.memory_space<vmem_shared>>
      tpu.enqueue_dma source(%dma_start3A_12 : memref<632x128xf32, #tpu.memory_space<vmem_shared>>) target(%dma_start3A_10 : memref<632x128xf32, #tpu.memory_space<hbm>>) target_semaphore(%run_scoped3A : memref<!tpu.dma_semaphore, #tpu.memory_space<semaphore_mem>>)
      %dma_wait3A = arith.constant 0 : i32
      %dma_wait3A_13 = tpu.memref_slice %arg6[%arg0, %multiple_of3A, %dma_wait3A] : memref<2x10112x128xf32, #tpu.memory_space<hbm>> -> memref<1x632x128xf32, #tpu.memory_space<hbm>>
      %dma_wait3A_14 = tpu.memref_squeeze %dma_wait3A_13 : memref<1x632x128xf32, #tpu.memory_space<hbm>> -> memref<632x128xf32, #tpu.memory_space<hbm>>
      %dma_wait3A_15 = arith.constant 0 : i32
      %dma_wait3A_16 = tpu.memref_slice %arg10[%multiple_of3A, %dma_wait3A_15] : memref<10112x128xf32, #tpu.memory_space<vmem_shared>> -> memref<632x128xf32, #tpu.memory_space<vmem_shared>>
      tpu.wait_dma2 semaphore(%run_scoped3A : memref<!tpu.dma_semaphore, #tpu.memory_space<semaphore_mem>>) src(%dma_wait3A_16 : memref<632x128xf32, #tpu.memory_space<vmem_shared>>) dst(%dma_wait3A_14 : memref<632x128xf32, #tpu.memory_space<hbm>>)
      tpu.yield
    }) : () -> ()
    return
  }
}

#map = affine_map<(d0, d1) -> (0, 0)>
#map1 = affine_map<(d0, d1) -> (0, 0, 0)>
module attributes {stable_mosaic.version = 14 : i64} {
  func.func @k(%arg0: i32, %arg1: i32, %arg2: memref<100000x128xf32, #tpu.memory_space<hbm>>, %arg3: memref<32x4x80xi32, #tpu.memory_space<hbm>>, %arg4: memref<10240x128xf32, #tpu.memory_space<hbm>>, %arg5: memref<4x80xi32, #tpu.memory_space<vmem>>, %arg6: memref<80x128xf32, #tpu.memory_space<vmem>>, %arg7: memref<!tpu.dma_semaphore, #tpu.memory_space<semaphore_mem>>) attributes {dimension_semantics = [#tpu.dimension_semantics<core_parallel>, #tpu.dimension_semantics<subcore_parallel>], iteration_bounds = array<i64: 2, 16>, scalar_prefetch = 0 : i64, scratch_operands = 3 : i64, tpu.core_type = #tpu.core_type<sc_vector_subcore>, window_params = [{transform_indices = #map}, {transform_indices = #map1}, {transform_indices = #map}]} {
    %mul3A = arith.constant 2 : i32
    %mul3A_0 = arith.muli %arg1, %mul3A : i32
    %add3A = arith.addi %mul3A_0, %arg0 : i32
    "tpu.region"() ({
      %run_scoped3A = tpu.sem_alloc : memref<!tpu.dma_semaphore, #tpu.memory_space<semaphore_mem>>
      %dma_start3A = arith.constant 0 : i32
      %dma_start3A_6 = arith.constant 0 : i32
      %dma_start3A_7 = tpu.memref_slice %arg3[%add3A, %dma_start3A, %dma_start3A_6] : memref<32x4x80xi32, #tpu.memory_space<hbm>> -> memref<1x4x80xi32, #tpu.memory_space<hbm>>
      %dma_start3A_8 = tpu.memref_squeeze %dma_start3A_7 : memref<1x4x80xi32, #tpu.memory_space<hbm>> -> memref<4x80xi32, #tpu.memory_space<hbm>>
      %dma_start3A_9 = arith.constant 0 : i32
      %dma_start3A_10 = arith.constant 0 : i32
      %dma_start3A_11 = tpu.memref_slice %arg3[%add3A, %dma_start3A_9, %dma_start3A_10] : memref<32x4x80xi32, #tpu.memory_space<hbm>> -> memref<1x4x80xi32, #tpu.memory_space<hbm>>
      %dma_start3A_12 = tpu.memref_squeeze %dma_start3A_11 : memref<1x4x80xi32, #tpu.memory_space<hbm>> -> memref<4x80xi32, #tpu.memory_space<hbm>>
      tpu.enqueue_dma source(%dma_start3A_12 : memref<4x80xi32, #tpu.memory_space<hbm>>) target(%arg5 : memref<4x80xi32, #tpu.memory_space<vmem>>) target_semaphore(%run_scoped3A : memref<!tpu.dma_semaphore, #tpu.memory_space<semaphore_mem>>)
      %dma_wait3A = arith.constant 0 : i32
      %dma_wait3A_13 = arith.constant 0 : i32
      %dma_wait3A_14 = tpu.memref_slice %arg3[%add3A, %dma_wait3A, %dma_wait3A_13] : memref<32x4x80xi32, #tpu.memory_space<hbm>> -> memref<1x4x80xi32, #tpu.memory_space<hbm>>
      %dma_wait3A_15 = tpu.memref_squeeze %dma_wait3A_14 : memref<1x4x80xi32, #tpu.memory_space<hbm>> -> memref<4x80xi32, #tpu.memory_space<hbm>>
      %dma_wait3A_16 = arith.constant 0 : i32
      %dma_wait3A_17 = arith.constant 0 : i32
      %dma_wait3A_18 = tpu.memref_slice %arg3[%add3A, %dma_wait3A_16, %dma_wait3A_17] : memref<32x4x80xi32, #tpu.memory_space<hbm>> -> memref<1x4x80xi32, #tpu.memory_space<hbm>>
      %dma_wait3A_19 = tpu.memref_squeeze %dma_wait3A_18 : memref<1x4x80xi32, #tpu.memory_space<hbm>> -> memref<4x80xi32, #tpu.memory_space<hbm>>
      tpu.wait_dma2 semaphore(%run_scoped3A : memref<!tpu.dma_semaphore, #tpu.memory_space<semaphore_mem>>) src(%dma_wait3A_19 : memref<4x80xi32, #tpu.memory_space<hbm>>) dst(%arg5 : memref<4x80xi32, #tpu.memory_space<vmem>>)
      tpu.yield
    }) : () -> ()
    %scan3A = arith.constant 0 : i32
    %scan3A_1 = arith.constant 0 : i32
    %scan3A_2 = arith.constant 4 : i32
    %scan3A_3 = arith.addi %scan3A_1, %scan3A_2 : i32
    %scan3A_4 = arith.constant 1 : i32
    scf.for %scan3A_6 = %scan3A_1 to %scan3A_3 step %scan3A_4  : i32 {
      %mul3A_7 = arith.constant 320 : i32
      %mul3A_8 = arith.muli %add3A, %mul3A_7 : i32
      %mul3A_9 = arith.constant 80 : i32
      %mul3A_10 = arith.muli %scan3A_6, %mul3A_9 : i32
      %add3A_11 = arith.addi %mul3A_8, %mul3A_10 : i32
      %multiple_of3A = tpu.assume_multiple %add3A_11, 8 : i32
      %dma_start3A = arith.constant 0 : i32
      %dma_start3A_12 = tpu.memref_slice %arg5[%scan3A_6, %dma_start3A] : memref<4x80xi32, #tpu.memory_space<vmem>> -> memref<1x80xi32, #tpu.memory_space<vmem>>
      %dma_start3A_13 = tpu.memref_squeeze %dma_start3A_12 : memref<1x80xi32, #tpu.memory_space<vmem>> -> memref<80xi32, #tpu.memory_space<vmem>>
      %dma_start3A_14 = arith.constant 0 : i32
      %dma_start3A_15 = arith.constant 0 : i32
      %dma_start3A_16 = tpu.memref_slice %arg2[%dma_start3A_14, %dma_start3A_15] : memref<100000x128xf32, #tpu.memory_space<hbm>> -> memref<100000x128xf32, #tpu.memory_space<hbm>>
      tpu.enqueue_indirect_dma source(%dma_start3A_16 : memref<100000x128xf32, #tpu.memory_space<hbm>>) target(%arg6 : memref<80x128xf32, #tpu.memory_space<vmem>>) offsets(%dma_start3A_13 : memref<80xi32, #tpu.memory_space<vmem>>) semaphore(%arg7 : memref<!tpu.dma_semaphore, #tpu.memory_space<semaphore_mem>>)
      %dma_wait3A = arith.constant 0 : i32
      %dma_wait3A_17 = tpu.memref_slice %arg5[%scan3A_6, %dma_wait3A] : memref<4x80xi32, #tpu.memory_space<vmem>> -> memref<1x80xi32, #tpu.memory_space<vmem>>
      %dma_wait3A_18 = tpu.memref_squeeze %dma_wait3A_17 : memref<1x80xi32, #tpu.memory_space<vmem>> -> memref<80xi32, #tpu.memory_space<vmem>>
      %dma_wait3A_19 = arith.constant 0 : i32
      %dma_wait3A_20 = arith.constant 0 : i32
      %dma_wait3A_21 = tpu.memref_slice %arg2[%dma_wait3A_19, %dma_wait3A_20] : memref<100000x128xf32, #tpu.memory_space<hbm>> -> memref<100000x128xf32, #tpu.memory_space<hbm>>
      tpu.wait_indirect_dma semaphore(%arg7 : memref<!tpu.dma_semaphore, #tpu.memory_space<semaphore_mem>>) src(%dma_wait3A_21 : memref<100000x128xf32, #tpu.memory_space<hbm>>) dst(%arg6 : memref<80x128xf32, #tpu.memory_space<vmem>>)
      "tpu.region"() ({
        %run_scoped3A = tpu.sem_alloc : memref<!tpu.dma_semaphore, #tpu.memory_space<semaphore_mem>>
        %dma_start3A_22 = arith.constant 0 : i32
        %dma_start3A_23 = tpu.memref_slice %arg4[%multiple_of3A, %dma_start3A_22] : memref<10240x128xf32, #tpu.memory_space<hbm>> -> memref<80x128xf32, #tpu.memory_space<hbm>>
        %dma_start3A_24 = arith.constant 0 : i32
        %dma_start3A_25 = tpu.memref_slice %arg4[%multiple_of3A, %dma_start3A_24] : memref<10240x128xf32, #tpu.memory_space<hbm>> -> memref<80x128xf32, #tpu.memory_space<hbm>>
        tpu.enqueue_dma source(%arg6 : memref<80x128xf32, #tpu.memory_space<vmem>>) target(%dma_start3A_25 : memref<80x128xf32, #tpu.memory_space<hbm>>) target_semaphore(%run_scoped3A : memref<!tpu.dma_semaphore, #tpu.memory_space<semaphore_mem>>)
        %dma_wait3A_26 = arith.constant 0 : i32
        %dma_wait3A_27 = tpu.memref_slice %arg4[%multiple_of3A, %dma_wait3A_26] : memref<10240x128xf32, #tpu.memory_space<hbm>> -> memref<80x128xf32, #tpu.memory_space<hbm>>
        %dma_wait3A_28 = arith.constant 0 : i32
        %dma_wait3A_29 = tpu.memref_slice %arg4[%multiple_of3A, %dma_wait3A_28] : memref<10240x128xf32, #tpu.memory_space<hbm>> -> memref<80x128xf32, #tpu.memory_space<hbm>>
        tpu.wait_dma2 semaphore(%run_scoped3A : memref<!tpu.dma_semaphore, #tpu.memory_space<semaphore_mem>>) src(%arg6 : memref<80x128xf32, #tpu.memory_space<vmem>>) dst(%dma_wait3A_29 : memref<80x128xf32, #tpu.memory_space<hbm>>)
        tpu.yield
      }) : () -> ()
    }
    %scan3A_5 = arith.constant 4 : i32
    return
  }
}

#map = affine_map<(d0, d1) -> (0, 0)>
#map1 = affine_map<(d0, d1) -> (0, 0, 0)>
module attributes {stable_mosaic.version = 14 : i64} {
  func.func @k(%arg0: i32, %arg1: i32, %arg2: memref<160000x128xf32, #tpu.memory_space<hbm>>, %arg3: memref<32x80x128xi32, #tpu.memory_space<hbm>>, %arg4: memref<32x80x128xi32, #tpu.memory_space<hbm>>, %arg5: memref<10112x128xf32, #tpu.memory_space<hbm>>, %arg6: memref<2x10112x128xf32, #tpu.memory_space<hbm>>, %arg7: memref<40x128xi32, #tpu.memory_space<vmem>>, %arg8: memref<40x128xi32, #tpu.memory_space<vmem>>, %arg9: memref<2x128x128xf32, #tpu.memory_space<vmem>>, %arg10: memref<10112x128xf32, #tpu.memory_space<vmem_shared>>, %arg11: memref<!tpu.dma_semaphore, #tpu.memory_space<semaphore_mem>>, %arg12: memref<!tpu.dma_semaphore, #tpu.memory_space<semaphore_mem>>, %arg13: memref<!tpu.dma_semaphore, #tpu.memory_space<semaphore_mem>>, %arg14: memref<!tpu.dma_semaphore, #tpu.memory_space<semaphore_mem>>, %arg15: memref<!tpu.dma_semaphore, #tpu.memory_space<semaphore_mem>>) attributes {dimension_semantics = [#tpu.dimension_semantics<core_parallel>, #tpu.dimension_semantics<subcore_parallel>], iteration_bounds = array<i64: 2, 16>, scalar_prefetch = 0 : i64, scratch_operands = 9 : i64, tpu.core_type = #tpu.core_type<sc_vector_subcore>, window_params = [{transform_indices = #map}, {transform_indices = #map1}, {transform_indices = #map1}, {transform_indices = #map}, {transform_indices = #map1}]} {
    %mul3A = arith.constant 2 : i32
    %mul3A_0 = arith.muli %arg1, %mul3A : i32
    %add3A = arith.addi %mul3A_0, %arg0 : i32
    %mul3A_1 = arith.constant 632 : i32
    %mul3A_2 = arith.muli %arg1, %mul3A_1 : i32
    %multiple_of3A = tpu.assume_multiple %mul3A_2, 8 : i32
    "tpu.region"() ({
      %run_scoped3A = tpu.sem_alloc : memref<!tpu.dma_semaphore, #tpu.memory_space<semaphore_mem>>
      %dma_start3A = arith.constant 0 : i32
      %dma_start3A_9 = tpu.memref_slice %arg10[%multiple_of3A, %dma_start3A] : memref<10112x128xf32, #tpu.memory_space<vmem_shared>> -> memref<632x128xf32, #tpu.memory_space<vmem_shared>>
      %dma_start3A_10 = arith.constant 0 : i32
      %dma_start3A_11 = tpu.memref_slice %arg5[%multiple_of3A, %dma_start3A_10] : memref<10112x128xf32, #tpu.memory_space<hbm>> -> memref<632x128xf32, #tpu.memory_space<hbm>>
      tpu.enqueue_dma source(%dma_start3A_11 : memref<632x128xf32, #tpu.memory_space<hbm>>) target(%dma_start3A_9 : memref<632x128xf32, #tpu.memory_space<vmem_shared>>) target_semaphore(%run_scoped3A : memref<!tpu.dma_semaphore, #tpu.memory_space<semaphore_mem>>)
      %dma_wait3A = arith.constant 0 : i32
      %dma_wait3A_12 = tpu.memref_slice %arg10[%multiple_of3A, %dma_wait3A] : memref<10112x128xf32, #tpu.memory_space<vmem_shared>> -> memref<632x128xf32, #tpu.memory_space<vmem_shared>>
      %dma_wait3A_13 = arith.constant 0 : i32
      %dma_wait3A_14 = tpu.memref_slice %arg5[%multiple_of3A, %dma_wait3A_13] : memref<10112x128xf32, #tpu.memory_space<hbm>> -> memref<632x128xf32, #tpu.memory_space<hbm>>
      tpu.wait_dma2 semaphore(%run_scoped3A : memref<!tpu.dma_semaphore, #tpu.memory_space<semaphore_mem>>) src(%dma_wait3A_14 : memref<632x128xf32, #tpu.memory_space<hbm>>) dst(%dma_wait3A_12 : memref<632x128xf32, #tpu.memory_space<vmem_shared>>)
      tpu.yield
    }) : () -> ()
    %barrier3A = arith.constant 0 : index
    tpu.barrier barrier_id(%barrier3A)
    %scan3A = arith.constant 0 : i32
    %scan3A_3 = arith.constant 0 : i32
    %scan3A_4 = arith.constant 2 : i32
    %scan3A_5 = arith.addi %scan3A_3, %scan3A_4 : i32
    %scan3A_6 = arith.constant 1 : i32
    scf.for %scan3A_9 = %scan3A_3 to %scan3A_5 step %scan3A_6  : i32 {
      %mul3A_10 = arith.constant 40 : i32
      %mul3A_11 = arith.muli %scan3A_9, %mul3A_10 : i32
      %multiple_of3A_12 = tpu.assume_multiple %mul3A_11, 8 : i32
      %dma_start3A = arith.constant 0 : i32
      %dma_start3A_13 = tpu.memref_slice %arg3[%add3A, %multiple_of3A_12, %dma_start3A] : memref<32x80x128xi32, #tpu.memory_space<hbm>> -> memref<1x40x128xi32, #tpu.memory_space<hbm>>
      %dma_start3A_14 = tpu.memref_squeeze %dma_start3A_13 : memref<1x40x128xi32, #tpu.memory_space<hbm>> -> memref<40x128xi32, #tpu.memory_space<hbm>>
      %dma_start3A_15 = arith.constant 0 : i32
      %dma_start3A_16 = tpu.memref_slice %arg3[%add3A, %multiple_of3A_12, %dma_start3A_15] : memref<32x80x128xi32, #tpu.memory_space<hbm>> -> memref<1x40x128xi32, #tpu.memory_space<hbm>>
      %dma_start3A_17 = tpu.memref_squeeze %dma_start3A_16 : memref<1x40x128xi32, #tpu.memory_space<hbm>> -> memref<40x128xi32, #tpu.memory_space<hbm>>
      tpu.enqueue_dma source(%dma_start3A_17 : memref<40x128xi32, #tpu.memory_space<hbm>>) target(%arg7 : memref<40x128xi32, #tpu.memory_space<vmem>>) target_semaphore(%arg15 : memref<!tpu.dma_semaphore, #tpu.memory_space<semaphore_mem>>)
      %dma_start3A_18 = arith.constant 0 : i32
      %dma_start3A_19 = tpu.memref_slice %arg4[%add3A, %multiple_of3A_12, %dma_start3A_18] : memref<32x80x128xi32, #tpu.memory_space<hbm>> -> memref<1x40x128xi32, #tpu.memory_space<hbm>>
      %dma_start3A_20 = tpu.memref_squeeze %dma_start3A_19 : memref<1x40x128xi32, #tpu.memory_space<hbm>> -> memref<40x128xi32, #tpu.memory_space<hbm>>
      %dma_start3A_21 = arith.constant 0 : i32
      %dma_start3A_22 = tpu.memref_slice %arg4[%add3A, %multiple_of3A_12, %dma_start3A_21] : memref<32x80x128xi32, #tpu.memory_space<hbm>> -> memref<1x40x128xi32, #tpu.memory_space<hbm>>
      %dma_start3A_23 = tpu.memref_squeeze %dma_start3A_22 : memref<1x40x128xi32, #tpu.memory_space<hbm>> -> memref<40x128xi32, #tpu.memory_space<hbm>>
      tpu.enqueue_dma source(%dma_start3A_23 : memref<40x128xi32, #tpu.memory_space<hbm>>) target(%arg8 : memref<40x128xi32, #tpu.memory_space<vmem>>) target_semaphore(%arg15 : memref<!tpu.dma_semaphore, #tpu.memory_space<semaphore_mem>>)
      %dma_wait3A = arith.constant 0 : i32
      %dma_wait3A_24 = tpu.memref_slice %arg3[%add3A, %multiple_of3A_12, %dma_wait3A] : memref<32x80x128xi32, #tpu.memory_space<hbm>> -> memref<1x40x128xi32, #tpu.memory_space<hbm>>
      %dma_wait3A_25 = tpu.memref_squeeze %dma_wait3A_24 : memref<1x40x128xi32, #tpu.memory_space<hbm>> -> memref<40x128xi32, #tpu.memory_space<hbm>>
      %dma_wait3A_26 = arith.constant 0 : i32
      %dma_wait3A_27 = tpu.memref_slice %arg3[%add3A, %multiple_of3A_12, %dma_wait3A_26] : memref<32x80x128xi32, #tpu.memory_space<hbm>> -> memref<1x40x128xi32, #tpu.memory_space<hbm>>
      %dma_wait3A_28 = tpu.memref_squeeze %dma_wait3A_27 : memref<1x40x128xi32, #tpu.memory_space<hbm>> -> memref<40x128xi32, #tpu.memory_space<hbm>>
      tpu.wait_dma2 semaphore(%arg15 : memref<!tpu.dma_semaphore, #tpu.memory_space<semaphore_mem>>) src(%dma_wait3A_28 : memref<40x128xi32, #tpu.memory_space<hbm>>) dst(%arg7 : memref<40x128xi32, #tpu.memory_space<vmem>>)
      %dma_wait3A_29 = arith.constant 0 : i32
      %dma_wait3A_30 = tpu.memref_slice %arg4[%add3A, %multiple_of3A_12, %dma_wait3A_29] : memref<32x80x128xi32, #tpu.memory_space<hbm>> -> memref<1x40x128xi32, #tpu.memory_space<hbm>>
      %dma_wait3A_31 = tpu.memref_squeeze %dma_wait3A_30 : memref<1x40x128xi32, #tpu.memory_space<hbm>> -> memref<40x128xi32, #tpu.memory_space<hbm>>
      %dma_wait3A_32 = arith.constant 0 : i32
      %dma_wait3A_33 = tpu.memref_slice %arg4[%add3A, %multiple_of3A_12, %dma_wait3A_32] : memref<32x80x128xi32, #tpu.memory_space<hbm>> -> memref<1x40x128xi32, #tpu.memory_space<hbm>>
      %dma_wait3A_34 = tpu.memref_squeeze %dma_wait3A_33 : memref<1x40x128xi32, #tpu.memory_space<hbm>> -> memref<40x128xi32, #tpu.memory_space<hbm>>
      tpu.wait_dma2 semaphore(%arg15 : memref<!tpu.dma_semaphore, #tpu.memory_space<semaphore_mem>>) src(%dma_wait3A_34 : memref<40x128xi32, #tpu.memory_space<hbm>>) dst(%arg8 : memref<40x128xi32, #tpu.memory_space<vmem>>)
      %scan3A_35 = arith.constant 0 : i32
      %scan3A_36 = arith.constant 0 : i32
      %scan3A_37 = arith.constant 20 : i32
      %scan3A_38 = arith.addi %scan3A_36, %scan3A_37 : i32
      %scan3A_39 = arith.constant 1 : i32
      scf.for %scan3A_41 = %scan3A_36 to %scan3A_38 step %scan3A_39  : i32 {
        %mul3A_42 = arith.constant 2 : i32
        %mul3A_43 = arith.muli %scan3A_41, %mul3A_42 : i32
        %add3A_44 = arith.constant 0 : i32
        %add3A_45 = arith.addi %mul3A_43, %add3A_44 : i32
        %dma_start3A_46 = arith.constant 0 : i32
        %dma_start3A_47 = arith.constant 0 : i32
        %dma_start3A_48 = arith.constant 0 : i32
        %dma_start3A_49 = tpu.memref_slice %arg9[%dma_start3A_46, %dma_start3A_47, %dma_start3A_48] : memref<2x128x128xf32, #tpu.memory_space<vmem>> -> memref<1x128x128xf32, #tpu.memory_space<vmem>>
        %dma_start3A_50 = tpu.memref_squeeze %dma_start3A_49 : memref<1x128x128xf32, #tpu.memory_space<vmem>> -> memref<128x128xf32, #tpu.memory_space<vmem>>
        %dma_start3A_51 = arith.constant 0 : i32
        %dma_start3A_52 = tpu.memref_slice %arg7[%add3A_45, %dma_start3A_51] : memref<40x128xi32, #tpu.memory_space<vmem>> -> memref<1x128xi32, #tpu.memory_space<vmem>>
        %dma_start3A_53 = tpu.memref_squeeze %dma_start3A_52 : memref<1x128xi32, #tpu.memory_space<vmem>> -> memref<128xi32, #tpu.memory_space<vmem>>
        %dma_start3A_54 = arith.constant 0 : i32
        %dma_start3A_55 = arith.constant 0 : i32
        %dma_start3A_56 = tpu.memref_slice %arg2[%dma_start3A_54, %dma_start3A_55] : memref<160000x128xf32, #tpu.memory_space<hbm>> -> memref<160000x128xf32, #tpu.memory_space<hbm>>
        tpu.enqueue_indirect_dma source(%dma_start3A_56 : memref<160000x128xf32, #tpu.memory_space<hbm>>) target(%dma_start3A_50 : memref<128x128xf32, #tpu.memory_space<vmem>>) offsets(%dma_start3A_53 : memref<128xi32, #tpu.memory_space<vmem>>) semaphore(%arg11 : memref<!tpu.dma_semaphore, #tpu.memory_space<semaphore_mem>>)
        %add3A_57 = arith.constant 1 : i32
        %add3A_58 = arith.addi %mul3A_43, %add3A_57 : i32
        %dma_start3A_59 = arith.constant 1 : i32
        %dma_start3A_60 = arith.constant 0 : i32
        %dma_start3A_61 = arith.constant 0 : i32
        %dma_start3A_62 = tpu.memref_slice %arg9[%dma_start3A_59, %dma_start3A_60, %dma_start3A_61] : memref<2x128x128xf32, #tpu.memory_space<vmem>> -> memref<1x128x128xf32, #tpu.memory_space<vmem>>
        %dma_start3A_63 = tpu.memref_squeeze %dma_start3A_62 : memref<1x128x128xf32, #tpu.memory_space<vmem>> -> memref<128x128xf32, #tpu.memory_space<vmem>>
        %dma_start3A_64 = arith.constant 0 : i32
        %dma_start3A_65 = tpu.memref_slice %arg7[%add3A_58, %dma_start3A_64] : memref<40x128xi32, #tpu.memory_space<vmem>> -> memref<1x128xi32, #tpu.memory_space<vmem>>
        %dma_start3A_66 = tpu.memref_squeeze %dma_start3A_65 : memref<1x128xi32, #tpu.memory_space<vmem>> -> memref<128xi32, #tpu.memory_space<vmem>>
        %dma_start3A_67 = arith.constant 0 : i32
        %dma_start3A_68 = arith.constant 0 : i32
        %dma_start3A_69 = tpu.memref_slice %arg2[%dma_start3A_67, %dma_start3A_68] : memref<160000x128xf32, #tpu.memory_space<hbm>> -> memref<160000x128xf32, #tpu.memory_space<hbm>>
        tpu.enqueue_indirect_dma source(%dma_start3A_69 : memref<160000x128xf32, #tpu.memory_space<hbm>>) target(%dma_start3A_63 : memref<128x128xf32, #tpu.memory_space<vmem>>) offsets(%dma_start3A_66 : memref<128xi32, #tpu.memory_space<vmem>>) semaphore(%arg12 : memref<!tpu.dma_semaphore, #tpu.memory_space<semaphore_mem>>)
        %dma_wait3A_70 = arith.constant 0 : i32
        %dma_wait3A_71 = arith.constant 0 : i32
        %dma_wait3A_72 = arith.constant 0 : i32
        %dma_wait3A_73 = tpu.memref_slice %arg9[%dma_wait3A_70, %dma_wait3A_71, %dma_wait3A_72] : memref<2x128x128xf32, #tpu.memory_space<vmem>> -> memref<1x128x128xf32, #tpu.memory_space<vmem>>
        %dma_wait3A_74 = tpu.memref_squeeze %dma_wait3A_73 : memref<1x128x128xf32, #tpu.memory_space<vmem>> -> memref<128x128xf32, #tpu.memory_space<vmem>>
        %dma_wait3A_75 = arith.constant 0 : i32
        %dma_wait3A_76 = tpu.memref_slice %arg7[%add3A_45, %dma_wait3A_75] : memref<40x128xi32, #tpu.memory_space<vmem>> -> memref<1x128xi32, #tpu.memory_space<vmem>>
        %dma_wait3A_77 = tpu.memref_squeeze %dma_wait3A_76 : memref<1x128xi32, #tpu.memory_space<vmem>> -> memref<128xi32, #tpu.memory_space<vmem>>
        %dma_wait3A_78 = arith.constant 0 : i32
        %dma_wait3A_79 = arith.constant 0 : i32
        %dma_wait3A_80 = tpu.memref_slice %arg2[%dma_wait3A_78, %dma_wait3A_79] : memref<160000x128xf32, #tpu.memory_space<hbm>> -> memref<160000x128xf32, #tpu.memory_space<hbm>>
        tpu.wait_indirect_dma semaphore(%arg11 : memref<!tpu.dma_semaphore, #tpu.memory_space<semaphore_mem>>) src(%dma_wait3A_80 : memref<160000x128xf32, #tpu.memory_space<hbm>>) dst(%dma_wait3A_74 : memref<128x128xf32, #tpu.memory_space<vmem>>)
        %add3A_81 = arith.constant 0 : i32
        %add3A_82 = arith.addi %mul3A_43, %add3A_81 : i32
        %run_scoped3A = arith.constant 0 : i32
        "tpu.region"() ({
          %run_scoped3A_97 = tpu.sem_alloc : memref<!tpu.dma_semaphore, #tpu.memory_space<semaphore_mem>>
          %dma_start3A_98 = arith.constant 0 : i32
          %dma_start3A_99 = arith.constant 0 : i32
          %dma_start3A_100 = tpu.memref_slice %arg9[%run_scoped3A, %dma_start3A_98, %dma_start3A_99] : memref<2x128x128xf32, #tpu.memory_space<vmem>> -> memref<1x128x128xf32, #tpu.memory_space<vmem>>
          %dma_start3A_101 = tpu.memref_squeeze %dma_start3A_100 : memref<1x128x128xf32, #tpu.memory_space<vmem>> -> memref<128x128xf32, #tpu.memory_space<vmem>>
          %dma_start3A_102 = arith.constant 0 : i32
          %dma_start3A_103 = tpu.memref_slice %arg8[%add3A_82, %dma_start3A_102] : memref<40x128xi32, #tpu.memory_space<vmem>> -> memref<1x128xi32, #tpu.memory_space<vmem>>
          %dma_start3A_104 = tpu.memref_squeeze %dma_start3A_103 : memref<1x128xi32, #tpu.memory_space<vmem>> -> memref<128xi32, #tpu.memory_space<vmem>>
          %dma_start3A_105 = arith.constant 0 : i32
          %dma_start3A_106 = arith.constant 0 : i32
          %dma_start3A_107 = tpu.memref_slice %arg10[%dma_start3A_105, %dma_start3A_106] : memref<10112x128xf32, #tpu.memory_space<vmem_shared>> -> memref<10112x128xf32, #tpu.memory_space<vmem_shared>>
          tpu.enqueue_indirect_dma source(%dma_start3A_101 : memref<128x128xf32, #tpu.memory_space<vmem>>) target(%dma_start3A_107 : memref<10112x128xf32, #tpu.memory_space<vmem_shared>>) offsets(%dma_start3A_104 : memref<128xi32, #tpu.memory_space<vmem>>) semaphore(%run_scoped3A_97 : memref<!tpu.dma_semaphore, #tpu.memory_space<semaphore_mem>>) {add = true}
          %dma_wait3A_108 = arith.constant 0 : i32
          %dma_wait3A_109 = arith.constant 0 : i32
          %dma_wait3A_110 = tpu.memref_slice %arg9[%run_scoped3A, %dma_wait3A_108, %dma_wait3A_109] : memref<2x128x128xf32, #tpu.memory_space<vmem>> -> memref<1x128x128xf32, #tpu.memory_space<vmem>>
          %dma_wait3A_111 = tpu.memref_squeeze %dma_wait3A_110 : memref<1x128x128xf32, #tpu.memory_space<vmem>> -> memref<128x128xf32, #tpu.memory_space<vmem>>
          %dma_wait3A_112 = arith.constant 0 : i32
          %dma_wait3A_113 = tpu.memref_slice %arg8[%add3A_82, %dma_wait3A_112] : memref<40x128xi32, #tpu.memory_space<vmem>> -> memref<1x128xi32, #tpu.memory_space<vmem>>
          %dma_wait3A_114 = tpu.memref_squeeze %dma_wait3A_113 : memref<1x128xi32, #tpu.memory_space<vmem>> -> memref<128xi32, #tpu.memory_space<vmem>>
          %dma_wait3A_115 = arith.constant 0 : i32
          %dma_wait3A_116 = arith.constant 0 : i32
          %dma_wait3A_117 = tpu.memref_slice %arg10[%dma_wait3A_115, %dma_wait3A_116] : memref<10112x128xf32, #tpu.memory_space<vmem_shared>> -> memref<10112x128xf32, #tpu.memory_space<vmem_shared>>
          tpu.wait_indirect_dma semaphore(%run_scoped3A_97 : memref<!tpu.dma_semaphore, #tpu.memory_space<semaphore_mem>>) src(%dma_wait3A_111 : memref<128x128xf32, #tpu.memory_space<vmem>>) dst(%dma_wait3A_117 : memref<10112x128xf32, #tpu.memory_space<vmem_shared>>)
          tpu.yield
        }) : () -> ()
        %dma_wait3A_83 = arith.constant 1 : i32
        %dma_wait3A_84 = arith.constant 0 : i32
        %dma_wait3A_85 = arith.constant 0 : i32
        %dma_wait3A_86 = tpu.memref_slice %arg9[%dma_wait3A_83, %dma_wait3A_84, %dma_wait3A_85] : memref<2x128x128xf32, #tpu.memory_space<vmem>> -> memref<1x128x128xf32, #tpu.memory_space<vmem>>
        %dma_wait3A_87 = tpu.memref_squeeze %dma_wait3A_86 : memref<1x128x128xf32, #tpu.memory_space<vmem>> -> memref<128x128xf32, #tpu.memory_space<vmem>>
        %dma_wait3A_88 = arith.constant 0 : i32
        %dma_wait3A_89 = tpu.memref_slice %arg7[%add3A_58, %dma_wait3A_88] : memref<40x128xi32, #tpu.memory_space<vmem>> -> memref<1x128xi32, #tpu.memory_space<vmem>>
        %dma_wait3A_90 = tpu.memref_squeeze %dma_wait3A_89 : memref<1x128xi32, #tpu.memory_space<vmem>> -> memref<128xi32, #tpu.memory_space<vmem>>
        %dma_wait3A_91 = arith.constant 0 : i32
        %dma_wait3A_92 = arith.constant 0 : i32
        %dma_wait3A_93 = tpu.memref_slice %arg2[%dma_wait3A_91, %dma_wait3A_92] : memref<160000x128xf32, #tpu.memory_space<hbm>> -> memref<160000x128xf32, #tpu.memory_space<hbm>>
        tpu.wait_indirect_dma semaphore(%arg12 : memref<!tpu.dma_semaphore, #tpu.memory_space<semaphore_mem>>) src(%dma_wait3A_93 : memref<160000x128xf32, #tpu.memory_space<hbm>>) dst(%dma_wait3A_87 : memref<128x128xf32, #tpu.memory_space<vmem>>)
        %add3A_94 = arith.constant 1 : i32
        %add3A_95 = arith.addi %mul3A_43, %add3A_94 : i32
        %run_scoped3A_96 = arith.constant 1 : i32
        "tpu.region"() ({
          %run_scoped3A_97 = tpu.sem_alloc : memref<!tpu.dma_semaphore, #tpu.memory_space<semaphore_mem>>
          %dma_start3A_98 = arith.constant 0 : i32
          %dma_start3A_99 = arith.constant 0 : i32
          %dma_start3A_100 = tpu.memref_slice %arg9[%run_scoped3A_96, %dma_start3A_98, %dma_start3A_99] : memref<2x128x128xf32, #tpu.memory_space<vmem>> -> memref<1x128x128xf32, #tpu.memory_space<vmem>>
          %dma_start3A_101 = tpu.memref_squeeze %dma_start3A_100 : memref<1x128x128xf32, #tpu.memory_space<vmem>> -> memref<128x128xf32, #tpu.memory_space<vmem>>
          %dma_start3A_102 = arith.constant 0 : i32
          %dma_start3A_103 = tpu.memref_slice %arg8[%add3A_95, %dma_start3A_102] : memref<40x128xi32, #tpu.memory_space<vmem>> -> memref<1x128xi32, #tpu.memory_space<vmem>>
          %dma_start3A_104 = tpu.memref_squeeze %dma_start3A_103 : memref<1x128xi32, #tpu.memory_space<vmem>> -> memref<128xi32, #tpu.memory_space<vmem>>
          %dma_start3A_105 = arith.constant 0 : i32
          %dma_start3A_106 = arith.constant 0 : i32
          %dma_start3A_107 = tpu.memref_slice %arg10[%dma_start3A_105, %dma_start3A_106] : memref<10112x128xf32, #tpu.memory_space<vmem_shared>> -> memref<10112x128xf32, #tpu.memory_space<vmem_shared>>
          tpu.enqueue_indirect_dma source(%dma_start3A_101 : memref<128x128xf32, #tpu.memory_space<vmem>>) target(%dma_start3A_107 : memref<10112x128xf32, #tpu.memory_space<vmem_shared>>) offsets(%dma_start3A_104 : memref<128xi32, #tpu.memory_space<vmem>>) semaphore(%run_scoped3A_97 : memref<!tpu.dma_semaphore, #tpu.memory_space<semaphore_mem>>) {add = true}
          %dma_wait3A_108 = arith.constant 0 : i32
          %dma_wait3A_109 = arith.constant 0 : i32
          %dma_wait3A_110 = tpu.memref_slice %arg9[%run_scoped3A_96, %dma_wait3A_108, %dma_wait3A_109] : memref<2x128x128xf32, #tpu.memory_space<vmem>> -> memref<1x128x128xf32, #tpu.memory_space<vmem>>
          %dma_wait3A_111 = tpu.memref_squeeze %dma_wait3A_110 : memref<1x128x128xf32, #tpu.memory_space<vmem>> -> memref<128x128xf32, #tpu.memory_space<vmem>>
          %dma_wait3A_112 = arith.constant 0 : i32
          %dma_wait3A_113 = tpu.memref_slice %arg8[%add3A_95, %dma_wait3A_112] : memref<40x128xi32, #tpu.memory_space<vmem>> -> memref<1x128xi32, #tpu.memory_space<vmem>>
          %dma_wait3A_114 = tpu.memref_squeeze %dma_wait3A_113 : memref<1x128xi32, #tpu.memory_space<vmem>> -> memref<128xi32, #tpu.memory_space<vmem>>
          %dma_wait3A_115 = arith.constant 0 : i32
          %dma_wait3A_116 = arith.constant 0 : i32
          %dma_wait3A_117 = tpu.memref_slice %arg10[%dma_wait3A_115, %dma_wait3A_116] : memref<10112x128xf32, #tpu.memory_space<vmem_shared>> -> memref<10112x128xf32, #tpu.memory_space<vmem_shared>>
          tpu.wait_indirect_dma semaphore(%run_scoped3A_97 : memref<!tpu.dma_semaphore, #tpu.memory_space<semaphore_mem>>) src(%dma_wait3A_111 : memref<128x128xf32, #tpu.memory_space<vmem>>) dst(%dma_wait3A_117 : memref<10112x128xf32, #tpu.memory_space<vmem_shared>>)
          tpu.yield
        }) : () -> ()
      }
      %scan3A_40 = arith.constant 20 : i32
    }
    %scan3A_7 = arith.constant 2 : i32
    %barrier3A_8 = arith.constant 0 : index
    tpu.barrier barrier_id(%barrier3A_8)
    "tpu.region"() ({
      %run_scoped3A = tpu.sem_alloc : memref<!tpu.dma_semaphore, #tpu.memory_space<semaphore_mem>>
      %dma_start3A = arith.constant 0 : i32
      %dma_start3A_9 = tpu.memref_slice %arg6[%arg0, %multiple_of3A, %dma_start3A] : memref<2x10112x128xf32, #tpu.memory_space<hbm>> -> memref<1x632x128xf32, #tpu.memory_space<hbm>>
      %dma_start3A_10 = tpu.memref_squeeze %dma_start3A_9 : memref<1x632x128xf32, #tpu.memory_space<hbm>> -> memref<632x128xf32, #tpu.memory_space<hbm>>
      %dma_start3A_11 = arith.constant 0 : i32
      %dma_start3A_12 = tpu.memref_slice %arg10[%multiple_of3A, %dma_start3A_11] : memref<10112x128xf32, #tpu.memory_space<vmem_shared>> -> memref<632x128xf32, #tpu.memory_space<vmem_shared>>
      tpu.enqueue_dma source(%dma_start3A_12 : memref<632x128xf32, #tpu.memory_space<vmem_shared>>) target(%dma_start3A_10 : memref<632x128xf32, #tpu.memory_space<hbm>>) target_semaphore(%run_scoped3A : memref<!tpu.dma_semaphore, #tpu.memory_space<semaphore_mem>>)
      %dma_wait3A = arith.constant 0 : i32
      %dma_wait3A_13 = tpu.memref_slice %arg6[%arg0, %multiple_of3A, %dma_wait3A] : memref<2x10112x128xf32, #tpu.memory_space<hbm>> -> memref<1x632x128xf32, #tpu.memory_space<hbm>>
      %dma_wait3A_14 = tpu.memref_squeeze %dma_wait3A_13 : memref<1x632x128xf32, #tpu.memory_space<hbm>> -> memref<632x128xf32, #tpu.memory_space<hbm>>
      %dma_wait3A_15 = arith.constant 0 : i32
      %dma_wait3A_16 = tpu.memref_slice %arg10[%multiple_of3A, %dma_wait3A_15] : memref<10112x128xf32, #tpu.memory_space<vmem_shared>> -> memref<632x128xf32, #tpu.memory_space<vmem_shared>>
      tpu.wait_dma2 semaphore(%run_scoped3A : memref<!tpu.dma_semaphore, #tpu.memory_space<semaphore_mem>>) src(%dma_wait3A_16 : memref<632x128xf32, #tpu.memory_space<vmem_shared>>) dst(%dma_wait3A_14 : memref<632x128xf32, #tpu.memory_space<hbm>>)
      tpu.yield
    }) : () -> ()
    return
  }
}

#map = affine_map<(d0, d1) -> (0, 0)>
#map1 = affine_map<(d0, d1) -> (0, 0, 0)>
module attributes {stable_mosaic.version = 14 : i64} {
  func.func @k(%arg0: i32, %arg1: i32, %arg2: memref<160000x128xf32, #tpu.memory_space<hbm>>, %arg3: memref<32x80x128xi32, #tpu.memory_space<hbm>>, %arg4: memref<32x80x128xi32, #tpu.memory_space<hbm>>, %arg5: memref<10112x128xf32, #tpu.memory_space<hbm>>, %arg6: memref<2x10112x128xf32, #tpu.memory_space<hbm>>, %arg7: memref<40x128xi32, #tpu.memory_space<vmem>>, %arg8: memref<40x128xi32, #tpu.memory_space<vmem>>, %arg9: memref<2x128x128xf32, #tpu.memory_space<vmem>>, %arg10: memref<10112x128xf32, #tpu.memory_space<vmem_shared>>, %arg11: memref<!tpu.dma_semaphore, #tpu.memory_space<semaphore_mem>>, %arg12: memref<!tpu.dma_semaphore, #tpu.memory_space<semaphore_mem>>, %arg13: memref<!tpu.dma_semaphore, #tpu.memory_space<semaphore_mem>>, %arg14: memref<!tpu.dma_semaphore, #tpu.memory_space<semaphore_mem>>, %arg15: memref<!tpu.dma_semaphore, #tpu.memory_space<semaphore_mem>>) attributes {dimension_semantics = [#tpu.dimension_semantics<core_parallel>, #tpu.dimension_semantics<subcore_parallel>], iteration_bounds = array<i64: 2, 16>, scalar_prefetch = 0 : i64, scratch_operands = 9 : i64, tpu.core_type = #tpu.core_type<sc_vector_subcore>, window_params = [{transform_indices = #map}, {transform_indices = #map1}, {transform_indices = #map1}, {transform_indices = #map}, {transform_indices = #map1}]} {
    %mul3A = arith.constant 2 : i32
    %mul3A_0 = arith.muli %arg1, %mul3A : i32
    %add3A = arith.addi %mul3A_0, %arg0 : i32
    %mul3A_1 = arith.constant 632 : i32
    %mul3A_2 = arith.muli %arg1, %mul3A_1 : i32
    %multiple_of3A = tpu.assume_multiple %mul3A_2, 8 : i32
    "tpu.region"() ({
      %run_scoped3A = tpu.sem_alloc : memref<!tpu.dma_semaphore, #tpu.memory_space<semaphore_mem>>
      %dma_start3A = arith.constant 0 : i32
      %dma_start3A_9 = tpu.memref_slice %arg10[%multiple_of3A, %dma_start3A] : memref<10112x128xf32, #tpu.memory_space<vmem_shared>> -> memref<632x128xf32, #tpu.memory_space<vmem_shared>>
      %dma_start3A_10 = arith.constant 0 : i32
      %dma_start3A_11 = tpu.memref_slice %arg5[%multiple_of3A, %dma_start3A_10] : memref<10112x128xf32, #tpu.memory_space<hbm>> -> memref<632x128xf32, #tpu.memory_space<hbm>>
      tpu.enqueue_dma source(%dma_start3A_11 : memref<632x128xf32, #tpu.memory_space<hbm>>) target(%dma_start3A_9 : memref<632x128xf32, #tpu.memory_space<vmem_shared>>) target_semaphore(%run_scoped3A : memref<!tpu.dma_semaphore, #tpu.memory_space<semaphore_mem>>)
      %dma_wait3A = arith.constant 0 : i32
      %dma_wait3A_12 = tpu.memref_slice %arg10[%multiple_of3A, %dma_wait3A] : memref<10112x128xf32, #tpu.memory_space<vmem_shared>> -> memref<632x128xf32, #tpu.memory_space<vmem_shared>>
      %dma_wait3A_13 = arith.constant 0 : i32
      %dma_wait3A_14 = tpu.memref_slice %arg5[%multiple_of3A, %dma_wait3A_13] : memref<10112x128xf32, #tpu.memory_space<hbm>> -> memref<632x128xf32, #tpu.memory_space<hbm>>
      tpu.wait_dma2 semaphore(%run_scoped3A : memref<!tpu.dma_semaphore, #tpu.memory_space<semaphore_mem>>) src(%dma_wait3A_14 : memref<632x128xf32, #tpu.memory_space<hbm>>) dst(%dma_wait3A_12 : memref<632x128xf32, #tpu.memory_space<vmem_shared>>)
      tpu.yield
    }) : () -> ()
    %barrier3A = arith.constant 0 : index
    tpu.barrier barrier_id(%barrier3A)
    %scan3A = arith.constant 0 : i32
    %scan3A_3 = arith.constant 0 : i32
    %scan3A_4 = arith.constant 2 : i32
    %scan3A_5 = arith.addi %scan3A_3, %scan3A_4 : i32
    %scan3A_6 = arith.constant 1 : i32
    scf.for %scan3A_9 = %scan3A_3 to %scan3A_5 step %scan3A_6  : i32 {
      %mul3A_10 = arith.constant 40 : i32
      %mul3A_11 = arith.muli %scan3A_9, %mul3A_10 : i32
      %multiple_of3A_12 = tpu.assume_multiple %mul3A_11, 8 : i32
      %dma_start3A = arith.constant 0 : i32
      %dma_start3A_13 = tpu.memref_slice %arg3[%add3A, %multiple_of3A_12, %dma_start3A] : memref<32x80x128xi32, #tpu.memory_space<hbm>> -> memref<1x40x128xi32, #tpu.memory_space<hbm>>
      %dma_start3A_14 = tpu.memref_squeeze %dma_start3A_13 : memref<1x40x128xi32, #tpu.memory_space<hbm>> -> memref<40x128xi32, #tpu.memory_space<hbm>>
      %dma_start3A_15 = arith.constant 0 : i32
      %dma_start3A_16 = tpu.memref_slice %arg3[%add3A, %multiple_of3A_12, %dma_start3A_15] : memref<32x80x128xi32, #tpu.memory_space<hbm>> -> memref<1x40x128xi32, #tpu.memory_space<hbm>>
      %dma_start3A_17 = tpu.memref_squeeze %dma_start3A_16 : memref<1x40x128xi32, #tpu.memory_space<hbm>> -> memref<40x128xi32, #tpu.memory_space<hbm>>
      tpu.enqueue_dma source(%dma_start3A_17 : memref<40x128xi32, #tpu.memory_space<hbm>>) target(%arg7 : memref<40x128xi32, #tpu.memory_space<vmem>>) target_semaphore(%arg15 : memref<!tpu.dma_semaphore, #tpu.memory_space<semaphore_mem>>)
      %dma_start3A_18 = arith.constant 0 : i32
      %dma_start3A_19 = tpu.memref_slice %arg4[%add3A, %multiple_of3A_12, %dma_start3A_18] : memref<32x80x128xi32, #tpu.memory_space<hbm>> -> memref<1x40x128xi32, #tpu.memory_space<hbm>>
      %dma_start3A_20 = tpu.memref_squeeze %dma_start3A_19 : memref<1x40x128xi32, #tpu.memory_space<hbm>> -> memref<40x128xi32, #tpu.memory_space<hbm>>
      %dma_start3A_21 = arith.constant 0 : i32
      %dma_start3A_22 = tpu.memref_slice %arg4[%add3A, %multiple_of3A_12, %dma_start3A_21] : memref<32x80x128xi32, #tpu.memory_space<hbm>> -> memref<1x40x128xi32, #tpu.memory_space<hbm>>
      %dma_start3A_23 = tpu.memref_squeeze %dma_start3A_22 : memref<1x40x128xi32, #tpu.memory_space<hbm>> -> memref<40x128xi32, #tpu.memory_space<hbm>>
      tpu.enqueue_dma source(%dma_start3A_23 : memref<40x128xi32, #tpu.memory_space<hbm>>) target(%arg8 : memref<40x128xi32, #tpu.memory_space<vmem>>) target_semaphore(%arg15 : memref<!tpu.dma_semaphore, #tpu.memory_space<semaphore_mem>>)
      %dma_wait3A = arith.constant 0 : i32
      %dma_wait3A_24 = tpu.memref_slice %arg3[%add3A, %multiple_of3A_12, %dma_wait3A] : memref<32x80x128xi32, #tpu.memory_space<hbm>> -> memref<1x40x128xi32, #tpu.memory_space<hbm>>
      %dma_wait3A_25 = tpu.memref_squeeze %dma_wait3A_24 : memref<1x40x128xi32, #tpu.memory_space<hbm>> -> memref<40x128xi32, #tpu.memory_space<hbm>>
      %dma_wait3A_26 = arith.constant 0 : i32
      %dma_wait3A_27 = tpu.memref_slice %arg3[%add3A, %multiple_of3A_12, %dma_wait3A_26] : memref<32x80x128xi32, #tpu.memory_space<hbm>> -> memref<1x40x128xi32, #tpu.memory_space<hbm>>
      %dma_wait3A_28 = tpu.memref_squeeze %dma_wait3A_27 : memref<1x40x128xi32, #tpu.memory_space<hbm>> -> memref<40x128xi32, #tpu.memory_space<hbm>>
      tpu.wait_dma2 semaphore(%arg15 : memref<!tpu.dma_semaphore, #tpu.memory_space<semaphore_mem>>) src(%dma_wait3A_28 : memref<40x128xi32, #tpu.memory_space<hbm>>) dst(%arg7 : memref<40x128xi32, #tpu.memory_space<vmem>>)
      %dma_wait3A_29 = arith.constant 0 : i32
      %dma_wait3A_30 = tpu.memref_slice %arg4[%add3A, %multiple_of3A_12, %dma_wait3A_29] : memref<32x80x128xi32, #tpu.memory_space<hbm>> -> memref<1x40x128xi32, #tpu.memory_space<hbm>>
      %dma_wait3A_31 = tpu.memref_squeeze %dma_wait3A_30 : memref<1x40x128xi32, #tpu.memory_space<hbm>> -> memref<40x128xi32, #tpu.memory_space<hbm>>
      %dma_wait3A_32 = arith.constant 0 : i32
      %dma_wait3A_33 = tpu.memref_slice %arg4[%add3A, %multiple_of3A_12, %dma_wait3A_32] : memref<32x80x128xi32, #tpu.memory_space<hbm>> -> memref<1x40x128xi32, #tpu.memory_space<hbm>>
      %dma_wait3A_34 = tpu.memref_squeeze %dma_wait3A_33 : memref<1x40x128xi32, #tpu.memory_space<hbm>> -> memref<40x128xi32, #tpu.memory_space<hbm>>
      tpu.wait_dma2 semaphore(%arg15 : memref<!tpu.dma_semaphore, #tpu.memory_space<semaphore_mem>>) src(%dma_wait3A_34 : memref<40x128xi32, #tpu.memory_space<hbm>>) dst(%arg8 : memref<40x128xi32, #tpu.memory_space<vmem>>)
      %scan3A_35 = arith.constant 0 : i32
      %scan3A_36 = arith.constant 0 : i32
      %scan3A_37 = arith.constant 20 : i32
      %scan3A_38 = arith.addi %scan3A_36, %scan3A_37 : i32
      %scan3A_39 = arith.constant 1 : i32
      scf.for %scan3A_41 = %scan3A_36 to %scan3A_38 step %scan3A_39  : i32 {
        %mul3A_42 = arith.constant 2 : i32
        %mul3A_43 = arith.muli %scan3A_41, %mul3A_42 : i32
        %add3A_44 = arith.constant 0 : i32
        %add3A_45 = arith.addi %mul3A_43, %add3A_44 : i32
        %dma_start3A_46 = arith.constant 0 : i32
        %dma_start3A_47 = arith.constant 0 : i32
        %dma_start3A_48 = arith.constant 0 : i32
        %dma_start3A_49 = tpu.memref_slice %arg9[%dma_start3A_46, %dma_start3A_47, %dma_start3A_48] : memref<2x128x128xf32, #tpu.memory_space<vmem>> -> memref<1x128x128xf32, #tpu.memory_space<vmem>>
        %dma_start3A_50 = tpu.memref_squeeze %dma_start3A_49 : memref<1x128x128xf32, #tpu.memory_space<vmem>> -> memref<128x128xf32, #tpu.memory_space<vmem>>
        %dma_start3A_51 = arith.constant 0 : i32
        %dma_start3A_52 = tpu.memref_slice %arg7[%add3A_45, %dma_start3A_51] : memref<40x128xi32, #tpu.memory_space<vmem>> -> memref<1x128xi32, #tpu.memory_space<vmem>>
        %dma_start3A_53 = tpu.memref_squeeze %dma_start3A_52 : memref<1x128xi32, #tpu.memory_space<vmem>> -> memref<128xi32, #tpu.memory_space<vmem>>
        %dma_start3A_54 = arith.constant 0 : i32
        %dma_start3A_55 = arith.constant 0 : i32
        %dma_start3A_56 = tpu.memref_slice %arg2[%dma_start3A_54, %dma_start3A_55] : memref<160000x128xf32, #tpu.memory_space<hbm>> -> memref<160000x128xf32, #tpu.memory_space<hbm>>
        tpu.enqueue_indirect_dma source(%dma_start3A_56 : memref<160000x128xf32, #tpu.memory_space<hbm>>) target(%dma_start3A_50 : memref<128x128xf32, #tpu.memory_space<vmem>>) offsets(%dma_start3A_53 : memref<128xi32, #tpu.memory_space<vmem>>) semaphore(%arg11 : memref<!tpu.dma_semaphore, #tpu.memory_space<semaphore_mem>>)
        %add3A_57 = arith.constant 1 : i32
        %add3A_58 = arith.addi %mul3A_43, %add3A_57 : i32
        %dma_start3A_59 = arith.constant 1 : i32
        %dma_start3A_60 = arith.constant 0 : i32
        %dma_start3A_61 = arith.constant 0 : i32
        %dma_start3A_62 = tpu.memref_slice %arg9[%dma_start3A_59, %dma_start3A_60, %dma_start3A_61] : memref<2x128x128xf32, #tpu.memory_space<vmem>> -> memref<1x128x128xf32, #tpu.memory_space<vmem>>
        %dma_start3A_63 = tpu.memref_squeeze %dma_start3A_62 : memref<1x128x128xf32, #tpu.memory_space<vmem>> -> memref<128x128xf32, #tpu.memory_space<vmem>>
        %dma_start3A_64 = arith.constant 0 : i32
        %dma_start3A_65 = tpu.memref_slice %arg7[%add3A_58, %dma_start3A_64] : memref<40x128xi32, #tpu.memory_space<vmem>> -> memref<1x128xi32, #tpu.memory_space<vmem>>
        %dma_start3A_66 = tpu.memref_squeeze %dma_start3A_65 : memref<1x128xi32, #tpu.memory_space<vmem>> -> memref<128xi32, #tpu.memory_space<vmem>>
        %dma_start3A_67 = arith.constant 0 : i32
        %dma_start3A_68 = arith.constant 0 : i32
        %dma_start3A_69 = tpu.memref_slice %arg2[%dma_start3A_67, %dma_start3A_68] : memref<160000x128xf32, #tpu.memory_space<hbm>> -> memref<160000x128xf32, #tpu.memory_space<hbm>>
        tpu.enqueue_indirect_dma source(%dma_start3A_69 : memref<160000x128xf32, #tpu.memory_space<hbm>>) target(%dma_start3A_63 : memref<128x128xf32, #tpu.memory_space<vmem>>) offsets(%dma_start3A_66 : memref<128xi32, #tpu.memory_space<vmem>>) semaphore(%arg12 : memref<!tpu.dma_semaphore, #tpu.memory_space<semaphore_mem>>)
        %dma_wait3A_70 = arith.constant 0 : i32
        %dma_wait3A_71 = arith.constant 0 : i32
        %dma_wait3A_72 = arith.constant 0 : i32
        %dma_wait3A_73 = tpu.memref_slice %arg9[%dma_wait3A_70, %dma_wait3A_71, %dma_wait3A_72] : memref<2x128x128xf32, #tpu.memory_space<vmem>> -> memref<1x128x128xf32, #tpu.memory_space<vmem>>
        %dma_wait3A_74 = tpu.memref_squeeze %dma_wait3A_73 : memref<1x128x128xf32, #tpu.memory_space<vmem>> -> memref<128x128xf32, #tpu.memory_space<vmem>>
        %dma_wait3A_75 = arith.constant 0 : i32
        %dma_wait3A_76 = tpu.memref_slice %arg7[%add3A_45, %dma_wait3A_75] : memref<40x128xi32, #tpu.memory_space<vmem>> -> memref<1x128xi32, #tpu.memory_space<vmem>>
        %dma_wait3A_77 = tpu.memref_squeeze %dma_wait3A_76 : memref<1x128xi32, #tpu.memory_space<vmem>> -> memref<128xi32, #tpu.memory_space<vmem>>
        %dma_wait3A_78 = arith.constant 0 : i32
        %dma_wait3A_79 = arith.constant 0 : i32
        %dma_wait3A_80 = tpu.memref_slice %arg2[%dma_wait3A_78, %dma_wait3A_79] : memref<160000x128xf32, #tpu.memory_space<hbm>> -> memref<160000x128xf32, #tpu.memory_space<hbm>>
        tpu.wait_indirect_dma semaphore(%arg11 : memref<!tpu.dma_semaphore, #tpu.memory_space<semaphore_mem>>) src(%dma_wait3A_80 : memref<160000x128xf32, #tpu.memory_space<hbm>>) dst(%dma_wait3A_74 : memref<128x128xf32, #tpu.memory_space<vmem>>)
        %add3A_81 = arith.constant 0 : i32
        %add3A_82 = arith.addi %mul3A_43, %add3A_81 : i32
        %run_scoped3A = arith.constant 0 : i32
        "tpu.region"() ({
          %run_scoped3A_97 = tpu.sem_alloc : memref<!tpu.dma_semaphore, #tpu.memory_space<semaphore_mem>>
          %dma_start3A_98 = arith.constant 0 : i32
          %dma_start3A_99 = arith.constant 0 : i32
          %dma_start3A_100 = tpu.memref_slice %arg9[%run_scoped3A, %dma_start3A_98, %dma_start3A_99] : memref<2x128x128xf32, #tpu.memory_space<vmem>> -> memref<1x128x128xf32, #tpu.memory_space<vmem>>
          %dma_start3A_101 = tpu.memref_squeeze %dma_start3A_100 : memref<1x128x128xf32, #tpu.memory_space<vmem>> -> memref<128x128xf32, #tpu.memory_space<vmem>>
          %dma_start3A_102 = arith.constant 0 : i32
          %dma_start3A_103 = tpu.memref_slice %arg8[%add3A_82, %dma_start3A_102] : memref<40x128xi32, #tpu.memory_space<vmem>> -> memref<1x128xi32, #tpu.memory_space<vmem>>
          %dma_start3A_104 = tpu.memref_squeeze %dma_start3A_103 : memref<1x128xi32, #tpu.memory_space<vmem>> -> memref<128xi32, #tpu.memory_space<vmem>>
          %dma_start3A_105 = arith.constant 0 : i32
          %dma_start3A_106 = arith.constant 0 : i32
          %dma_start3A_107 = tpu.memref_slice %arg10[%dma_start3A_105, %dma_start3A_106] : memref<10112x128xf32, #tpu.memory_space<vmem_shared>> -> memref<10112x128xf32, #tpu.memory_space<vmem_shared>>
          tpu.enqueue_indirect_dma source(%dma_start3A_101 : memref<128x128xf32, #tpu.memory_space<vmem>>) target(%dma_start3A_107 : memref<10112x128xf32, #tpu.memory_space<vmem_shared>>) offsets(%dma_start3A_104 : memref<128xi32, #tpu.memory_space<vmem>>) semaphore(%run_scoped3A_97 : memref<!tpu.dma_semaphore, #tpu.memory_space<semaphore_mem>>) {add = true}
          %dma_wait3A_108 = arith.constant 0 : i32
          %dma_wait3A_109 = arith.constant 0 : i32
          %dma_wait3A_110 = tpu.memref_slice %arg9[%run_scoped3A, %dma_wait3A_108, %dma_wait3A_109] : memref<2x128x128xf32, #tpu.memory_space<vmem>> -> memref<1x128x128xf32, #tpu.memory_space<vmem>>
          %dma_wait3A_111 = tpu.memref_squeeze %dma_wait3A_110 : memref<1x128x128xf32, #tpu.memory_space<vmem>> -> memref<128x128xf32, #tpu.memory_space<vmem>>
          %dma_wait3A_112 = arith.constant 0 : i32
          %dma_wait3A_113 = tpu.memref_slice %arg8[%add3A_82, %dma_wait3A_112] : memref<40x128xi32, #tpu.memory_space<vmem>> -> memref<1x128xi32, #tpu.memory_space<vmem>>
          %dma_wait3A_114 = tpu.memref_squeeze %dma_wait3A_113 : memref<1x128xi32, #tpu.memory_space<vmem>> -> memref<128xi32, #tpu.memory_space<vmem>>
          %dma_wait3A_115 = arith.constant 0 : i32
          %dma_wait3A_116 = arith.constant 0 : i32
          %dma_wait3A_117 = tpu.memref_slice %arg10[%dma_wait3A_115, %dma_wait3A_116] : memref<10112x128xf32, #tpu.memory_space<vmem_shared>> -> memref<10112x128xf32, #tpu.memory_space<vmem_shared>>
          tpu.wait_indirect_dma semaphore(%run_scoped3A_97 : memref<!tpu.dma_semaphore, #tpu.memory_space<semaphore_mem>>) src(%dma_wait3A_111 : memref<128x128xf32, #tpu.memory_space<vmem>>) dst(%dma_wait3A_117 : memref<10112x128xf32, #tpu.memory_space<vmem_shared>>)
          tpu.yield
        }) : () -> ()
        %dma_wait3A_83 = arith.constant 1 : i32
        %dma_wait3A_84 = arith.constant 0 : i32
        %dma_wait3A_85 = arith.constant 0 : i32
        %dma_wait3A_86 = tpu.memref_slice %arg9[%dma_wait3A_83, %dma_wait3A_84, %dma_wait3A_85] : memref<2x128x128xf32, #tpu.memory_space<vmem>> -> memref<1x128x128xf32, #tpu.memory_space<vmem>>
        %dma_wait3A_87 = tpu.memref_squeeze %dma_wait3A_86 : memref<1x128x128xf32, #tpu.memory_space<vmem>> -> memref<128x128xf32, #tpu.memory_space<vmem>>
        %dma_wait3A_88 = arith.constant 0 : i32
        %dma_wait3A_89 = tpu.memref_slice %arg7[%add3A_58, %dma_wait3A_88] : memref<40x128xi32, #tpu.memory_space<vmem>> -> memref<1x128xi32, #tpu.memory_space<vmem>>
        %dma_wait3A_90 = tpu.memref_squeeze %dma_wait3A_89 : memref<1x128xi32, #tpu.memory_space<vmem>> -> memref<128xi32, #tpu.memory_space<vmem>>
        %dma_wait3A_91 = arith.constant 0 : i32
        %dma_wait3A_92 = arith.constant 0 : i32
        %dma_wait3A_93 = tpu.memref_slice %arg2[%dma_wait3A_91, %dma_wait3A_92] : memref<160000x128xf32, #tpu.memory_space<hbm>> -> memref<160000x128xf32, #tpu.memory_space<hbm>>
        tpu.wait_indirect_dma semaphore(%arg12 : memref<!tpu.dma_semaphore, #tpu.memory_space<semaphore_mem>>) src(%dma_wait3A_93 : memref<160000x128xf32, #tpu.memory_space<hbm>>) dst(%dma_wait3A_87 : memref<128x128xf32, #tpu.memory_space<vmem>>)
        %add3A_94 = arith.constant 1 : i32
        %add3A_95 = arith.addi %mul3A_43, %add3A_94 : i32
        %run_scoped3A_96 = arith.constant 1 : i32
        "tpu.region"() ({
          %run_scoped3A_97 = tpu.sem_alloc : memref<!tpu.dma_semaphore, #tpu.memory_space<semaphore_mem>>
          %dma_start3A_98 = arith.constant 0 : i32
          %dma_start3A_99 = arith.constant 0 : i32
          %dma_start3A_100 = tpu.memref_slice %arg9[%run_scoped3A_96, %dma_start3A_98, %dma_start3A_99] : memref<2x128x128xf32, #tpu.memory_space<vmem>> -> memref<1x128x128xf32, #tpu.memory_space<vmem>>
          %dma_start3A_101 = tpu.memref_squeeze %dma_start3A_100 : memref<1x128x128xf32, #tpu.memory_space<vmem>> -> memref<128x128xf32, #tpu.memory_space<vmem>>
          %dma_start3A_102 = arith.constant 0 : i32
          %dma_start3A_103 = tpu.memref_slice %arg8[%add3A_95, %dma_start3A_102] : memref<40x128xi32, #tpu.memory_space<vmem>> -> memref<1x128xi32, #tpu.memory_space<vmem>>
          %dma_start3A_104 = tpu.memref_squeeze %dma_start3A_103 : memref<1x128xi32, #tpu.memory_space<vmem>> -> memref<128xi32, #tpu.memory_space<vmem>>
          %dma_start3A_105 = arith.constant 0 : i32
          %dma_start3A_106 = arith.constant 0 : i32
          %dma_start3A_107 = tpu.memref_slice %arg10[%dma_start3A_105, %dma_start3A_106] : memref<10112x128xf32, #tpu.memory_space<vmem_shared>> -> memref<10112x128xf32, #tpu.memory_space<vmem_shared>>
          tpu.enqueue_indirect_dma source(%dma_start3A_101 : memref<128x128xf32, #tpu.memory_space<vmem>>) target(%dma_start3A_107 : memref<10112x128xf32, #tpu.memory_space<vmem_shared>>) offsets(%dma_start3A_104 : memref<128xi32, #tpu.memory_space<vmem>>) semaphore(%run_scoped3A_97 : memref<!tpu.dma_semaphore, #tpu.memory_space<semaphore_mem>>) {add = true}
          %dma_wait3A_108 = arith.constant 0 : i32
          %dma_wait3A_109 = arith.constant 0 : i32
          %dma_wait3A_110 = tpu.memref_slice %arg9[%run_scoped3A_96, %dma_wait3A_108, %dma_wait3A_109] : memref<2x128x128xf32, #tpu.memory_space<vmem>> -> memref<1x128x128xf32, #tpu.memory_space<vmem>>
          %dma_wait3A_111 = tpu.memref_squeeze %dma_wait3A_110 : memref<1x128x128xf32, #tpu.memory_space<vmem>> -> memref<128x128xf32, #tpu.memory_space<vmem>>
          %dma_wait3A_112 = arith.constant 0 : i32
          %dma_wait3A_113 = tpu.memref_slice %arg8[%add3A_95, %dma_wait3A_112] : memref<40x128xi32, #tpu.memory_space<vmem>> -> memref<1x128xi32, #tpu.memory_space<vmem>>
          %dma_wait3A_114 = tpu.memref_squeeze %dma_wait3A_113 : memref<1x128xi32, #tpu.memory_space<vmem>> -> memref<128xi32, #tpu.memory_space<vmem>>
          %dma_wait3A_115 = arith.constant 0 : i32
          %dma_wait3A_116 = arith.constant 0 : i32
          %dma_wait3A_117 = tpu.memref_slice %arg10[%dma_wait3A_115, %dma_wait3A_116] : memref<10112x128xf32, #tpu.memory_space<vmem_shared>> -> memref<10112x128xf32, #tpu.memory_space<vmem_shared>>
          tpu.wait_indirect_dma semaphore(%run_scoped3A_97 : memref<!tpu.dma_semaphore, #tpu.memory_space<semaphore_mem>>) src(%dma_wait3A_111 : memref<128x128xf32, #tpu.memory_space<vmem>>) dst(%dma_wait3A_117 : memref<10112x128xf32, #tpu.memory_space<vmem_shared>>)
          tpu.yield
        }) : () -> ()
      }
      %scan3A_40 = arith.constant 20 : i32
    }
    %scan3A_7 = arith.constant 2 : i32
    %barrier3A_8 = arith.constant 0 : index
    tpu.barrier barrier_id(%barrier3A_8)
    "tpu.region"() ({
      %run_scoped3A = tpu.sem_alloc : memref<!tpu.dma_semaphore, #tpu.memory_space<semaphore_mem>>
      %dma_start3A = arith.constant 0 : i32
      %dma_start3A_9 = tpu.memref_slice %arg6[%arg0, %multiple_of3A, %dma_start3A] : memref<2x10112x128xf32, #tpu.memory_space<hbm>> -> memref<1x632x128xf32, #tpu.memory_space<hbm>>
      %dma_start3A_10 = tpu.memref_squeeze %dma_start3A_9 : memref<1x632x128xf32, #tpu.memory_space<hbm>> -> memref<632x128xf32, #tpu.memory_space<hbm>>
      %dma_start3A_11 = arith.constant 0 : i32
      %dma_start3A_12 = tpu.memref_slice %arg10[%multiple_of3A, %dma_start3A_11] : memref<10112x128xf32, #tpu.memory_space<vmem_shared>> -> memref<632x128xf32, #tpu.memory_space<vmem_shared>>
      tpu.enqueue_dma source(%dma_start3A_12 : memref<632x128xf32, #tpu.memory_space<vmem_shared>>) target(%dma_start3A_10 : memref<632x128xf32, #tpu.memory_space<hbm>>) target_semaphore(%run_scoped3A : memref<!tpu.dma_semaphore, #tpu.memory_space<semaphore_mem>>)
      %dma_wait3A = arith.constant 0 : i32
      %dma_wait3A_13 = tpu.memref_slice %arg6[%arg0, %multiple_of3A, %dma_wait3A] : memref<2x10112x128xf32, #tpu.memory_space<hbm>> -> memref<1x632x128xf32, #tpu.memory_space<hbm>>
      %dma_wait3A_14 = tpu.memref_squeeze %dma_wait3A_13 : memref<1x632x128xf32, #tpu.memory_space<hbm>> -> memref<632x128xf32, #tpu.memory_space<hbm>>
      %dma_wait3A_15 = arith.constant 0 : i32
      %dma_wait3A_16 = tpu.memref_slice %arg10[%multiple_of3A, %dma_wait3A_15] : memref<10112x128xf32, #tpu.memory_space<vmem_shared>> -> memref<632x128xf32, #tpu.memory_space<vmem_shared>>
      tpu.wait_dma2 semaphore(%run_scoped3A : memref<!tpu.dma_semaphore, #tpu.memory_space<semaphore_mem>>) src(%dma_wait3A_16 : memref<632x128xf32, #tpu.memory_space<vmem_shared>>) dst(%dma_wait3A_14 : memref<632x128xf32, #tpu.memory_space<hbm>>)
      tpu.yield
    }) : () -> ()
    return
  }
}

#map = affine_map<(d0, d1) -> (0, 0)>
#map1 = affine_map<(d0, d1) -> (0, 0, 0)>
module attributes {stable_mosaic.version = 14 : i64} {
  func.func @k(%arg0: i32, %arg1: i32, %arg2: memref<160000x128xf32, #tpu.memory_space<hbm>>, %arg3: memref<32x80x128xi32, #tpu.memory_space<hbm>>, %arg4: memref<32x80x128xi32, #tpu.memory_space<hbm>>, %arg5: memref<10112x128xf32, #tpu.memory_space<hbm>>, %arg6: memref<2x10112x128xf32, #tpu.memory_space<hbm>>, %arg7: memref<40x128xi32, #tpu.memory_space<vmem>>, %arg8: memref<40x128xi32, #tpu.memory_space<vmem>>, %arg9: memref<2x128x128xf32, #tpu.memory_space<vmem>>, %arg10: memref<10112x128xf32, #tpu.memory_space<vmem_shared>>, %arg11: memref<!tpu.dma_semaphore, #tpu.memory_space<semaphore_mem>>, %arg12: memref<!tpu.dma_semaphore, #tpu.memory_space<semaphore_mem>>, %arg13: memref<!tpu.dma_semaphore, #tpu.memory_space<semaphore_mem>>, %arg14: memref<!tpu.dma_semaphore, #tpu.memory_space<semaphore_mem>>, %arg15: memref<!tpu.dma_semaphore, #tpu.memory_space<semaphore_mem>>) attributes {dimension_semantics = [#tpu.dimension_semantics<core_parallel>, #tpu.dimension_semantics<subcore_parallel>], iteration_bounds = array<i64: 2, 16>, scalar_prefetch = 0 : i64, scratch_operands = 9 : i64, tpu.core_type = #tpu.core_type<sc_vector_subcore>, window_params = [{transform_indices = #map}, {transform_indices = #map1}, {transform_indices = #map1}, {transform_indices = #map}, {transform_indices = #map1}]} {
    %mul3A = arith.constant 2 : i32
    %mul3A_0 = arith.muli %arg1, %mul3A : i32
    %add3A = arith.addi %mul3A_0, %arg0 : i32
    %mul3A_1 = arith.constant 632 : i32
    %mul3A_2 = arith.muli %arg1, %mul3A_1 : i32
    %multiple_of3A = tpu.assume_multiple %mul3A_2, 8 : i32
    "tpu.region"() ({
      %run_scoped3A = tpu.sem_alloc : memref<!tpu.dma_semaphore, #tpu.memory_space<semaphore_mem>>
      %dma_start3A = arith.constant 0 : i32
      %dma_start3A_9 = tpu.memref_slice %arg10[%multiple_of3A, %dma_start3A] : memref<10112x128xf32, #tpu.memory_space<vmem_shared>> -> memref<632x128xf32, #tpu.memory_space<vmem_shared>>
      %dma_start3A_10 = arith.constant 0 : i32
      %dma_start3A_11 = tpu.memref_slice %arg5[%multiple_of3A, %dma_start3A_10] : memref<10112x128xf32, #tpu.memory_space<hbm>> -> memref<632x128xf32, #tpu.memory_space<hbm>>
      tpu.enqueue_dma source(%dma_start3A_11 : memref<632x128xf32, #tpu.memory_space<hbm>>) target(%dma_start3A_9 : memref<632x128xf32, #tpu.memory_space<vmem_shared>>) target_semaphore(%run_scoped3A : memref<!tpu.dma_semaphore, #tpu.memory_space<semaphore_mem>>)
      %dma_wait3A = arith.constant 0 : i32
      %dma_wait3A_12 = tpu.memref_slice %arg10[%multiple_of3A, %dma_wait3A] : memref<10112x128xf32, #tpu.memory_space<vmem_shared>> -> memref<632x128xf32, #tpu.memory_space<vmem_shared>>
      %dma_wait3A_13 = arith.constant 0 : i32
      %dma_wait3A_14 = tpu.memref_slice %arg5[%multiple_of3A, %dma_wait3A_13] : memref<10112x128xf32, #tpu.memory_space<hbm>> -> memref<632x128xf32, #tpu.memory_space<hbm>>
      tpu.wait_dma2 semaphore(%run_scoped3A : memref<!tpu.dma_semaphore, #tpu.memory_space<semaphore_mem>>) src(%dma_wait3A_14 : memref<632x128xf32, #tpu.memory_space<hbm>>) dst(%dma_wait3A_12 : memref<632x128xf32, #tpu.memory_space<vmem_shared>>)
      tpu.yield
    }) : () -> ()
    %barrier3A = arith.constant 0 : index
    tpu.barrier barrier_id(%barrier3A)
    %scan3A = arith.constant 0 : i32
    %scan3A_3 = arith.constant 0 : i32
    %scan3A_4 = arith.constant 2 : i32
    %scan3A_5 = arith.addi %scan3A_3, %scan3A_4 : i32
    %scan3A_6 = arith.constant 1 : i32
    scf.for %scan3A_9 = %scan3A_3 to %scan3A_5 step %scan3A_6  : i32 {
      %mul3A_10 = arith.constant 40 : i32
      %mul3A_11 = arith.muli %scan3A_9, %mul3A_10 : i32
      %multiple_of3A_12 = tpu.assume_multiple %mul3A_11, 8 : i32
      %dma_start3A = arith.constant 0 : i32
      %dma_start3A_13 = tpu.memref_slice %arg3[%add3A, %multiple_of3A_12, %dma_start3A] : memref<32x80x128xi32, #tpu.memory_space<hbm>> -> memref<1x40x128xi32, #tpu.memory_space<hbm>>
      %dma_start3A_14 = tpu.memref_squeeze %dma_start3A_13 : memref<1x40x128xi32, #tpu.memory_space<hbm>> -> memref<40x128xi32, #tpu.memory_space<hbm>>
      %dma_start3A_15 = arith.constant 0 : i32
      %dma_start3A_16 = tpu.memref_slice %arg3[%add3A, %multiple_of3A_12, %dma_start3A_15] : memref<32x80x128xi32, #tpu.memory_space<hbm>> -> memref<1x40x128xi32, #tpu.memory_space<hbm>>
      %dma_start3A_17 = tpu.memref_squeeze %dma_start3A_16 : memref<1x40x128xi32, #tpu.memory_space<hbm>> -> memref<40x128xi32, #tpu.memory_space<hbm>>
      tpu.enqueue_dma source(%dma_start3A_17 : memref<40x128xi32, #tpu.memory_space<hbm>>) target(%arg7 : memref<40x128xi32, #tpu.memory_space<vmem>>) target_semaphore(%arg15 : memref<!tpu.dma_semaphore, #tpu.memory_space<semaphore_mem>>)
      %dma_start3A_18 = arith.constant 0 : i32
      %dma_start3A_19 = tpu.memref_slice %arg4[%add3A, %multiple_of3A_12, %dma_start3A_18] : memref<32x80x128xi32, #tpu.memory_space<hbm>> -> memref<1x40x128xi32, #tpu.memory_space<hbm>>
      %dma_start3A_20 = tpu.memref_squeeze %dma_start3A_19 : memref<1x40x128xi32, #tpu.memory_space<hbm>> -> memref<40x128xi32, #tpu.memory_space<hbm>>
      %dma_start3A_21 = arith.constant 0 : i32
      %dma_start3A_22 = tpu.memref_slice %arg4[%add3A, %multiple_of3A_12, %dma_start3A_21] : memref<32x80x128xi32, #tpu.memory_space<hbm>> -> memref<1x40x128xi32, #tpu.memory_space<hbm>>
      %dma_start3A_23 = tpu.memref_squeeze %dma_start3A_22 : memref<1x40x128xi32, #tpu.memory_space<hbm>> -> memref<40x128xi32, #tpu.memory_space<hbm>>
      tpu.enqueue_dma source(%dma_start3A_23 : memref<40x128xi32, #tpu.memory_space<hbm>>) target(%arg8 : memref<40x128xi32, #tpu.memory_space<vmem>>) target_semaphore(%arg15 : memref<!tpu.dma_semaphore, #tpu.memory_space<semaphore_mem>>)
      %dma_wait3A = arith.constant 0 : i32
      %dma_wait3A_24 = tpu.memref_slice %arg3[%add3A, %multiple_of3A_12, %dma_wait3A] : memref<32x80x128xi32, #tpu.memory_space<hbm>> -> memref<1x40x128xi32, #tpu.memory_space<hbm>>
      %dma_wait3A_25 = tpu.memref_squeeze %dma_wait3A_24 : memref<1x40x128xi32, #tpu.memory_space<hbm>> -> memref<40x128xi32, #tpu.memory_space<hbm>>
      %dma_wait3A_26 = arith.constant 0 : i32
      %dma_wait3A_27 = tpu.memref_slice %arg3[%add3A, %multiple_of3A_12, %dma_wait3A_26] : memref<32x80x128xi32, #tpu.memory_space<hbm>> -> memref<1x40x128xi32, #tpu.memory_space<hbm>>
      %dma_wait3A_28 = tpu.memref_squeeze %dma_wait3A_27 : memref<1x40x128xi32, #tpu.memory_space<hbm>> -> memref<40x128xi32, #tpu.memory_space<hbm>>
      tpu.wait_dma2 semaphore(%arg15 : memref<!tpu.dma_semaphore, #tpu.memory_space<semaphore_mem>>) src(%dma_wait3A_28 : memref<40x128xi32, #tpu.memory_space<hbm>>) dst(%arg7 : memref<40x128xi32, #tpu.memory_space<vmem>>)
      %dma_wait3A_29 = arith.constant 0 : i32
      %dma_wait3A_30 = tpu.memref_slice %arg4[%add3A, %multiple_of3A_12, %dma_wait3A_29] : memref<32x80x128xi32, #tpu.memory_space<hbm>> -> memref<1x40x128xi32, #tpu.memory_space<hbm>>
      %dma_wait3A_31 = tpu.memref_squeeze %dma_wait3A_30 : memref<1x40x128xi32, #tpu.memory_space<hbm>> -> memref<40x128xi32, #tpu.memory_space<hbm>>
      %dma_wait3A_32 = arith.constant 0 : i32
      %dma_wait3A_33 = tpu.memref_slice %arg4[%add3A, %multiple_of3A_12, %dma_wait3A_32] : memref<32x80x128xi32, #tpu.memory_space<hbm>> -> memref<1x40x128xi32, #tpu.memory_space<hbm>>
      %dma_wait3A_34 = tpu.memref_squeeze %dma_wait3A_33 : memref<1x40x128xi32, #tpu.memory_space<hbm>> -> memref<40x128xi32, #tpu.memory_space<hbm>>
      tpu.wait_dma2 semaphore(%arg15 : memref<!tpu.dma_semaphore, #tpu.memory_space<semaphore_mem>>) src(%dma_wait3A_34 : memref<40x128xi32, #tpu.memory_space<hbm>>) dst(%arg8 : memref<40x128xi32, #tpu.memory_space<vmem>>)
      %scan3A_35 = arith.constant 0 : i32
      %scan3A_36 = arith.constant 0 : i32
      %scan3A_37 = arith.constant 20 : i32
      %scan3A_38 = arith.addi %scan3A_36, %scan3A_37 : i32
      %scan3A_39 = arith.constant 1 : i32
      scf.for %scan3A_41 = %scan3A_36 to %scan3A_38 step %scan3A_39  : i32 {
        %mul3A_42 = arith.constant 2 : i32
        %mul3A_43 = arith.muli %scan3A_41, %mul3A_42 : i32
        %add3A_44 = arith.constant 0 : i32
        %add3A_45 = arith.addi %mul3A_43, %add3A_44 : i32
        %dma_start3A_46 = arith.constant 0 : i32
        %dma_start3A_47 = arith.constant 0 : i32
        %dma_start3A_48 = arith.constant 0 : i32
        %dma_start3A_49 = tpu.memref_slice %arg9[%dma_start3A_46, %dma_start3A_47, %dma_start3A_48] : memref<2x128x128xf32, #tpu.memory_space<vmem>> -> memref<1x128x128xf32, #tpu.memory_space<vmem>>
        %dma_start3A_50 = tpu.memref_squeeze %dma_start3A_49 : memref<1x128x128xf32, #tpu.memory_space<vmem>> -> memref<128x128xf32, #tpu.memory_space<vmem>>
        %dma_start3A_51 = arith.constant 0 : i32
        %dma_start3A_52 = tpu.memref_slice %arg7[%add3A_45, %dma_start3A_51] : memref<40x128xi32, #tpu.memory_space<vmem>> -> memref<1x128xi32, #tpu.memory_space<vmem>>
        %dma_start3A_53 = tpu.memref_squeeze %dma_start3A_52 : memref<1x128xi32, #tpu.memory_space<vmem>> -> memref<128xi32, #tpu.memory_space<vmem>>
        %dma_start3A_54 = arith.constant 0 : i32
        %dma_start3A_55 = arith.constant 0 : i32
        %dma_start3A_56 = tpu.memref_slice %arg2[%dma_start3A_54, %dma_start3A_55] : memref<160000x128xf32, #tpu.memory_space<hbm>> -> memref<160000x128xf32, #tpu.memory_space<hbm>>
        tpu.enqueue_indirect_dma source(%dma_start3A_56 : memref<160000x128xf32, #tpu.memory_space<hbm>>) target(%dma_start3A_50 : memref<128x128xf32, #tpu.memory_space<vmem>>) offsets(%dma_start3A_53 : memref<128xi32, #tpu.memory_space<vmem>>) semaphore(%arg11 : memref<!tpu.dma_semaphore, #tpu.memory_space<semaphore_mem>>)
        %add3A_57 = arith.constant 1 : i32
        %add3A_58 = arith.addi %mul3A_43, %add3A_57 : i32
        %dma_start3A_59 = arith.constant 1 : i32
        %dma_start3A_60 = arith.constant 0 : i32
        %dma_start3A_61 = arith.constant 0 : i32
        %dma_start3A_62 = tpu.memref_slice %arg9[%dma_start3A_59, %dma_start3A_60, %dma_start3A_61] : memref<2x128x128xf32, #tpu.memory_space<vmem>> -> memref<1x128x128xf32, #tpu.memory_space<vmem>>
        %dma_start3A_63 = tpu.memref_squeeze %dma_start3A_62 : memref<1x128x128xf32, #tpu.memory_space<vmem>> -> memref<128x128xf32, #tpu.memory_space<vmem>>
        %dma_start3A_64 = arith.constant 0 : i32
        %dma_start3A_65 = tpu.memref_slice %arg7[%add3A_58, %dma_start3A_64] : memref<40x128xi32, #tpu.memory_space<vmem>> -> memref<1x128xi32, #tpu.memory_space<vmem>>
        %dma_start3A_66 = tpu.memref_squeeze %dma_start3A_65 : memref<1x128xi32, #tpu.memory_space<vmem>> -> memref<128xi32, #tpu.memory_space<vmem>>
        %dma_start3A_67 = arith.constant 0 : i32
        %dma_start3A_68 = arith.constant 0 : i32
        %dma_start3A_69 = tpu.memref_slice %arg2[%dma_start3A_67, %dma_start3A_68] : memref<160000x128xf32, #tpu.memory_space<hbm>> -> memref<160000x128xf32, #tpu.memory_space<hbm>>
        tpu.enqueue_indirect_dma source(%dma_start3A_69 : memref<160000x128xf32, #tpu.memory_space<hbm>>) target(%dma_start3A_63 : memref<128x128xf32, #tpu.memory_space<vmem>>) offsets(%dma_start3A_66 : memref<128xi32, #tpu.memory_space<vmem>>) semaphore(%arg12 : memref<!tpu.dma_semaphore, #tpu.memory_space<semaphore_mem>>)
        %dma_wait3A_70 = arith.constant 0 : i32
        %dma_wait3A_71 = arith.constant 0 : i32
        %dma_wait3A_72 = arith.constant 0 : i32
        %dma_wait3A_73 = tpu.memref_slice %arg9[%dma_wait3A_70, %dma_wait3A_71, %dma_wait3A_72] : memref<2x128x128xf32, #tpu.memory_space<vmem>> -> memref<1x128x128xf32, #tpu.memory_space<vmem>>
        %dma_wait3A_74 = tpu.memref_squeeze %dma_wait3A_73 : memref<1x128x128xf32, #tpu.memory_space<vmem>> -> memref<128x128xf32, #tpu.memory_space<vmem>>
        %dma_wait3A_75 = arith.constant 0 : i32
        %dma_wait3A_76 = tpu.memref_slice %arg7[%add3A_45, %dma_wait3A_75] : memref<40x128xi32, #tpu.memory_space<vmem>> -> memref<1x128xi32, #tpu.memory_space<vmem>>
        %dma_wait3A_77 = tpu.memref_squeeze %dma_wait3A_76 : memref<1x128xi32, #tpu.memory_space<vmem>> -> memref<128xi32, #tpu.memory_space<vmem>>
        %dma_wait3A_78 = arith.constant 0 : i32
        %dma_wait3A_79 = arith.constant 0 : i32
        %dma_wait3A_80 = tpu.memref_slice %arg2[%dma_wait3A_78, %dma_wait3A_79] : memref<160000x128xf32, #tpu.memory_space<hbm>> -> memref<160000x128xf32, #tpu.memory_space<hbm>>
        tpu.wait_indirect_dma semaphore(%arg11 : memref<!tpu.dma_semaphore, #tpu.memory_space<semaphore_mem>>) src(%dma_wait3A_80 : memref<160000x128xf32, #tpu.memory_space<hbm>>) dst(%dma_wait3A_74 : memref<128x128xf32, #tpu.memory_space<vmem>>)
        %add3A_81 = arith.constant 0 : i32
        %add3A_82 = arith.addi %mul3A_43, %add3A_81 : i32
        %run_scoped3A = arith.constant 0 : i32
        "tpu.region"() ({
          %run_scoped3A_97 = tpu.sem_alloc : memref<!tpu.dma_semaphore, #tpu.memory_space<semaphore_mem>>
          %dma_start3A_98 = arith.constant 0 : i32
          %dma_start3A_99 = arith.constant 0 : i32
          %dma_start3A_100 = tpu.memref_slice %arg9[%run_scoped3A, %dma_start3A_98, %dma_start3A_99] : memref<2x128x128xf32, #tpu.memory_space<vmem>> -> memref<1x128x128xf32, #tpu.memory_space<vmem>>
          %dma_start3A_101 = tpu.memref_squeeze %dma_start3A_100 : memref<1x128x128xf32, #tpu.memory_space<vmem>> -> memref<128x128xf32, #tpu.memory_space<vmem>>
          %dma_start3A_102 = arith.constant 0 : i32
          %dma_start3A_103 = tpu.memref_slice %arg8[%add3A_82, %dma_start3A_102] : memref<40x128xi32, #tpu.memory_space<vmem>> -> memref<1x128xi32, #tpu.memory_space<vmem>>
          %dma_start3A_104 = tpu.memref_squeeze %dma_start3A_103 : memref<1x128xi32, #tpu.memory_space<vmem>> -> memref<128xi32, #tpu.memory_space<vmem>>
          %dma_start3A_105 = arith.constant 0 : i32
          %dma_start3A_106 = arith.constant 0 : i32
          %dma_start3A_107 = tpu.memref_slice %arg10[%dma_start3A_105, %dma_start3A_106] : memref<10112x128xf32, #tpu.memory_space<vmem_shared>> -> memref<10112x128xf32, #tpu.memory_space<vmem_shared>>
          tpu.enqueue_indirect_dma source(%dma_start3A_101 : memref<128x128xf32, #tpu.memory_space<vmem>>) target(%dma_start3A_107 : memref<10112x128xf32, #tpu.memory_space<vmem_shared>>) offsets(%dma_start3A_104 : memref<128xi32, #tpu.memory_space<vmem>>) semaphore(%run_scoped3A_97 : memref<!tpu.dma_semaphore, #tpu.memory_space<semaphore_mem>>) {add = true}
          %dma_wait3A_108 = arith.constant 0 : i32
          %dma_wait3A_109 = arith.constant 0 : i32
          %dma_wait3A_110 = tpu.memref_slice %arg9[%run_scoped3A, %dma_wait3A_108, %dma_wait3A_109] : memref<2x128x128xf32, #tpu.memory_space<vmem>> -> memref<1x128x128xf32, #tpu.memory_space<vmem>>
          %dma_wait3A_111 = tpu.memref_squeeze %dma_wait3A_110 : memref<1x128x128xf32, #tpu.memory_space<vmem>> -> memref<128x128xf32, #tpu.memory_space<vmem>>
          %dma_wait3A_112 = arith.constant 0 : i32
          %dma_wait3A_113 = tpu.memref_slice %arg8[%add3A_82, %dma_wait3A_112] : memref<40x128xi32, #tpu.memory_space<vmem>> -> memref<1x128xi32, #tpu.memory_space<vmem>>
          %dma_wait3A_114 = tpu.memref_squeeze %dma_wait3A_113 : memref<1x128xi32, #tpu.memory_space<vmem>> -> memref<128xi32, #tpu.memory_space<vmem>>
          %dma_wait3A_115 = arith.constant 0 : i32
          %dma_wait3A_116 = arith.constant 0 : i32
          %dma_wait3A_117 = tpu.memref_slice %arg10[%dma_wait3A_115, %dma_wait3A_116] : memref<10112x128xf32, #tpu.memory_space<vmem_shared>> -> memref<10112x128xf32, #tpu.memory_space<vmem_shared>>
          tpu.wait_indirect_dma semaphore(%run_scoped3A_97 : memref<!tpu.dma_semaphore, #tpu.memory_space<semaphore_mem>>) src(%dma_wait3A_111 : memref<128x128xf32, #tpu.memory_space<vmem>>) dst(%dma_wait3A_117 : memref<10112x128xf32, #tpu.memory_space<vmem_shared>>)
          tpu.yield
        }) : () -> ()
        %dma_wait3A_83 = arith.constant 1 : i32
        %dma_wait3A_84 = arith.constant 0 : i32
        %dma_wait3A_85 = arith.constant 0 : i32
        %dma_wait3A_86 = tpu.memref_slice %arg9[%dma_wait3A_83, %dma_wait3A_84, %dma_wait3A_85] : memref<2x128x128xf32, #tpu.memory_space<vmem>> -> memref<1x128x128xf32, #tpu.memory_space<vmem>>
        %dma_wait3A_87 = tpu.memref_squeeze %dma_wait3A_86 : memref<1x128x128xf32, #tpu.memory_space<vmem>> -> memref<128x128xf32, #tpu.memory_space<vmem>>
        %dma_wait3A_88 = arith.constant 0 : i32
        %dma_wait3A_89 = tpu.memref_slice %arg7[%add3A_58, %dma_wait3A_88] : memref<40x128xi32, #tpu.memory_space<vmem>> -> memref<1x128xi32, #tpu.memory_space<vmem>>
        %dma_wait3A_90 = tpu.memref_squeeze %dma_wait3A_89 : memref<1x128xi32, #tpu.memory_space<vmem>> -> memref<128xi32, #tpu.memory_space<vmem>>
        %dma_wait3A_91 = arith.constant 0 : i32
        %dma_wait3A_92 = arith.constant 0 : i32
        %dma_wait3A_93 = tpu.memref_slice %arg2[%dma_wait3A_91, %dma_wait3A_92] : memref<160000x128xf32, #tpu.memory_space<hbm>> -> memref<160000x128xf32, #tpu.memory_space<hbm>>
        tpu.wait_indirect_dma semaphore(%arg12 : memref<!tpu.dma_semaphore, #tpu.memory_space<semaphore_mem>>) src(%dma_wait3A_93 : memref<160000x128xf32, #tpu.memory_space<hbm>>) dst(%dma_wait3A_87 : memref<128x128xf32, #tpu.memory_space<vmem>>)
        %add3A_94 = arith.constant 1 : i32
        %add3A_95 = arith.addi %mul3A_43, %add3A_94 : i32
        %run_scoped3A_96 = arith.constant 1 : i32
        "tpu.region"() ({
          %run_scoped3A_97 = tpu.sem_alloc : memref<!tpu.dma_semaphore, #tpu.memory_space<semaphore_mem>>
          %dma_start3A_98 = arith.constant 0 : i32
          %dma_start3A_99 = arith.constant 0 : i32
          %dma_start3A_100 = tpu.memref_slice %arg9[%run_scoped3A_96, %dma_start3A_98, %dma_start3A_99] : memref<2x128x128xf32, #tpu.memory_space<vmem>> -> memref<1x128x128xf32, #tpu.memory_space<vmem>>
          %dma_start3A_101 = tpu.memref_squeeze %dma_start3A_100 : memref<1x128x128xf32, #tpu.memory_space<vmem>> -> memref<128x128xf32, #tpu.memory_space<vmem>>
          %dma_start3A_102 = arith.constant 0 : i32
          %dma_start3A_103 = tpu.memref_slice %arg8[%add3A_95, %dma_start3A_102] : memref<40x128xi32, #tpu.memory_space<vmem>> -> memref<1x128xi32, #tpu.memory_space<vmem>>
          %dma_start3A_104 = tpu.memref_squeeze %dma_start3A_103 : memref<1x128xi32, #tpu.memory_space<vmem>> -> memref<128xi32, #tpu.memory_space<vmem>>
          %dma_start3A_105 = arith.constant 0 : i32
          %dma_start3A_106 = arith.constant 0 : i32
          %dma_start3A_107 = tpu.memref_slice %arg10[%dma_start3A_105, %dma_start3A_106] : memref<10112x128xf32, #tpu.memory_space<vmem_shared>> -> memref<10112x128xf32, #tpu.memory_space<vmem_shared>>
          tpu.enqueue_indirect_dma source(%dma_start3A_101 : memref<128x128xf32, #tpu.memory_space<vmem>>) target(%dma_start3A_107 : memref<10112x128xf32, #tpu.memory_space<vmem_shared>>) offsets(%dma_start3A_104 : memref<128xi32, #tpu.memory_space<vmem>>) semaphore(%run_scoped3A_97 : memref<!tpu.dma_semaphore, #tpu.memory_space<semaphore_mem>>) {add = true}
          %dma_wait3A_108 = arith.constant 0 : i32
          %dma_wait3A_109 = arith.constant 0 : i32
          %dma_wait3A_110 = tpu.memref_slice %arg9[%run_scoped3A_96, %dma_wait3A_108, %dma_wait3A_109] : memref<2x128x128xf32, #tpu.memory_space<vmem>> -> memref<1x128x128xf32, #tpu.memory_space<vmem>>
          %dma_wait3A_111 = tpu.memref_squeeze %dma_wait3A_110 : memref<1x128x128xf32, #tpu.memory_space<vmem>> -> memref<128x128xf32, #tpu.memory_space<vmem>>
          %dma_wait3A_112 = arith.constant 0 : i32
          %dma_wait3A_113 = tpu.memref_slice %arg8[%add3A_95, %dma_wait3A_112] : memref<40x128xi32, #tpu.memory_space<vmem>> -> memref<1x128xi32, #tpu.memory_space<vmem>>
          %dma_wait3A_114 = tpu.memref_squeeze %dma_wait3A_113 : memref<1x128xi32, #tpu.memory_space<vmem>> -> memref<128xi32, #tpu.memory_space<vmem>>
          %dma_wait3A_115 = arith.constant 0 : i32
          %dma_wait3A_116 = arith.constant 0 : i32
          %dma_wait3A_117 = tpu.memref_slice %arg10[%dma_wait3A_115, %dma_wait3A_116] : memref<10112x128xf32, #tpu.memory_space<vmem_shared>> -> memref<10112x128xf32, #tpu.memory_space<vmem_shared>>
          tpu.wait_indirect_dma semaphore(%run_scoped3A_97 : memref<!tpu.dma_semaphore, #tpu.memory_space<semaphore_mem>>) src(%dma_wait3A_111 : memref<128x128xf32, #tpu.memory_space<vmem>>) dst(%dma_wait3A_117 : memref<10112x128xf32, #tpu.memory_space<vmem_shared>>)
          tpu.yield
        }) : () -> ()
      }
      %scan3A_40 = arith.constant 20 : i32
    }
    %scan3A_7 = arith.constant 2 : i32
    %barrier3A_8 = arith.constant 0 : index
    tpu.barrier barrier_id(%barrier3A_8)
    "tpu.region"() ({
      %run_scoped3A = tpu.sem_alloc : memref<!tpu.dma_semaphore, #tpu.memory_space<semaphore_mem>>
      %dma_start3A = arith.constant 0 : i32
      %dma_start3A_9 = tpu.memref_slice %arg6[%arg0, %multiple_of3A, %dma_start3A] : memref<2x10112x128xf32, #tpu.memory_space<hbm>> -> memref<1x632x128xf32, #tpu.memory_space<hbm>>
      %dma_start3A_10 = tpu.memref_squeeze %dma_start3A_9 : memref<1x632x128xf32, #tpu.memory_space<hbm>> -> memref<632x128xf32, #tpu.memory_space<hbm>>
      %dma_start3A_11 = arith.constant 0 : i32
      %dma_start3A_12 = tpu.memref_slice %arg10[%multiple_of3A, %dma_start3A_11] : memref<10112x128xf32, #tpu.memory_space<vmem_shared>> -> memref<632x128xf32, #tpu.memory_space<vmem_shared>>
      tpu.enqueue_dma source(%dma_start3A_12 : memref<632x128xf32, #tpu.memory_space<vmem_shared>>) target(%dma_start3A_10 : memref<632x128xf32, #tpu.memory_space<hbm>>) target_semaphore(%run_scoped3A : memref<!tpu.dma_semaphore, #tpu.memory_space<semaphore_mem>>)
      %dma_wait3A = arith.constant 0 : i32
      %dma_wait3A_13 = tpu.memref_slice %arg6[%arg0, %multiple_of3A, %dma_wait3A] : memref<2x10112x128xf32, #tpu.memory_space<hbm>> -> memref<1x632x128xf32, #tpu.memory_space<hbm>>
      %dma_wait3A_14 = tpu.memref_squeeze %dma_wait3A_13 : memref<1x632x128xf32, #tpu.memory_space<hbm>> -> memref<632x128xf32, #tpu.memory_space<hbm>>
      %dma_wait3A_15 = arith.constant 0 : i32
      %dma_wait3A_16 = tpu.memref_slice %arg10[%multiple_of3A, %dma_wait3A_15] : memref<10112x128xf32, #tpu.memory_space<vmem_shared>> -> memref<632x128xf32, #tpu.memory_space<vmem_shared>>
      tpu.wait_dma2 semaphore(%run_scoped3A : memref<!tpu.dma_semaphore, #tpu.memory_space<semaphore_mem>>) src(%dma_wait3A_16 : memref<632x128xf32, #tpu.memory_space<vmem_shared>>) dst(%dma_wait3A_14 : memref<632x128xf32, #tpu.memory_space<hbm>>)
      tpu.yield
    }) : () -> ()
    return
  }
}

module attributes {stable_mosaic.version = 14 : i64} {
  func.func @body(%arg0: i32, %arg1: i32, %arg2: memref<1000x128xf32, #tpu.memory_space<vmem>>, %arg3: memref<1x128x128xf32, #tpu.memory_space<vmem>>, %arg4: memref<1x1x128xf32, #tpu.memory_space<vmem>>, %arg5: memref<1x1000x128xf32, #tpu.memory_space<vmem>>) attributes {dimension_semantics = [#tpu.dimension_semantics<arbitrary>, #tpu.dimension_semantics<arbitrary>], iteration_bounds = array<i64: 10, 16>, scalar_prefetch = 0 : i64, scratch_operands = 0 : i64, tpu.core_type = #tpu.core_type<tc>, window_params = [{transform_indices = @transform_0, window_bounds = array<i64: 1000, 128>}, {transform_indices = @transform_1, window_bounds = array<i64: 1, 128, 128>}, {transform_indices = @transform_2, window_bounds = array<i64: 1, 1, 128>}, {transform_indices = @transform_3, window_bounds = array<i64: 1, 1000, 128>}]} {
    %get3A = arith.constant 0 : index
    %get3A_0 = arith.constant 0 : index
    %get3A_1 = vector.load %arg2[%get3A, %get3A_0] : memref<1000x128xf32, #tpu.memory_space<vmem>>, vector<1000x128xf32>
    %get3A_2 = arith.constant 0 : index
    %get3A_3 = arith.constant 0 : index
    %get3A_4 = arith.constant 0 : index
    %get3A_5 = vector.load %arg3[%get3A_2, %get3A_3, %get3A_4] : memref<1x128x128xf32, #tpu.memory_space<vmem>>, vector<1x128x128xf32>
    %get3A_6 = vector.shape_cast %get3A_5 : vector<1x128x128xf32> to vector<128x128xf32>
    %dot_general3A = arith.constant dense<0.000000e+00> : vector<1000x128xf32>
    %dot_general3A_7 = tpu.matmul %get3A_1, %get3A_6, %dot_general3A {dimension_numbers = #tpu.dot_dimension_numbers<[1], [0], [0], [1], [0, 0, 1, 1], [], []>, transpose_lhs_hint = false} : vector<1000x128xf32>, vector<128x128xf32>, vector<1000x128xf32> -> vector<1000x128xf32>
    %get3A_8 = arith.constant 0 : index
    %get3A_9 = arith.constant 0 : index
    %get3A_10 = arith.constant 0 : index
    %get3A_11 = vector.load %arg4[%get3A_8, %get3A_9, %get3A_10] : memref<1x1x128xf32, #tpu.memory_space<vmem>>, vector<1x1x128xf32>
    %get3A_12 = vector.shape_cast %get3A_11 : vector<1x1x128xf32> to vector<1x128xf32>
    %add3A = vector.broadcast %get3A_12 : vector<1x128xf32> to vector<1000x128xf32>
    %add3A_13 = arith.addf %dot_general3A_7, %add3A : vector<1000x128xf32>
    %swap3A = arith.constant 0 : index
    %swap3A_14 = arith.constant 0 : index
    %swap3A_15 = arith.constant 0 : index
    %swap3A_16 = vector.load %arg5[%swap3A, %swap3A_14, %swap3A_15] : memref<1x1000x128xf32, #tpu.memory_space<vmem>>, vector<1x1000x128xf32>
    %swap3A_17 = vector.shape_cast %swap3A_16 : vector<1x1000x128xf32> to vector<1000x128xf32>
    %swap3A_18 = vector.shape_cast %add3A_13 : vector<1000x128xf32> to vector<1x1000x128xf32>
    tpu.vector_store %arg5[%swap3A, %swap3A_14, %swap3A_15], %swap3A_18 {strides = array<i32>} : memref<1x1000x128xf32, #tpu.memory_space<vmem>>, vector<1x1000x128xf32>,
    return
  }
  func.func @transform_0(%arg0: i32, %arg1: i32) -> (i32, i32) {
    %c0_i32 = arith.constant 0 : i32
    %c0_i32_0 = arith.constant 0 : i32
    return %arg0, %c0_i32 : i32, i32
  }
  func.func @transform_1(%arg0: i32, %arg1: i32) -> (i32, i32, i32) {
    %c0_i32 = arith.constant 0 : i32
    %c0_i32_0 = arith.constant 0 : i32
    %c0_i32_1 = arith.constant 0 : i32
    return %arg1, %c0_i32, %c0_i32_0 : i32, i32, i32
  }
  func.func @transform_2(%arg0: i32, %arg1: i32) -> (i32, i32, i32) {
    %c0_i32 = arith.constant 0 : i32
    %c0_i32_0 = arith.constant 0 : i32
    %c0_i32_1 = arith.constant 0 : i32
    return %arg1, %c0_i32, %c0_i32_0 : i32, i32, i32
  }
  func.func @transform_3(%arg0: i32, %arg1: i32) -> (i32, i32, i32) {
    %c0_i32 = arith.constant 0 : i32
    %c0_i32_0 = arith.constant 0 : i32
    return %arg1, %arg0, %c0_i32 : i32, i32, i32
  }
}

module attributes {stable_mosaic.version = 14 : i64} {
  func.func @body(%arg0: i32, %arg1: memref<2x1000x128xf32, #tpu.memory_space<vmem>>, %arg2: memref<1000x128xf32, #tpu.memory_space<vmem>>, %arg3: memref<128x384xf32, #tpu.memory_space<vmem>>, %arg4: memref<128x384xf32, #tpu.memory_space<vmem>>, %arg5: memref<1x384xf32, #tpu.memory_space<vmem>>, %arg6: memref<1x384xf32, #tpu.memory_space<vmem>>, %arg7: memref<1000x128xf32, #tpu.memory_space<vmem>>) attributes {dimension_semantics = [#tpu.dimension_semantics<arbitrary>], iteration_bounds = array<i64: 10>, scalar_prefetch = 0 : i64, scratch_operands = 0 : i64, tpu.core_type = #tpu.core_type<tc>, window_params = [{transform_indices = @transform_0, window_bounds = array<i64: 2, 1000, 128>}, {transform_indices = @transform_1, window_bounds = array<i64: 1000, 128>}, {pipeline_mode = #tpu.pipeline_mode<synchronous>, transform_indices = @transform_2, window_bounds = array<i64: 128, 384>}, {pipeline_mode = #tpu.pipeline_mode<synchronous>, transform_indices = @transform_3, window_bounds = array<i64: 128, 384>}, {pipeline_mode = #tpu.pipeline_mode<synchronous>, transform_indices = @transform_4, window_bounds = array<i64: 1, 384>}, {pipeline_mode = #tpu.pipeline_mode<synchronous>, transform_indices = @transform_5, window_bounds = array<i64: 1, 384>}, {transform_indices = @transform_6, window_bounds = array<i64: 1000, 128>}]} {
    %get3A = arith.constant 0 : index
    %get3A_0 = arith.constant 0 : index
    %get3A_1 = arith.constant 0 : index
    %get3A_2 = vector.load %arg1[%get3A, %get3A_0, %get3A_1] : memref<2x1000x128xf32, #tpu.memory_space<vmem>>, vector<1x1000x128xf32>
    %get3A_3 = vector.shape_cast %get3A_2 : vector<1x1000x128xf32> to vector<1000x128xf32>
    %get3A_4 = arith.constant 1 : index
    %get3A_5 = arith.constant 0 : index
    %get3A_6 = arith.constant 0 : index
    %get3A_7 = vector.load %arg1[%get3A_4, %get3A_5, %get3A_6] : memref<2x1000x128xf32, #tpu.memory_space<vmem>>, vector<1x1000x128xf32>
    %get3A_8 = vector.shape_cast %get3A_7 : vector<1x1000x128xf32> to vector<1000x128xf32>
    %add3A = arith.addf %get3A_3, %get3A_8 : vector<1000x128xf32>
    %get3A_9 = arith.constant 0 : index
    %get3A_10 = arith.constant 0 : index
    %get3A_11 = vector.load %arg2[%get3A_9, %get3A_10] : memref<1000x128xf32, #tpu.memory_space<vmem>>, vector<1000x128xf32>
    %get3A_12 = arith.constant 0 : index
    %get3A_13 = arith.constant 0 : index
    %get3A_14 = vector.load %arg3[%get3A_12, %get3A_13] : memref<128x384xf32, #tpu.memory_space<vmem>>, vector<128x384xf32>
    %dot_general3A = arith.constant dense<0.000000e+00> : vector<1000x384xf32>
    %dot_general3A_15 = tpu.matmul %add3A, %get3A_14, %dot_general3A {dimension_numbers = #tpu.dot_dimension_numbers<[1], [0], [0], [1], [0, 0, 1, 1], [], []>, transpose_lhs_hint = false} : vector<1000x128xf32>, vector<128x384xf32>, vector<1000x384xf32> -> vector<1000x384xf32>
    %get3A_16 = arith.constant 0 : index
    %get3A_17 = arith.constant 0 : index
    %get3A_18 = vector.load %arg5[%get3A_16, %get3A_17] : memref<1x384xf32, #tpu.memory_space<vmem>>, vector<1x384xf32>
    %add3A_19 = vector.broadcast %get3A_18 : vector<1x384xf32> to vector<1000x384xf32>
    %add3A_20 = arith.addf %dot_general3A_15, %add3A_19 : vector<1000x384xf32>
    %get3A_21 = arith.constant 0 : index
    %get3A_22 = arith.constant 0 : index
    %get3A_23 = vector.load %arg4[%get3A_21, %get3A_22] : memref<128x384xf32, #tpu.memory_space<vmem>>, vector<128x384xf32>
    %dot_general3A_24 = arith.constant dense<0.000000e+00> : vector<1000x384xf32>
    %dot_general3A_25 = tpu.matmul %get3A_11, %get3A_23, %dot_general3A_24 {dimension_numbers = #tpu.dot_dimension_numbers<[1], [0], [0], [1], [0, 0, 1, 1], [], []>, transpose_lhs_hint = false} : vector<1000x128xf32>, vector<128x384xf32>, vector<1000x384xf32> -> vector<1000x384xf32>
    %get3A_26 = arith.constant 0 : index
    %get3A_27 = arith.constant 0 : index
    %get3A_28 = vector.load %arg6[%get3A_26, %get3A_27] : memref<1x384xf32, #tpu.memory_space<vmem>>, vector<1x384xf32>
    %add3A_29 = vector.broadcast %get3A_28 : vector<1x384xf32> to vector<1000x384xf32>
    %add3A_30 = arith.addf %dot_general3A_25, %add3A_29 : vector<1000x384xf32>
    %slice3A = vector.extract_strided_slice %add3A_20 {offsets = [0, 0], sizes = [1000, 128], strides = [1, 1]} : vector<1000x384xf32> to vector<1000x128xf32>
    %slice3A_31 = vector.extract_strided_slice %add3A_30 {offsets = [0, 0], sizes = [1000, 128], strides = [1, 1]} : vector<1000x384xf32> to vector<1000x128xf32>
    %add3A_32 = arith.addf %slice3A, %slice3A_31 : vector<1000x128xf32>
    %logistic3A = arith.negf %add3A_32 : vector<1000x128xf32>
    %logistic3A_33 = math.exp %logistic3A : vector<1000x128xf32>
    %logistic3A_34 = arith.constant 1.000000e+00 : f32
    %logistic3A_35 = vector.broadcast %logistic3A_34 : f32 to vector<1000x128xf32>
    %logistic3A_36 = arith.addf %logistic3A_35, %logistic3A_33 : vector<1000x128xf32>
    %logistic3A_37 = arith.divf %logistic3A_35, %logistic3A_36 : vector<1000x128xf32>
    %slice3A_38 = vector.extract_strided_slice %add3A_20 {offsets = [0, 128], sizes = [1000, 128], strides = [1, 1]} : vector<1000x384xf32> to vector<1000x128xf32>
    %slice3A_39 = vector.extract_strided_slice %add3A_30 {offsets = [0, 128], sizes = [1000, 128], strides = [1, 1]} : vector<1000x384xf32> to vector<1000x128xf32>
    %add3A_40 = arith.addf %slice3A_38, %slice3A_39 : vector<1000x128xf32>
    %logistic3A_41 = arith.negf %add3A_40 : vector<1000x128xf32>
    %logistic3A_42 = math.exp %logistic3A_41 : vector<1000x128xf32>
    %logistic3A_43 = arith.constant 1.000000e+00 : f32
    %logistic3A_44 = vector.broadcast %logistic3A_43 : f32 to vector<1000x128xf32>
    %logistic3A_45 = arith.addf %logistic3A_44, %logistic3A_42 : vector<1000x128xf32>
    %logistic3A_46 = arith.divf %logistic3A_44, %logistic3A_45 : vector<1000x128xf32>
    %slice3A_47 = vector.extract_strided_slice %add3A_20 {offsets = [0, 256], sizes = [1000, 128], strides = [1, 1]} : vector<1000x384xf32> to vector<1000x128xf32>
    %slice3A_48 = vector.extract_strided_slice %add3A_30 {offsets = [0, 256], sizes = [1000, 128], strides = [1, 1]} : vector<1000x384xf32> to vector<1000x128xf32>
    %mul3A = arith.mulf %logistic3A_37, %slice3A_48 : vector<1000x128xf32>
    %add3A_49 = arith.addf %slice3A_47, %mul3A : vector<1000x128xf32>
    %tanh3A = math.tanh %add3A_49 : vector<1000x128xf32>
    %sub3A = arith.constant 1.000000e+00 : f32
    %sub3A_50 = vector.broadcast %sub3A : f32 to vector<1000x128xf32>
    %sub3A_51 = arith.subf %sub3A_50, %logistic3A_46 : vector<1000x128xf32>
    %mul3A_52 = arith.mulf %sub3A_51, %tanh3A : vector<1000x128xf32>
    %mul3A_53 = arith.mulf %logistic3A_46, %get3A_11 : vector<1000x128xf32>
    %add3A_54 = arith.addf %mul3A_52, %mul3A_53 : vector<1000x128xf32>
    %swap3A = arith.constant 0 : index
    %swap3A_55 = arith.constant 0 : index
    %swap3A_56 = vector.load %arg7[%swap3A, %swap3A_55] : memref<1000x128xf32, #tpu.memory_space<vmem>>, vector<1000x128xf32>
    tpu.vector_store %arg7[%swap3A, %swap3A_55], %add3A_54 {strides = array<i32>} : memref<1000x128xf32, #tpu.memory_space<vmem>>, vector<1000x128xf32>,
    return
  }
  func.func @transform_0(%arg0: i32) -> (i32, i32, i32) {
    %c0_i32 = arith.constant 0 : i32
    %c0_i32_0 = arith.constant 0 : i32
    %c0_i32_1 = arith.constant 0 : i32
    return %c0_i32, %arg0, %c0_i32_0 : i32, i32, i32
  }
  func.func @transform_1(%arg0: i32) -> (i32, i32) {
    %c0_i32 = arith.constant 0 : i32
    %c0_i32_0 = arith.constant 0 : i32
    return %arg0, %c0_i32 : i32, i32
  }
  func.func @transform_2(%arg0: i32) -> (i32, i32) {
    %c0_i32 = arith.constant 0 : i32
    %c0_i32_0 = arith.constant 0 : i32
    %c0_i32_1 = arith.constant 0 : i32
    return %c0_i32, %c0_i32_0 : i32, i32
  }
  func.func @transform_3(%arg0: i32) -> (i32, i32) {
    %c0_i32 = arith.constant 0 : i32
    %c0_i32_0 = arith.constant 0 : i32
    %c0_i32_1 = arith.constant 0 : i32
    return %c0_i32, %c0_i32_0 : i32, i32
  }
  func.func @transform_4(%arg0: i32) -> (i32, i32) {
    %c0_i32 = arith.constant 0 : i32
    %c0_i32_0 = arith.constant 0 : i32
    %c0_i32_1 = arith.constant 0 : i32
    return %c0_i32, %c0_i32_0 : i32, i32
  }
  func.func @transform_5(%arg0: i32) -> (i32, i32) {
    %c0_i32 = arith.constant 0 : i32
    %c0_i32_0 = arith.constant 0 : i32
    %c0_i32_1 = arith.constant 0 : i32
    return %c0_i32, %c0_i32_0 : i32, i32
  }
  func.func @transform_6(%arg0: i32) -> (i32, i32) {
    %c0_i32 = arith.constant 0 : i32
    %c0_i32_0 = arith.constant 0 : i32
    return %arg0, %c0_i32 : i32, i32
  }
}

module attributes {stable_mosaic.version = 14 : i64} {
  func.func @body(%arg0: i32, %arg1: memref<2x1000x128xf32, #tpu.memory_space<vmem>>, %arg2: memref<1000x128xf32, #tpu.memory_space<vmem>>, %arg3: memref<128x384xf32, #tpu.memory_space<vmem>>, %arg4: memref<128x384xf32, #tpu.memory_space<vmem>>, %arg5: memref<1x384xf32, #tpu.memory_space<vmem>>, %arg6: memref<1x384xf32, #tpu.memory_space<vmem>>, %arg7: memref<1000x128xf32, #tpu.memory_space<vmem>>) attributes {dimension_semantics = [#tpu.dimension_semantics<arbitrary>], iteration_bounds = array<i64: 10>, scalar_prefetch = 0 : i64, scratch_operands = 0 : i64, tpu.core_type = #tpu.core_type<tc>, window_params = [{transform_indices = @transform_0, window_bounds = array<i64: 2, 1000, 128>}, {transform_indices = @transform_1, window_bounds = array<i64: 1000, 128>}, {pipeline_mode = #tpu.pipeline_mode<synchronous>, transform_indices = @transform_2, window_bounds = array<i64: 128, 384>}, {pipeline_mode = #tpu.pipeline_mode<synchronous>, transform_indices = @transform_3, window_bounds = array<i64: 128, 384>}, {pipeline_mode = #tpu.pipeline_mode<synchronous>, transform_indices = @transform_4, window_bounds = array<i64: 1, 384>}, {pipeline_mode = #tpu.pipeline_mode<synchronous>, transform_indices = @transform_5, window_bounds = array<i64: 1, 384>}, {transform_indices = @transform_6, window_bounds = array<i64: 1000, 128>}]} {
    %get3A = arith.constant 0 : index
    %get3A_0 = arith.constant 0 : index
    %get3A_1 = arith.constant 0 : index
    %get3A_2 = vector.load %arg1[%get3A, %get3A_0, %get3A_1] : memref<2x1000x128xf32, #tpu.memory_space<vmem>>, vector<1x1000x128xf32>
    %get3A_3 = vector.shape_cast %get3A_2 : vector<1x1000x128xf32> to vector<1000x128xf32>
    %get3A_4 = arith.constant 1 : index
    %get3A_5 = arith.constant 0 : index
    %get3A_6 = arith.constant 0 : index
    %get3A_7 = vector.load %arg1[%get3A_4, %get3A_5, %get3A_6] : memref<2x1000x128xf32, #tpu.memory_space<vmem>>, vector<1x1000x128xf32>
    %get3A_8 = vector.shape_cast %get3A_7 : vector<1x1000x128xf32> to vector<1000x128xf32>
    %add3A = arith.addf %get3A_3, %get3A_8 : vector<1000x128xf32>
    %get3A_9 = arith.constant 0 : index
    %get3A_10 = arith.constant 0 : index
    %get3A_11 = vector.load %arg2[%get3A_9, %get3A_10] : memref<1000x128xf32, #tpu.memory_space<vmem>>, vector<1000x128xf32>
    %get3A_12 = arith.constant 0 : index
    %get3A_13 = arith.constant 0 : index
    %get3A_14 = vector.load %arg3[%get3A_12, %get3A_13] : memref<128x384xf32, #tpu.memory_space<vmem>>, vector<128x384xf32>
    %dot_general3A = arith.constant dense<0.000000e+00> : vector<1000x384xf32>
    %dot_general3A_15 = tpu.matmul %add3A, %get3A_14, %dot_general3A {dimension_numbers = #tpu.dot_dimension_numbers<[1], [0], [0], [1], [0, 0, 1, 1], [], []>, transpose_lhs_hint = false} : vector<1000x128xf32>, vector<128x384xf32>, vector<1000x384xf32> -> vector<1000x384xf32>
    %get3A_16 = arith.constant 0 : index
    %get3A_17 = arith.constant 0 : index
    %get3A_18 = vector.load %arg5[%get3A_16, %get3A_17] : memref<1x384xf32, #tpu.memory_space<vmem>>, vector<1x384xf32>
    %add3A_19 = vector.broadcast %get3A_18 : vector<1x384xf32> to vector<1000x384xf32>
    %add3A_20 = arith.addf %dot_general3A_15, %add3A_19 : vector<1000x384xf32>
    %get3A_21 = arith.constant 0 : index
    %get3A_22 = arith.constant 0 : index
    %get3A_23 = vector.load %arg4[%get3A_21, %get3A_22] : memref<128x384xf32, #tpu.memory_space<vmem>>, vector<128x384xf32>
    %dot_general3A_24 = arith.constant dense<0.000000e+00> : vector<1000x384xf32>
    %dot_general3A_25 = tpu.matmul %get3A_11, %get3A_23, %dot_general3A_24 {dimension_numbers = #tpu.dot_dimension_numbers<[1], [0], [0], [1], [0, 0, 1, 1], [], []>, transpose_lhs_hint = false} : vector<1000x128xf32>, vector<128x384xf32>, vector<1000x384xf32> -> vector<1000x384xf32>
    %get3A_26 = arith.constant 0 : index
    %get3A_27 = arith.constant 0 : index
    %get3A_28 = vector.load %arg6[%get3A_26, %get3A_27] : memref<1x384xf32, #tpu.memory_space<vmem>>, vector<1x384xf32>
    %add3A_29 = vector.broadcast %get3A_28 : vector<1x384xf32> to vector<1000x384xf32>
    %add3A_30 = arith.addf %dot_general3A_25, %add3A_29 : vector<1000x384xf32>
    %slice3A = vector.extract_strided_slice %add3A_20 {offsets = [0, 0], sizes = [1000, 128], strides = [1, 1]} : vector<1000x384xf32> to vector<1000x128xf32>
    %slice3A_31 = vector.extract_strided_slice %add3A_30 {offsets = [0, 0], sizes = [1000, 128], strides = [1, 1]} : vector<1000x384xf32> to vector<1000x128xf32>
    %add3A_32 = arith.addf %slice3A, %slice3A_31 : vector<1000x128xf32>
    %logistic3A = arith.negf %add3A_32 : vector<1000x128xf32>
    %logistic3A_33 = math.exp %logistic3A : vector<1000x128xf32>
    %logistic3A_34 = arith.constant 1.000000e+00 : f32
    %logistic3A_35 = vector.broadcast %logistic3A_34 : f32 to vector<1000x128xf32>
    %logistic3A_36 = arith.addf %logistic3A_35, %logistic3A_33 : vector<1000x128xf32>
    %logistic3A_37 = arith.divf %logistic3A_35, %logistic3A_36 : vector<1000x128xf32>
    %slice3A_38 = vector.extract_strided_slice %add3A_20 {offsets = [0, 128], sizes = [1000, 128], strides = [1, 1]} : vector<1000x384xf32> to vector<1000x128xf32>
    %slice3A_39 = vector.extract_strided_slice %add3A_30 {offsets = [0, 128], sizes = [1000, 128], strides = [1, 1]} : vector<1000x384xf32> to vector<1000x128xf32>
    %add3A_40 = arith.addf %slice3A_38, %slice3A_39 : vector<1000x128xf32>
    %logistic3A_41 = arith.negf %add3A_40 : vector<1000x128xf32>
    %logistic3A_42 = math.exp %logistic3A_41 : vector<1000x128xf32>
    %logistic3A_43 = arith.constant 1.000000e+00 : f32
    %logistic3A_44 = vector.broadcast %logistic3A_43 : f32 to vector<1000x128xf32>
    %logistic3A_45 = arith.addf %logistic3A_44, %logistic3A_42 : vector<1000x128xf32>
    %logistic3A_46 = arith.divf %logistic3A_44, %logistic3A_45 : vector<1000x128xf32>
    %slice3A_47 = vector.extract_strided_slice %add3A_20 {offsets = [0, 256], sizes = [1000, 128], strides = [1, 1]} : vector<1000x384xf32> to vector<1000x128xf32>
    %slice3A_48 = vector.extract_strided_slice %add3A_30 {offsets = [0, 256], sizes = [1000, 128], strides = [1, 1]} : vector<1000x384xf32> to vector<1000x128xf32>
    %mul3A = arith.mulf %logistic3A_37, %slice3A_48 : vector<1000x128xf32>
    %add3A_49 = arith.addf %slice3A_47, %mul3A : vector<1000x128xf32>
    %tanh3A = math.tanh %add3A_49 : vector<1000x128xf32>
    %sub3A = arith.constant 1.000000e+00 : f32
    %sub3A_50 = vector.broadcast %sub3A : f32 to vector<1000x128xf32>
    %sub3A_51 = arith.subf %sub3A_50, %logistic3A_46 : vector<1000x128xf32>
    %mul3A_52 = arith.mulf %sub3A_51, %tanh3A : vector<1000x128xf32>
    %mul3A_53 = arith.mulf %logistic3A_46, %get3A_11 : vector<1000x128xf32>
    %add3A_54 = arith.addf %mul3A_52, %mul3A_53 : vector<1000x128xf32>
    %swap3A = arith.constant 0 : index
    %swap3A_55 = arith.constant 0 : index
    %swap3A_56 = vector.load %arg7[%swap3A, %swap3A_55] : memref<1000x128xf32, #tpu.memory_space<vmem>>, vector<1000x128xf32>
    tpu.vector_store %arg7[%swap3A, %swap3A_55], %add3A_54 {strides = array<i32>} : memref<1000x128xf32, #tpu.memory_space<vmem>>, vector<1000x128xf32>,
    return
  }
  func.func @transform_0(%arg0: i32) -> (i32, i32, i32) {
    %c0_i32 = arith.constant 0 : i32
    %c0_i32_0 = arith.constant 0 : i32
    %c0_i32_1 = arith.constant 0 : i32
    return %c0_i32, %arg0, %c0_i32_0 : i32, i32, i32
  }
  func.func @transform_1(%arg0: i32) -> (i32, i32) {
    %c0_i32 = arith.constant 0 : i32
    %c0_i32_0 = arith.constant 0 : i32
    return %arg0, %c0_i32 : i32, i32
  }
  func.func @transform_2(%arg0: i32) -> (i32, i32) {
    %c0_i32 = arith.constant 0 : i32
    %c0_i32_0 = arith.constant 0 : i32
    %c0_i32_1 = arith.constant 0 : i32
    return %c0_i32, %c0_i32_0 : i32, i32
  }
  func.func @transform_3(%arg0: i32) -> (i32, i32) {
    %c0_i32 = arith.constant 0 : i32
    %c0_i32_0 = arith.constant 0 : i32
    %c0_i32_1 = arith.constant 0 : i32
    return %c0_i32, %c0_i32_0 : i32, i32
  }
  func.func @transform_4(%arg0: i32) -> (i32, i32) {
    %c0_i32 = arith.constant 0 : i32
    %c0_i32_0 = arith.constant 0 : i32
    %c0_i32_1 = arith.constant 0 : i32
    return %c0_i32, %c0_i32_0 : i32, i32
  }
  func.func @transform_5(%arg0: i32) -> (i32, i32) {
    %c0_i32 = arith.constant 0 : i32
    %c0_i32_0 = arith.constant 0 : i32
    %c0_i32_1 = arith.constant 0 : i32
    return %c0_i32, %c0_i32_0 : i32, i32
  }
  func.func @transform_6(%arg0: i32) -> (i32, i32) {
    %c0_i32 = arith.constant 0 : i32
    %c0_i32_0 = arith.constant 0 : i32
    return %arg0, %c0_i32 : i32, i32
  }
}

</mosaic_0001>

<sc_bundles>
// kernel: kernel.18.cloned.1.call-start
scs
__scs_entry_jumppad:
0x0: {  	(pc) =	sbr.rel $0x88, $3  }
0x1: {  	(tag) =	ssettag $0x0;
	lr =	simm.s32 $0x1  }
0x2: {  	[smem:$0x3F97] =	sst lr;
	_ =	strace $0xD0000000  }
0x3: {  	_ = 	snop  }
0x4: {  	_ = 	snop  }
0x5: {  	_ = 	snop  }
0x6: {  	_ = 	snop  }
0x7: {  	_ = 	snop  }
__scs_overlays_trampoline_lowered:
0x8: {  	[smem:$0x3FA6] =	sst s0  }
0x9: {  	[smem:$0x3FA7] =	sst s1  }
0xa: {  	[smem:$0x3FA8] =	sst s2  }
0xb: {  	[smem:$0x3FA9] =	sst s3  }
0xc: {  	[smem:$0x3FAA] =	sst s4  }
0xd: {  	[smem:$0x3FAB] =	sst s5  }
0xe: {  	[smem:$0x3FAC] =	sst s6  }
0xf: {  	[smem:$0x3FAD] =	sst s7  }
0x10: {  	[smem:$0x3FAE] =	sst s8  }
0x11: {  	[smem:$0x3FAF] =	sst s9;
	s0 =	simm.s32 @!p0 $0x0  }
0x12: {  	s1 =	sld [smem:$0x3F95];
	s0 =	simm.s32 @p0 $0x1  }
0x13: {  	[smem:$0x3FB0] =	sst s0;
	s0 =	simm.s32 @!p1 $0x0  }
0x14: {  	s2 =	sld [smem:$0x3F94];
	s0 =	simm.s32 @p1 $0x1  }
0x15: {  	[smem:$0x3FB1] =	sst s0;
	s0 =	simm.s32 @!p2 $0x0  }
0x16: {  	s3 =	sld [smem:$0x3FDB];
	s0 =	simm.s32 @p2 $0x1  }
0x17: {  	s4 =	simm.s32 $0x1BF5;
	[smem:$0x3FB3] =	sst s0  }
0x18: {  	s0 =	sld [smem:$0x3F96];
	_ =	swait.ge [sflag:s4], $0x0  }
0x19: {  	s7 =	sld [smem:$0x3F97]  }
0x1a: {  	s8 =	sadd.s32 $0xFFFFE003, lr  }
0x1b: {  	s9 =	sadd.s32 $0xFFFFFEF7, lr;
	s5 =	simm.s32 $0xFFFFFFFF;
	p2 =	slt.u32 s8, $0xFFFFF086  }
0x1c: {  	p1 =	slt.u32 s9, $0xF7A;
	s5 =	simm.s32 @!p2 $0x0  }
0x1d: {  	s5 =	simm.s32 @p1 $0x1;
	p0 =	seq.s32 s7, s2  }
0x1e: {  	s7 =	smul.u32 @!p0 $0xF7A, s2;
	p2 =	seq.s32 @!p0 s5, $0x0  }
0x1f: {  	s9 =	smul.u32 $0xF7A, s1;
	s8 =	simm.s32 @!p0 $0x1BF5;
	p2 =	por !p2, p0  }
0x20: {  	[sflag:s8] =	ssyncset.s32 @!p0 $0xFFFFF086;
	s6 =	sadd.s32 @!p0 s3, s7;
	s7 =	simm.s32 @!p0 $0x108  }
0x21: {  	s3 =	sadd.s32 s3, s9;
	s6 =	sadd.s32 @!p0 $0x88, s6;
	s7 =	simm.s32 @p2 $0x1082  }
0x22: {  	[simem:s7], [sflag:s8] =	dma.local @!p0 [hbm:s6], $0xF7A  }
0x23: {  	s9 =	sor.u32 $0xD0000000, s2;
	s6 =	simm.s32 $0x108;
	_ =	swait.ge @!p0 [sflag:s8], $0x0  }
0x24: {  	s3 =	sadd.s32 $0x88, s3;
	s6 =	simm.s32 @!p1 $0x1082;
	[sflag:s4] =	ssyncset.s32 $0xFFFFF086  }
0x25: {  	[simem:s6], [sflag:s4] =	dma.local [hbm:s3], $0xF7A  }
0x26: {  	[smem:$0x3F97] =	sst s1;
	(tag) =	ssettag s2;
	_ =	strace s9  }
0x27: {  	s1 =	sld [smem:$0x3FA7]  }
0x28: {  	s2 =	sld [smem:$0x3FA8]  }
0x29: {  	s4 =	sld [smem:$0x3FAA]  }
0x2a: {  	p0 =	seq.s32 s5, $0x0;
	s5 =	sld [smem:$0x3FAB]  }
0x2b: {  	s6 =	sld [smem:$0x3FAC]  }
0x2c: {  	s7 =	sld [smem:$0x3FAD]  }
0x2d: {  	s3 =	simm.s32 $0x108;
	s8 =	sld [smem:$0x3FAE]  }
0x2e: {  	s3 =	simm.s32 @!p0 $0x1082;
	s9 =	sld [smem:$0x3FAF]  }
0x2f: {  	lr =	sadd.s32 s0, s3;
	s0 =	sld [smem:$0x3FA6]  }
0x30: {  	s3 =	sld [smem:$0x3FA9]  }
0x31: {  	[smem:$0x3FB2] =	sst s10  }
0x32: {  	s10 =	sld [smem:$0x3FB0];
	_ =	sdelay $0x3  }
0x33: {  	p0 =	seq.s32 s10, $0x1;
	s10 =	sld [smem:$0x3FB2];
	_ =	sdelay $0x3  }
0x34: {  	[smem:$0x3FB2] =	sst s10  }
0x35: {  	s10 =	sld [smem:$0x3FB1];
	_ =	sdelay $0x3  }
0x36: {  	p1 =	seq.s32 s10, $0x1;
	s10 =	sld [smem:$0x3FB2];
	_ =	sdelay $0x3  }
0x37: {  	[smem:$0x3FB2] =	sst s10  }
0x38: {  	s10 =	sld [smem:$0x3FB3]  }
0x39: {  	_ = 	snop;
	(pc) =	sbr.ind lr, $3  }
0x3a: {  	_ = 	snop  }
0x3b: {  	_ = 	snop  }
0x3c: {  	p2 =	seq.s32 s10, $0x1;
	s10 =	sld [smem:$0x3FB2]  }
0x3d: {  	_ =	shalt  }
0x3e: {  	_ =	shalt  }
0x3f: {  	_ =	shalt  }
0x40: {  	_ =	shalt  }
0x41: {  	_ =	shalt  }
0x42: {  	_ =	shalt  }
0x43: {  	_ =	shalt  }
0x44: {  	_ =	shalt  }
0x45: {  	_ =	shalt  }
0x46: {  	_ =	shalt  }
0x47: {  	_ =	shalt  }
0x48: {  	_ =	shalt  }
0x49: {  	_ =	shalt  }
0x4a: {  	_ =	shalt  }
0x4b: {  	_ =	shalt  }
0x4c: {  	_ =	shalt  }
0x4d: {  	_ =	shalt  }
0x4e: {  	_ =	shalt  }
0x4f: {  	_ =	shalt  }
0x50: {  	_ =	shalt  }
0x51: {  	_ =	shalt  }
0x52: {  	_ =	shalt  }
0x53: {  	_ =	shalt  }
0x54: {  	_ =	shalt  }
0x55: {  	_ =	shalt  }
0x56: {  	_ =	shalt  }
0x57: {  	_ =	shalt  }
0x58: {  	_ =	shalt  }
0x59: {  	_ =	shalt  }
0x5a: {  	_ =	shalt  }
0x5b: {  	_ =	shalt  }
0x5c: {  	_ =	shalt  }
0x5d: {  	_ =	shalt  }
0x5e: {  	_ =	shalt  }
0x5f: {  	_ =	shalt  }
0x60: {  	_ =	shalt  }
0x61: {  	_ =	shalt  }
0x62: {  	_ =	shalt  }
0x63: {  	_ =	shalt  }
0x64: {  	_ =	shalt  }
0x65: {  	_ =	shalt  }
0x66: {  	_ =	shalt  }
0x67: {  	_ =	shalt  }
0x68: {  	_ =	shalt  }
0x69: {  	_ =	shalt  }
0x6a: {  	_ =	shalt  }
0x6b: {  	_ =	shalt  }
0x6c: {  	_ =	shalt  }
0x6d: {  	_ =	shalt  }
0x6e: {  	_ =	shalt  }
0x6f: {  	_ =	shalt  }
0x70: {  	_ =	shalt  }
0x71: {  	_ =	shalt  }
0x72: {  	_ =	shalt  }
0x73: {  	_ =	shalt  }
0x74: {  	_ =	shalt  }
0x75: {  	_ =	shalt  }
0x76: {  	_ =	shalt  }
0x77: {  	_ =	shalt  }
0x78: {  	_ =	shalt  }
0x79: {  	_ =	shalt  }
0x7a: {  	_ =	shalt  }
0x7b: {  	_ =	shalt  }
0x7c: {  	_ =	shalt  }
0x7d: {  	_ =	shalt  }
0x7e: {  	_ =	shalt  }
0x7f: {  	_ =	shalt  }
0x80: {  	_ =	shalt  }
0x81: {  	_ =	shalt  }
0x82: {  	_ =	shalt  }
0x83: {  	_ =	shalt  }
0x84: {  	_ =	shalt  }
0x85: {  	_ =	shalt  }
0x86: {  	_ =	shalt  }
0x87: {  	_ =	shalt  }
.Lfunc_end0:
.L_simem_size_0:
called_computation_lowered:
.L_overlay_start_0:
0x88: {  	s2 =	sld [smem:$0x3FD9]  }
0x89: {  	s3 =	sld [smem:$0x3FFE];
	_ =	sdelay $0x1  }
0x8a: {  	s1 =	srdreg.scid  }
0x8b: {  	s0 =	sand.u32 $0x1, s1  }
0x8c: {  	s17 =	sshll.u32 s0, $0xA;
	s2 =	sadd.s32 s3, s2  }
0x8d: {  	s2 =	sadd.s32 s2, s17  }
0x8e: {  	[smem:$0x3FBE] =	sst s2  }
0x8f: {  	_ = 	snop  }
0x90: {  	s2 =	sld [smem:$0x3FC6];
	(tm) =	ssettm $0x1  }
0x91: {  	s18 =	sld [smem:$0x3FFB];
	_ =	sdelay $0x3  }
0x92: {  	_ =	strace s18  }
0x93: {  	s3 =	sld [smem:$0x3FFC];
	_ =	sdelay $0x3  }
0x94: {  	_ =	strace s3  }
0x95: {  	s3 =	sld [smem:$0x3FFD];
	_ =	sdelay $0x3  }
0x96: {  	_ =	strace s3  }
0x97: {  	_ =	strace $0x8FFFFFFF  }
0x98: {  	s19 =	sld [smem:$0x3FDB];
	_ =	sdelay $0x1  }
0x99: {  	s4 =	simm.s32 $_scs_section_size  }
0x9a: {  	s5 =	simm.s32 $_size__tile_overlayer_lowered;
	s6 =	simm.s32 $_tile_overlayer_lowered  }
0x9b: {  	s22 =	simm.s32 $0x1BFF;
	s21 =	sshll.u32 s6, $0x1;
	s3 =	sadd.s32 s4, s19  }
0x9c: {  	s7 =	simm.s32 $0x0;
	s20 =	sshll.u32 s5, $0x1;
	s5 =	sadd.s32 s21, s3  }
0x9d: {  	[timem:s7], [sflag:s22] =	dma.local [hbm:s5], s20  }
0x9e: {  	_ =	swait.ge [sflag:s22], s20  }
0x9f: {  	s4 =	ssub.s32 $0x0, s20;
	[sflag:s22] =	ssyncset.done $0x0  }
0xa0: {  	[sflag:s22] =	ssyncadd.s32 s4;
	_ =	sdelay $0x1  }
0xa1: {  	s23 =	simm.s32 $0x1B8B  }
0xa2: {  	_ =	swait.ge [sflag:s23], $0x1  }
0xa3: {  	[sflag:s23] =	ssyncset.done $0x0  }
0xa4: {  	s25 =	simm.s32 $0x1B8E;
	s24 =	sld [smem:$0x3FFE];
	[sflag:s23] =	ssyncadd.s32 $0xFFFFFFFF  }
0xa5: {  	s26 =	simm.s32 $execute0_lowered;
	[smem:$0x3FD2] =	sst s25  }
0xa6: {  	s5 =	sshll.u32 s26, $0x1;
	_ =	strace $0x80000046;
	[dreg:$0x1] =	wrdreg $0xFFFFFFFF  }
0xa7: {  	s28 =	simm.s32 $_size_execute0_lowered;
	s3 =	sadd.s32 s3, s5;
	[dreg:$0x0] =	wrdreg $0x0  }
0xa8: {  	s5 =	sshll.u32 s28, $0x1;
	[dreg:$0x2] =	wrdreg s3  }
0xa9: {  	[dreg:$0x3] =	wrdreg s5  }
0xaa: {  	[dreg:$0x4] =	wrdreg $0xC0  }
0xab: {  	_ =	task [dreg:s7], $0x5FFFF  }
0xac: {  	[dreg:$0x1] =	wrdreg $0xFFFFFFFF  }
0xad: {  	[dreg:$0x0] =	wrdreg $0x60  }
0xae: {  	[dreg:$0x2] =	wrdreg s2  }
0xaf: {  	[dreg:$0x3] =	wrdreg s24  }
0xb0: {  	[dreg:$0x4] =	wrdreg $0x9  }
0xb1: {  	_ =	task.clear_ibuf [dreg:s7], $0x5FFFF;
	_ =	strace $0x90000046  }
0xb2: {  	s29 =	simm.s32 $0x9;
	_ =	strace $0x80000048  }
0xb3: {  	_ =	swait.ge [sflag:s29], $0x1  }
0xb4: {  	[sflag:s29] =	ssyncadd.s32 $0xFFFFFFFF  }
0xb5: {  	_ =	strace $0x90000048  }
0xb6: {  	_ =	sfence  }
0xb7: {  	s30 =	sld [smem:$0x0];
	_ =	sdelay $0x2  }
0xb8: {  	s31 =	sshll.u32 s1, $0xD;
	s1 =	sshrl.u32 s1, $0x2  }
0xb9: {  	s3 =	sand.u32 $0x4000, s31;
	s1 =	sadd.s32 s1, s30  }
0xba: {  	s0 =	sor.u32 s3, s0;
	s1 =	sshll.u32 s1, $0x11  }
0xbb: {  	s0 =	sor.u32 s1, s0  }
0xbc: {  	s0 =	sadd.s32 $0x8F2B, s0  }
0xbd: {  	[sflag:s0] =	ssyncadd.remote.s32 $0x1  }
0xbe: {  	_ =	sfence.sel $0xFFFF  }
0xbf: {  	[dreg:$0x0] =	wrdreg $0xFFFFFFFF;
	(pc) =	sbr.abs _section_cstart, $3  }
0xc0: {  	[dreg:$0x1] =	wrdreg $0xFFFFFFFF  }
0xc1: {  	_ =	task.clear_ibuf [dreg:s7], $0x2FFFF;
	_ =	strace $0x9FFFFFFF  }
0xc2: {  	(tm) =	ssettm $0x7FFFFFFF  }
0xc3: {  	_ =	shalt  }
tec
execute0_lowered:
.L_overlay_start_1:
0x0: {  	(tag) =	ssettag $0x1  }
0x1: {  	s1 =	srdreg.scid;
	s0 =	stileid.u32  }
0x2: {  	s2 =	rddreg [dreg:$0x0];
	s14 =	sand.u32 $0x1, s1;
	s31 =	sshll.u32 s0, $0x1  }
0x3: {  	s9 =	rddreg [dreg:$0x1];
	s6 =	sor.u32 s14, s31  }
0x4: {  	s3 =	simm.s32 $0x0;
	s1 =	rddreg [dreg:$0x2];
	s4 =	sshll.u32 s6, $0x6  }
0x5: {  	[smem:$0x7FF] =	sst s3;
	s4 =	sadd.s32 s4, s9  }
0x6: {  	_ =	strace $0x80000047;
	s5 =	sadd.s32 $0x2A00, s4;
	s4 =	simm.s32 $0x2  }
0x7: {  	[tilespmem:s3], [sflag:$0x2] =	stream.linear.gather [hbm4b:s5+s3], $0x200, $0x38;
	[tilespmem:$0x2A00] =	vst v63  }
0x8: {  	_ =	swait.ge [sflag:s4], $0x200  }
0x9: {  	s7 =	simm.s32 $0x200;
	s8 =	simm.s32 $0x1;
	[sflag:s4] =	ssyncset.done $0x0  }
0xa: {  	s10 =	smul.u32 $0x1400, s6;
	s6 =	simm.s32 $0x50;
	[sflag:s4] =	ssyncadd.s32 $0xFFFFFE00  }
0xb: {  	[tilespmem:s7], [sflag:$0x1] =	stream.indirect.gather [hbm4b:s2+s6], $0x80, s3, s6, $0xb8;
	[tilespmem:$0x2A00] =	vst v63  }
0xc: {  	_ =	swait.ge [sflag:s8], $0x2800  }
0xd: {  	s15 =	sadd.s32 s10, s9;
	[sflag:s8] =	ssyncset.done $0x0  }
0xe: {  	s9 =	sadd.s32 $0x3200, s15;
	[sflag:s8] =	ssyncadd.s32 $0xFFFFD800  }
0xf: {  	[hbm4b:s9+s3] =	stream.linear.scatter [tilespmem:s7], [sflag:$0x2], $0x2800, $0x38;
	[tilespmem:$0x2A00] =	vst v63  }
0x10: {  	_ =	swait.ge [sflag:s4], $0x2800  }
0x11: {  	[sflag:s4] =	ssyncset.done $0x0  }
0x12: {  	s10 =	simm.s32 $0x80;
	[sflag:s4] =	ssyncadd.s32 $0xFFFFD800  }
0x13: {  	[tilespmem:s7], [sflag:$0x1] =	stream.indirect.gather [hbm4b:s2+s6], $0x80, s10, s6, $0xb8;
	[tilespmem:$0x2A00] =	vst v63  }
0x14: {  	_ =	swait.ge [sflag:s8], $0x2800  }
0x15: {  	[sflag:s8] =	ssyncset.done $0x0  }
0x16: {  	s11 =	sadd.s32 $0x3700, s15;
	[sflag:s8] =	ssyncadd.s32 $0xFFFFD800  }
0x17: {  	[hbm4b:s11+s3] =	stream.linear.scatter [tilespmem:s7], [sflag:$0x2], $0x2800, $0x38;
	[tilespmem:$0x2A00] =	vst v63  }
0x18: {  	_ =	swait.ge [sflag:s4], $0x2800  }
0x19: {  	[sflag:s4] =	ssyncset.done $0x0  }
0x1a: {  	s12 =	simm.s32 $0x100;
	[sflag:s4] =	ssyncadd.s32 $0xFFFFD800  }
0x1b: {  	[tilespmem:s7], [sflag:$0x1] =	stream.indirect.gather [hbm4b:s2+s6], $0x80, s12, s6, $0xb8;
	[tilespmem:$0x2A00] =	vst v63  }
0x1c: {  	_ =	swait.ge [sflag:s8], $0x2800  }
0x1d: {  	[sflag:s8] =	ssyncset.done $0x0  }
0x1e: {  	s16 =	ssub.s32 $0x2, s14;
	s13 =	sadd.s32 $0x3C00, s15;
	[sflag:s8] =	ssyncadd.s32 $0xFFFFD800  }
0x1f: {  	[hbm4b:s13+s3] =	stream.linear.scatter [tilespmem:s7], [sflag:$0x2], $0x2800, $0x38;
	[tilespmem:$0x2A00] =	vst v63  }
0x20: {  	s17 =	sshrl.u32 s16, $0x1;
	_ =	swait.ge [sflag:s4], $0x2800  }
0x21: {  	s16 =	ssub.s32 s16, s17;
	[sflag:s4] =	ssyncset.done $0x0  }
0x22: {  	s14 =	simm.s32 $0x180;
	s16 =	smax.u32 s16, $0x1;
	[sflag:s4] =	ssyncadd.s32 $0xFFFFD800  }
0x23: {  	[tilespmem:s7], [sflag:$0x1] =	stream.indirect.gather [hbm4b:s2+s6], $0x80, s14, s6, $0xb8;
	[tilespmem:$0x2A00] =	vst v63  }
0x24: {  	p0 =	sne.s32 s16, $0x1;
	_ =	swait.ge [sflag:s8], $0x2800  }
.Ltmp0:
0x25: {  	[sflag:s8] =	ssyncset.done $0x0;
	(pc) =	sbr.rel @!p0 .LBB2_2-.Ltmp0, $4  }
0x26: {  	s15 =	sadd.s32 $0x4100, s15;
	[sflag:s8] =	ssyncadd.s32 $0xFFFFD800  }
0x27: {  	[hbm4b:s15+s3] =	stream.linear.scatter [tilespmem:s7], [sflag:$0x2], $0x2800, $0x38;
	[tilespmem:$0x2A00] =	vst v63  }
0x28: {  	_ =	swait.ge [sflag:s4], $0x2800  }
0x29: {  	s16 =	sadd.s32 $0xFFFFFFFF, s16;
	[sflag:s4] =	ssyncset.done $0x0  }
.LBB2_1:
0x2a: {  	p0 =	sne.s32 s16, $0x1;
	s16 =	sadd.s32 $0xFFFFFFFF, s16;
	[sflag:s4] =	ssyncadd.s32 $0xFFFFD800  }
0x2b: {  	[tilespmem:s3], [sflag:$0x2] =	stream.linear.gather [hbm4b:s5+s3], $0x200, $0x38;
	[tilespmem:$0x2A00] =	vst v63  }
0x2c: {  	_ =	swait.ge [sflag:s4], $0x200  }
0x2d: {  	[sflag:s4] =	ssyncset.done $0x0  }
0x2e: {  	[sflag:s4] =	ssyncadd.s32 $0xFFFFFE00  }
0x2f: {  	[tilespmem:s7], [sflag:$0x1] =	stream.indirect.gather [hbm4b:s2+s6], $0x80, s3, s6, $0xb8;
	[tilespmem:$0x2A00] =	vst v63  }
0x30: {  	_ =	swait.ge [sflag:s8], $0x2800  }
0x31: {  	[sflag:s8] =	ssyncset.done $0x0  }
0x32: {  	[sflag:s8] =	ssyncadd.s32 $0xFFFFD800  }
0x33: {  	[hbm4b:s9+s3] =	stream.linear.scatter [tilespmem:s7], [sflag:$0x2], $0x2800, $0x38;
	[tilespmem:$0x2A00] =	vst v63  }
0x34: {  	_ =	swait.ge [sflag:s4], $0x2800  }
0x35: {  	[sflag:s4] =	ssyncset.done $0x0  }
0x36: {  	[sflag:s4] =	ssyncadd.s32 $0xFFFFD800  }
0x37: {  	[tilespmem:s7], [sflag:$0x1] =	stream.indirect.gather [hbm4b:s2+s6], $0x80, s10, s6, $0xb8;
	[tilespmem:$0x2A00] =	vst v63  }
0x38: {  	_ =	swait.ge [sflag:s8], $0x2800  }
0x39: {  	[sflag:s8] =	ssyncset.done $0x0  }
0x3a: {  	[sflag:s8] =	ssyncadd.s32 $0xFFFFD800  }
0x3b: {  	[hbm4b:s11+s3] =	stream.linear.scatter [tilespmem:s7], [sflag:$0x2], $0x2800, $0x38;
	[tilespmem:$0x2A00] =	vst v63  }
0x3c: {  	_ =	swait.ge [sflag:s4], $0x2800  }
0x3d: {  	[sflag:s4] =	ssyncset.done $0x0  }
0x3e: {  	[sflag:s4] =	ssyncadd.s32 $0xFFFFD800  }
0x3f: {  	[tilespmem:s7], [sflag:$0x1] =	stream.indirect.gather [hbm4b:s2+s6], $0x80, s12, s6, $0xb8;
	[tilespmem:$0x2A00] =	vst v63  }
0x40: {  	_ =	swait.ge [sflag:s8], $0x2800  }
0x41: {  	[sflag:s8] =	ssyncset.done $0x0  }
0x42: {  	[sflag:s8] =	ssyncadd.s32 $0xFFFFD800  }
0x43: {  	[hbm4b:s13+s3] =	stream.linear.scatter [tilespmem:s7], [sflag:$0x2], $0x2800, $0x38;
	[tilespmem:$0x2A00] =	vst v63  }
0x44: {  	_ =	swait.ge [sflag:s4], $0x2800  }
0x45: {  	[sflag:s4] =	ssyncset.done $0x0  }
0x46: {  	[sflag:s4] =	ssyncadd.s32 $0xFFFFD800  }
0x47: {  	[tilespmem:s7], [sflag:$0x1] =	stream.indirect.gather [hbm4b:s2+s6], $0x80, s14, s6, $0xb8;
	[tilespmem:$0x2A00] =	vst v63  }
0x48: {  	_ =	swait.ge [sflag:s8], $0x2800  }
.Ltmp1:
0x49: {  	[sflag:s8] =	ssyncset.done $0x0;
	(pc) =	sbr.rel @p0 .LBB2_1-.Ltmp1, $4  }
0x4a: {  	[sflag:s8] =	ssyncadd.s32 $0xFFFFD800  }
0x4b: {  	[hbm4b:s15+s3] =	stream.linear.scatter [tilespmem:s7], [sflag:$0x2], $0x2800, $0x38;
	[tilespmem:$0x2A00] =	vst v63  }
0x4c: {  	_ =	swait.ge [sflag:s4], $0x2800  }
0x4d: {  	[sflag:s4] =	ssyncset.done $0x0  }
.LBB2_2:
0x4e: {  	[sflag:s4] =	ssyncadd.s32 $0xFFFFD800  }
0x4f: {  	_ =	sfence.sel $0x180000  }
0x50: {  	[bflag:$0x0] =	sbarrier.arrive $0xFFFF  }
0x51: {  	p0 =	sne.s32 s0, $0x0;
	_ =	strace $0x90000047  }
0x52: {  	s0 =	sadd.s32 @!p0 $0x100000, s1;
	[bflag:$0x2] =	sbarrier.arrive $0xFFFF  }
0x53: {  	[sflag:s0] =	ssyncadd.tile.s32 @!p0 $0x1;
	_ =	shalt  }
.Lfunc_end2:
_tile_overlayer_lowered:
.L_overlay_start_2:
0x54: {  	(tag) =	ssettag $0x2  }
0x55: {  	s0 =	rddreg [dreg:$0x0];
	s2 =	stileid.u32  }
0x56: {  	s1 =	rddreg [dreg:$0x1];
	p0 =	sne.s32 s2, $0x0  }
0x57: {  	s3 =	rddreg [dreg:$0x2];
	[bflag:$0x3] =	sbarrier.arrive $0xFFFF;
	s2 =	simm.s32 @!p0 $0x1C02  }
0x58: {  	[timem:s3], [sflag:s2] =	dma.local @!p0 [hbm:s0], s1  }
0x59: {  	s0 =	simm.s32 @!p0 $0x2  }
0x5a: {  	_ =	swait.ge @!p0 [sflag:s0], s1  }
0x5b: {  	s1 =	ssub.s32 @!p0 $0x0, s1;
	[sflag:s0] =	ssyncset.done @!p0 $0x0  }
0x5c: {  	[sflag:s0] =	ssyncadd.s32 @!p0 s1  }
0x5d: {  	[bflag:$0x3] =	sbarrier.arrive $0xFFFF  }
0x5e: {  	_ =	shalt  }

// kernel: kernel.21.cloned.1.call-start
scs
__scs_entry_jumppad:
0x0: {  	(pc) =	sbr.rel $0x88, $3  }
0x1: {  	(tag) =	ssettag $0x0;
	lr =	simm.s32 $0x1  }
0x2: {  	[smem:$0x3F97] =	sst lr;
	_ =	strace $0xD0000000  }
0x3: {  	_ = 	snop  }
0x4: {  	_ = 	snop  }
0x5: {  	_ = 	snop  }
0x6: {  	_ = 	snop  }
0x7: {  	_ = 	snop  }
__scs_overlays_trampoline_lowered:
0x8: {  	[smem:$0x3FA6] =	sst s0  }
0x9: {  	[smem:$0x3FA7] =	sst s1  }
0xa: {  	[smem:$0x3FA8] =	sst s2  }
0xb: {  	[smem:$0x3FA9] =	sst s3  }
0xc: {  	[smem:$0x3FAA] =	sst s4  }
0xd: {  	[smem:$0x3FAB] =	sst s5  }
0xe: {  	[smem:$0x3FAC] =	sst s6  }
0xf: {  	[smem:$0x3FAD] =	sst s7  }
0x10: {  	[smem:$0x3FAE] =	sst s8  }
0x11: {  	[smem:$0x3FAF] =	sst s9;
	s0 =	simm.s32 @!p0 $0x0  }
0x12: {  	s1 =	sld [smem:$0x3F95];
	s0 =	simm.s32 @p0 $0x1  }
0x13: {  	[smem:$0x3FB0] =	sst s0;
	s0 =	simm.s32 @!p1 $0x0  }
0x14: {  	s2 =	sld [smem:$0x3F94];
	s0 =	simm.s32 @p1 $0x1  }
0x15: {  	[smem:$0x3FB1] =	sst s0;
	s0 =	simm.s32 @!p2 $0x0  }
0x16: {  	s3 =	sld [smem:$0x3FDB];
	s0 =	simm.s32 @p2 $0x1  }
0x17: {  	s4 =	simm.s32 $0x1BF5;
	[smem:$0x3FB3] =	sst s0  }
0x18: {  	s0 =	sld [smem:$0x3F96];
	_ =	swait.ge [sflag:s4], $0x0  }
0x19: {  	s7 =	sld [smem:$0x3F97]  }
0x1a: {  	s8 =	sadd.s32 $0xFFFFE003, lr  }
0x1b: {  	s9 =	sadd.s32 $0xFFFFFEF7, lr;
	s5 =	simm.s32 $0xFFFFFFFF;
	p2 =	slt.u32 s8, $0xFFFFF086  }
0x1c: {  	p1 =	slt.u32 s9, $0xF7A;
	s5 =	simm.s32 @!p2 $0x0  }
0x1d: {  	s5 =	simm.s32 @p1 $0x1;
	p0 =	seq.s32 s7, s2  }
0x1e: {  	s7 =	smul.u32 @!p0 $0xF7A, s2;
	p2 =	seq.s32 @!p0 s5, $0x0  }
0x1f: {  	s9 =	smul.u32 $0xF7A, s1;
	s8 =	simm.s32 @!p0 $0x1BF5;
	p2 =	por !p2, p0  }
0x20: {  	[sflag:s8] =	ssyncset.s32 @!p0 $0xFFFFF086;
	s6 =	sadd.s32 @!p0 s3, s7;
	s7 =	simm.s32 @!p0 $0x108  }
0x21: {  	s3 =	sadd.s32 s3, s9;
	s6 =	sadd.s32 @!p0 $0x88, s6;
	s7 =	simm.s32 @p2 $0x1082  }
0x22: {  	[simem:s7], [sflag:s8] =	dma.local @!p0 [hbm:s6], $0xF7A  }
0x23: {  	s9 =	sor.u32 $0xD0000000, s2;
	s6 =	simm.s32 $0x108;
	_ =	swait.ge @!p0 [sflag:s8], $0x0  }
0x24: {  	s3 =	sadd.s32 $0x88, s3;
	s6 =	simm.s32 @!p1 $0x1082;
	[sflag:s4] =	ssyncset.s32 $0xFFFFF086  }
0x25: {  	[simem:s6], [sflag:s4] =	dma.local [hbm:s3], $0xF7A  }
0x26: {  	[smem:$0x3F97] =	sst s1;
	(tag) =	ssettag s2;
	_ =	strace s9  }
0x27: {  	s1 =	sld [smem:$0x3FA7]  }
0x28: {  	s2 =	sld [smem:$0x3FA8]  }
0x29: {  	s4 =	sld [smem:$0x3FAA]  }
0x2a: {  	p0 =	seq.s32 s5, $0x0;
	s5 =	sld [smem:$0x3FAB]  }
0x2b: {  	s6 =	sld [smem:$0x3FAC]  }
0x2c: {  	s7 =	sld [smem:$0x3FAD]  }
0x2d: {  	s3 =	simm.s32 $0x108;
	s8 =	sld [smem:$0x3FAE]  }
0x2e: {  	s3 =	simm.s32 @!p0 $0x1082;
	s9 =	sld [smem:$0x3FAF]  }
0x2f: {  	lr =	sadd.s32 s0, s3;
	s0 =	sld [smem:$0x3FA6]  }
0x30: {  	s3 =	sld [smem:$0x3FA9]  }
0x31: {  	[smem:$0x3FB2] =	sst s10  }
0x32: {  	s10 =	sld [smem:$0x3FB0];
	_ =	sdelay $0x3  }
0x33: {  	p0 =	seq.s32 s10, $0x1;
	s10 =	sld [smem:$0x3FB2];
	_ =	sdelay $0x3  }
0x34: {  	[smem:$0x3FB2] =	sst s10  }
0x35: {  	s10 =	sld [smem:$0x3FB1];
	_ =	sdelay $0x3  }
0x36: {  	p1 =	seq.s32 s10, $0x1;
	s10 =	sld [smem:$0x3FB2];
	_ =	sdelay $0x3  }
0x37: {  	[smem:$0x3FB2] =	sst s10  }
0x38: {  	s10 =	sld [smem:$0x3FB3]  }
0x39: {  	_ = 	snop;
	(pc) =	sbr.ind lr, $3  }
0x3a: {  	_ = 	snop  }
0x3b: {  	_ = 	snop  }
0x3c: {  	p2 =	seq.s32 s10, $0x1;
	s10 =	sld [smem:$0x3FB2]  }
0x3d: {  	_ =	shalt  }
0x3e: {  	_ =	shalt  }
0x3f: {  	_ =	shalt  }
0x40: {  	_ =	shalt  }
0x41: {  	_ =	shalt  }
0x42: {  	_ =	shalt  }
0x43: {  	_ =	shalt  }
0x44: {  	_ =	shalt  }
0x45: {  	_ =	shalt  }
0x46: {  	_ =	shalt  }
0x47: {  	_ =	shalt  }
0x48: {  	_ =	shalt  }
0x49: {  	_ =	shalt  }
0x4a: {  	_ =	shalt  }
0x4b: {  	_ =	shalt  }
0x4c: {  	_ =	shalt  }
0x4d: {  	_ =	shalt  }
0x4e: {  	_ =	shalt  }
0x4f: {  	_ =	shalt  }
0x50: {  	_ =	shalt  }
0x51: {  	_ =	shalt  }
0x52: {  	_ =	shalt  }
0x53: {  	_ =	shalt  }
0x54: {  	_ =	shalt  }
0x55: {  	_ =	shalt  }
0x56: {  	_ =	shalt  }
0x57: {  	_ =	shalt  }
0x58: {  	_ =	shalt  }
0x59: {  	_ =	shalt  }
0x5a: {  	_ =	shalt  }
0x5b: {  	_ =	shalt  }
0x5c: {  	_ =	shalt  }
0x5d: {  	_ =	shalt  }
0x5e: {  	_ =	shalt  }
0x5f: {  	_ =	shalt  }
0x60: {  	_ =	shalt  }
0x61: {  	_ =	shalt  }
0x62: {  	_ =	shalt  }
0x63: {  	_ =	shalt  }
0x64: {  	_ =	shalt  }
0x65: {  	_ =	shalt  }
0x66: {  	_ =	shalt  }
0x67: {  	_ =	shalt  }
0x68: {  	_ =	shalt  }
0x69: {  	_ =	shalt  }
0x6a: {  	_ =	shalt  }
0x6b: {  	_ =	shalt  }
0x6c: {  	_ =	shalt  }
0x6d: {  	_ =	shalt  }
0x6e: {  	_ =	shalt  }
0x6f: {  	_ =	shalt  }
0x70: {  	_ =	shalt  }
0x71: {  	_ =	shalt  }
0x72: {  	_ =	shalt  }
0x73: {  	_ =	shalt  }
0x74: {  	_ =	shalt  }
0x75: {  	_ =	shalt  }
0x76: {  	_ =	shalt  }
0x77: {  	_ =	shalt  }
0x78: {  	_ =	shalt  }
0x79: {  	_ =	shalt  }
0x7a: {  	_ =	shalt  }
0x7b: {  	_ =	shalt  }
0x7c: {  	_ =	shalt  }
0x7d: {  	_ =	shalt  }
0x7e: {  	_ =	shalt  }
0x7f: {  	_ =	shalt  }
0x80: {  	_ =	shalt  }
0x81: {  	_ =	shalt  }
0x82: {  	_ =	shalt  }
0x83: {  	_ =	shalt  }
0x84: {  	_ =	shalt  }
0x85: {  	_ =	shalt  }
0x86: {  	_ =	shalt  }
0x87: {  	_ =	shalt  }
.Lfunc_end0:
.L_simem_size_0:
called_computation.1_lowered:
.L_overlay_start_0:
0x88: {  	s2 =	sld [smem:$0x3FD9]  }
0x89: {  	s3 =	sld [smem:$0x3FFE];
	_ =	sdelay $0x1  }
0x8a: {  	s1 =	srdreg.scid  }
0x8b: {  	s0 =	sand.u32 $0x1, s1  }
0x8c: {  	s17 =	sshll.u32 s0, $0xA;
	s2 =	sadd.s32 s3, s2  }
0x8d: {  	s2 =	sadd.s32 s2, s17  }
0x8e: {  	[smem:$0x3FBE] =	sst s2  }
0x8f: {  	_ = 	snop  }
0x90: {  	s2 =	sld [smem:$0x3FD0];
	(tm) =	ssettm $0x1  }
0x91: {  	s18 =	sld [smem:$0x3FFB];
	_ =	sdelay $0x3  }
0x92: {  	_ =	strace s18  }
0x93: {  	s3 =	sld [smem:$0x3FFC];
	_ =	sdelay $0x3  }
0x94: {  	_ =	strace s3  }
0x95: {  	s3 =	sld [smem:$0x3FFD];
	_ =	sdelay $0x3  }
0x96: {  	_ =	strace s3  }
0x97: {  	_ =	strace $0x8FFFFFFF  }
0x98: {  	s19 =	sld [smem:$0x3FDB];
	_ =	sdelay $0x1  }
0x99: {  	s4 =	simm.s32 $_scs_section_size  }
0x9a: {  	s5 =	simm.s32 $_size__tile_overlayer_lowered;
	s6 =	simm.s32 $_tile_overlayer_lowered  }
0x9b: {  	s22 =	simm.s32 $0x1BFF;
	s21 =	sshll.u32 s6, $0x1;
	s3 =	sadd.s32 s4, s19  }
0x9c: {  	s7 =	simm.s32 $0x0;
	s20 =	sshll.u32 s5, $0x1;
	s5 =	sadd.s32 s21, s3  }
0x9d: {  	[timem:s7], [sflag:s22] =	dma.local [hbm:s5], s20  }
0x9e: {  	_ =	swait.ge [sflag:s22], s20  }
0x9f: {  	s4 =	ssub.s32 $0x0, s20;
	[sflag:s22] =	ssyncset.done $0x0  }
0xa0: {  	[sflag:s22] =	ssyncadd.s32 s4;
	_ =	sdelay $0x1  }
0xa1: {  	s23 =	simm.s32 $0x1B8B  }
0xa2: {  	_ =	swait.ge [sflag:s23], $0x1  }
0xa3: {  	[sflag:s23] =	ssyncset.done $0x0  }
0xa4: {  	s25 =	simm.s32 $0x1B8E;
	s24 =	sld [smem:$0x3FFE];
	[sflag:s23] =	ssyncadd.s32 $0xFFFFFFFF  }
0xa5: {  	s26 =	simm.s32 $execute0_lowered;
	[smem:$0x3FD2] =	sst s25  }
0xa6: {  	s5 =	sshll.u32 s26, $0x1;
	_ =	strace $0x80000049;
	[dreg:$0x1] =	wrdreg $0xFFFFFFFF  }
0xa7: {  	s28 =	simm.s32 $_size_execute0_lowered;
	s3 =	sadd.s32 s3, s5;
	[dreg:$0x0] =	wrdreg $0x0  }
0xa8: {  	s5 =	sshll.u32 s28, $0x1;
	[dreg:$0x2] =	wrdreg s3  }
0xa9: {  	[dreg:$0x3] =	wrdreg s5  }
0xaa: {  	[dreg:$0x4] =	wrdreg $0xC0  }
0xab: {  	_ =	task [dreg:s7], $0x5FFFF  }
0xac: {  	[dreg:$0x1] =	wrdreg $0xFFFFFFFF  }
0xad: {  	[dreg:$0x0] =	wrdreg $0x60  }
0xae: {  	[dreg:$0x2] =	wrdreg s24  }
0xaf: {  	[dreg:$0x3] =	wrdreg s2  }
0xb0: {  	[dreg:$0x4] =	wrdreg $0xA8000  }
0xb1: {  	[dreg:$0x5] =	wrdreg $0x9  }
0xb2: {  	_ =	task.clear_ibuf [dreg:s7], $0x6FFFF;
	_ =	strace $0x90000049  }
0xb3: {  	s29 =	simm.s32 $0x9;
	_ =	strace $0x8000004B  }
0xb4: {  	_ =	swait.ge [sflag:s29], $0x1  }
0xb5: {  	[sflag:s29] =	ssyncadd.s32 $0xFFFFFFFF  }
0xb6: {  	_ =	strace $0x9000004B  }
0xb7: {  	_ =	sfence  }
0xb8: {  	s30 =	sld [smem:$0x0];
	_ =	sdelay $0x2  }
0xb9: {  	s31 =	sshll.u32 s1, $0xD;
	s1 =	sshrl.u32 s1, $0x2  }
0xba: {  	s3 =	sand.u32 $0x4000, s31;
	s1 =	sadd.s32 s1, s30  }
0xbb: {  	s0 =	sor.u32 s3, s0;
	s1 =	sshll.u32 s1, $0x11  }
0xbc: {  	s0 =	sor.u32 s1, s0  }
0xbd: {  	s0 =	sadd.s32 $0x8F2B, s0  }
0xbe: {  	[sflag:s0] =	ssyncadd.remote.s32 $0x1  }
0xbf: {  	_ =	sfence.sel $0xFFFF  }
0xc0: {  	[dreg:$0x0] =	wrdreg $0xFFFFFFFF;
	(pc) =	sbr.abs _section_cstart, $3  }
0xc1: {  	[dreg:$0x1] =	wrdreg $0xFFFFFFFF  }
0xc2: {  	_ =	task.clear_ibuf [dreg:s7], $0x2FFFF;
	_ =	strace $0x9FFFFFFF  }
0xc3: {  	(tm) =	ssettm $0x7FFFFFFF  }
tec
execute0_lowered:
.L_overlay_start_1:
0x0: {  	(tag) =	ssettag $0x1  }
0x1: {  	s5 =	rddreg [dreg:$0x0]  }
0x2: {  	s11 =	rddreg [dreg:$0x1]  }
0x3: {  	s2 =	rddreg [dreg:$0x2]  }
0x4: {  	s0 =	rddreg [dreg:$0x3]  }
0x5: {  	s1 =	stileid.u32;
	s4 =	srdreg.scid;
	s3 =	simm.s32 $0x0  }
0x6: {  	s16 =	simm.s32 $0x3;
	s17 =	simm.s32 $0x80;
	s18 =	simm.s32 $0x2800  }
0x7: {  	s19 =	simm.s32 $0x6800;
	s20 =	simm.s32 $0x1;
	s21 =	simm.s32 $0x2  }
0x8: {  	s22 =	simm.s32 $0x0;
	s6 =	smul.u32 $0x13C00, s1;
	s7 =	sand.u32 $0x1, s4  }
0x9: {  	[smem:$0x7FF] =	sst s3;
	s4 =	sadd.s32 $0x35200, s5;
	s12 =	sadd.s32 $0x2B200, s5  }
0xa: {  	s13 =	sshll.u32 s1, $0x1;
	s14 =	smul.u32 $0x4F000, s1;
	s28 =	sshll.u32 s1, $0x6  }
0xb: {  	s8 =	smul.u32 $0x13C000, s7;
	_ =	strace $0x8000004A;
	s24 =	ssub.s32 $0x2, s7  }
0xc: {  	s25 =	sor.u32 s7, s13;
	s9 =	sshrl.u32 s6, $0x3;
	s10 =	sshrl.u32 s24, $0x1  }
0xd: {  	s26 =	sshrl.u32 s14, $0x2;
	s29 =	smul.u32 $0x2800, s25;
	s6 =	sadd.s32 s6, s8  }
0xe: {  	s23 =	sadd.s32 s9, s5;
	s9 =	ssub.s32 s24, s10;
	s30 =	sadd.s32 s26, s2  }
0xf: {  	s6 =	sshrl.u32 s6, $0x3;
	s8 =	smax.u32 s9, $0x1;
	s31 =	sshrl.u32 s29, $0x3  }
0x10: {  	s13 =	sshrl.u32 s30, $0x3;
	s15 =	sadd.s32 s6, s5;
	s5 =	sadd.s32 $0x2A00, s23  }
0x11: {  	s6 =	sor.u32 $0x1C04, s28;
	s9 =	sadd.s32 s11, s31;
	s14 =	sadd.s32 $0x280, s31  }
0x12: {  	s10 =	sadd.s32 s12, s31;
	s7 =	sadd.s32 $0x2A6200, s15;
	s11 =	sadd.s32 s11, s14  }
0x13: {  	s12 =	sadd.s32 s12, s14;
	s14 =	simm.s32 $0x4;
	s15 =	simm.s32 $0x1400  }
.LBB2_1:
0x14: {  	[spmem:s13], [sflag:s6] =	dma.local [hbm:s5], $0x2780  }
0x15: {  	_ =	swait.ge [sflag:s14], $0x2780  }
0x16: {  	[sflag:s14] =	ssyncset.done $0x0  }
0x17: {  	[sflag:s14] =	ssyncadd.s32 $0xFFFFD880  }
0x18: {  	[bflag:$0x0] =	sbarrier.arrive $0xFFFF  }
0x19: {  	[tilespmem:s3], [sflag:$0x3] =	stream.linear.gather [hbm4b:s9+s3], $0x1400, $0x38;
	[tilespmem:$0x1E400] =	vst v63  }
0x1a: {  	_ = 	snop  }
0x1b: {  	[tilespmem:s15], [sflag:$0x3] =	stream.linear.gather [hbm4b:s10+s3], $0x1400, $0x38;
	[tilespmem:$0x1E400] =	vst v63  }
0x1c: {  	_ =	swait.ge [sflag:s16], $0x1400  }
0x1d: {  	[sflag:s16] =	ssyncset.done $0x0  }
0x1e: {  	[sflag:s16] =	ssyncadd.s32 $0xFFFFEC00  }
0x1f: {  	_ =	swait.ge [sflag:s16], $0x1400  }
0x20: {  	[sflag:s16] =	ssyncset.done $0x0  }
0x21: {  	s23 =	simm.s32 $0x0;
	[sflag:s16] =	ssyncadd.s32 $0xFFFFEC00  }
0x22: {  	[tilespmem:s18], [sflag:$0x1] =	stream.indirect.gather [hbm4b:s4+s17], $0x80, s23, s17, $0xb8;
	[tilespmem:$0x1E400] =	vst v63  }
0x23: {  	s29 =	simm.s32 $0x80  }
0x24: {  	[tilespmem:s19], [sflag:$0x2] =	stream.indirect.gather [hbm4b:s4+s17], $0x80, s29, s17, $0xb8;
	[tilespmem:$0x1E400] =	vst v63  }
0x25: {  	_ =	swait.ge [sflag:s20], $0x4000  }
0x26: {  	[sflag:s20] =	ssyncset.done $0x0  }
0x27: {  	s30 =	simm.s32 $0x1400;
	[sflag:s20] =	ssyncadd.s32 $0xFFFFC000  }
0x28: {  	[spmem:s2] =	stream.indirect.scatter.add.f32 [tilespmem:s18], [sflag:$0x4], $0x80, s30, s17, $0xb8;
	[tilespmem:$0x1E400] =	vst v63  }
0x29: {  	_ =	swait.ge [sflag:s14], $0x4000  }
0x2a: {  	[sflag:s14] =	ssyncset.done $0x0  }
0x2b: {  	[sflag:s14] =	ssyncadd.s32 $0xFFFFC000  }
0x2c: {  	_ =	swait.ge [sflag:s21], $0x4000  }
0x2d: {  	[sflag:s21] =	ssyncset.done $0x0  }
0x2e: {  	s31 =	simm.s32 $0x1480;
	[sflag:s21] =	ssyncadd.s32 $0xFFFFC000  }
0x2f: {  	[spmem:s2] =	stream.indirect.scatter.add.f32 [tilespmem:s19], [sflag:$0x4], $0x80, s31, s17, $0xb8;
	[tilespmem:$0x1E400] =	vst v63  }
0x30: {  	_ =	swait.ge [sflag:s14], $0x4000  }
0x31: {  	s24 =	simm.s32 $0x800;
	s23 =	simm.s32 $0x400;
	[sflag:s14] =	ssyncset.done $0x0  }
.LBB2_2:
0x32: {  	s25 =	sshra.s32 s23, $0x2  }
0x33: {  	[sflag:s14] =	ssyncadd.s32 $0xFFFFC000;
	s23 =	smov.u32 s24;
	s26 =	sadd.s32 $0x400, s24  }
0x34: {  	[tilespmem:s18], [sflag:$0x1] =	stream.indirect.gather [hbm4b:s4+s17], $0x80, s25, s17, $0xb8;
	[tilespmem:$0x1E400] =	vst v63  }
0x35: {  	p0 =	sne.s32 s24, $0x4C00;
	s24 =	sadd.s32 $0x80, s25  }
0x36: {  	[tilespmem:s19], [sflag:$0x2] =	stream.indirect.gather [hbm4b:s4+s17], $0x80, s24, s17, $0xb8;
	[tilespmem:$0x1E400] =	vst v63  }
0x37: {  	_ =	swait.ge [sflag:s20], $0x4000  }
0x38: {  	[sflag:s20] =	ssyncset.done $0x0  }
0x39: {  	s24 =	sadd.s32 $0x1400, s25;
	[sflag:s20] =	ssyncadd.s32 $0xFFFFC000  }
0x3a: {  	[spmem:s2] =	stream.indirect.scatter.add.f32 [tilespmem:s18], [sflag:$0x4], $0x80, s24, s17, $0xb8;
	[tilespmem:$0x1E400] =	vst v63  }
0x3b: {  	_ =	swait.ge [sflag:s14], $0x4000  }
0x3c: {  	[sflag:s14] =	ssyncset.done $0x0  }
0x3d: {  	[sflag:s14] =	ssyncadd.s32 $0xFFFFC000  }
0x3e: {  	_ =	swait.ge [sflag:s21], $0x4000  }
.Ltmp0:
0x3f: {  	[sflag:s21] =	ssyncset.done $0x0;
	(pc) =	sbr.rel @p0 .LBB2_2-.Ltmp0, $4  }
0x40: {  	s24 =	sadd.s32 $0x1480, s25;
	[sflag:s21] =	ssyncadd.s32 $0xFFFFC000  }
0x41: {  	[spmem:s2] =	stream.indirect.scatter.add.f32 [tilespmem:s19], [sflag:$0x4], $0x80, s24, s17, $0xb8;
	[tilespmem:$0x1E400] =	vst v63  }
0x42: {  	_ =	swait.ge [sflag:s14], $0x4000  }
0x43: {  	s24 =	smov.u32 s26;
	[sflag:s14] =	ssyncset.done $0x0  }
0x44: {  	s23 =	sshra.s32 s23, $0x2;
	[sflag:s14] =	ssyncadd.s32 $0xFFFFC000  }
0x45: {  	[tilespmem:s18], [sflag:$0x1] =	stream.indirect.gather [hbm4b:s4+s17], $0x80, s23, s17, $0xb8;
	[tilespmem:$0x1E400] =	vst v63  }
0x46: {  	s24 =	sadd.s32 $0x80, s23  }
0x47: {  	[tilespmem:s19], [sflag:$0x2] =	stream.indirect.gather [hbm4b:s4+s17], $0x80, s24, s17, $0xb8;
	[tilespmem:$0x1E400] =	vst v63  }
0x48: {  	_ =	swait.ge [sflag:s20], $0x4000  }
0x49: {  	[sflag:s20] =	ssyncset.done $0x0  }
0x4a: {  	s25 =	sadd.s32 $0x1400, s23;
	[sflag:s20] =	ssyncadd.s32 $0xFFFFC000  }
0x4b: {  	[spmem:s2] =	stream.indirect.scatter.add.f32 [tilespmem:s18], [sflag:$0x4], $0x80, s25, s17, $0xb8;
	[tilespmem:$0x1E400] =	vst v63  }
0x4c: {  	_ =	swait.ge [sflag:s14], $0x4000  }
0x4d: {  	[sflag:s14] =	ssyncset.done $0x0  }
0x4e: {  	[sflag:s14] =	ssyncadd.s32 $0xFFFFC000  }
0x4f: {  	_ =	swait.ge [sflag:s21], $0x4000  }
0x50: {  	[sflag:s21] =	ssyncset.done $0x0  }
0x51: {  	s23 =	sadd.s32 $0x1480, s23;
	[sflag:s21] =	ssyncadd.s32 $0xFFFFC000  }
0x52: {  	[spmem:s2] =	stream.indirect.scatter.add.f32 [tilespmem:s19], [sflag:$0x4], $0x80, s23, s17, $0xb8;
	[tilespmem:$0x1E400] =	vst v63  }
0x53: {  	_ =	swait.ge [sflag:s14], $0x4000  }
0x54: {  	[sflag:s14] =	ssyncset.done $0x0  }
0x55: {  	s26 =	simm.s32 $0x0;
	[sflag:s14] =	ssyncadd.s32 $0xFFFFC000  }
0x56: {  	[tilespmem:s26], [sflag:$0x3] =	stream.linear.gather [hbm4b:s11+s26], $0x1400, $0x38;
	[tilespmem:$0x1E400] =	vst v63  }
0x57: {  	_ = 	snop  }
0x58: {  	[tilespmem:s15], [sflag:$0x3] =	stream.linear.gather [hbm4b:s12+s26], $0x1400, $0x38;
	[tilespmem:$0x1E400] =	vst v63  }
0x59: {  	_ =	swait.ge [sflag:s16], $0x1400  }
0x5a: {  	[sflag:s16] =	ssyncset.done $0x0  }
0x5b: {  	[sflag:s16] =	ssyncadd.s32 $0xFFFFEC00  }
0x5c: {  	_ =	swait.ge [sflag:s16], $0x1400  }
0x5d: {  	[sflag:s16] =	ssyncset.done $0x0  }
0x5e: {  	s28 =	simm.s32 $0x0;
	[sflag:s16] =	ssyncadd.s32 $0xFFFFEC00  }
0x5f: {  	[tilespmem:s18], [sflag:$0x1] =	stream.indirect.gather [hbm4b:s4+s17], $0x80, s28, s17, $0xb8;
	[tilespmem:$0x1E400] =	vst v63  }
0x60: {  	s29 =	simm.s32 $0x80  }
0x61: {  	[tilespmem:s19], [sflag:$0x2] =	stream.indirect.gather [hbm4b:s4+s17], $0x80, s29, s17, $0xb8;
	[tilespmem:$0x1E400] =	vst v63  }
0x62: {  	_ =	swait.ge [sflag:s20], $0x4000  }
0x63: {  	[sflag:s20] =	ssyncset.done $0x0  }
0x64: {  	s30 =	simm.s32 $0x1400;
	[sflag:s20] =	ssyncadd.s32 $0xFFFFC000  }
0x65: {  	[spmem:s2] =	stream.indirect.scatter.add.f32 [tilespmem:s18], [sflag:$0x4], $0x80, s30, s17, $0xb8;
	[tilespmem:$0x1E400] =	vst v63  }
0x66: {  	_ =	swait.ge [sflag:s14], $0x4000  }
0x67: {  	[sflag:s14] =	ssyncset.done $0x0  }
0x68: {  	[sflag:s14] =	ssyncadd.s32 $0xFFFFC000  }
0x69: {  	_ =	swait.ge [sflag:s21], $0x4000  }
0x6a: {  	[sflag:s21] =	ssyncset.done $0x0  }
0x6b: {  	s31 =	simm.s32 $0x1480;
	[sflag:s21] =	ssyncadd.s32 $0xFFFFC000  }
0x6c: {  	[spmem:s2] =	stream.indirect.scatter.add.f32 [tilespmem:s19], [sflag:$0x4], $0x80, s31, s17, $0xb8;
	[tilespmem:$0x1E400] =	vst v63  }
0x6d: {  	_ =	swait.ge [sflag:s14], $0x4000  }
0x6e: {  	s24 =	simm.s32 $0x800;
	s23 =	simm.s32 $0x400;
	[sflag:s14] =	ssyncset.done $0x0  }
.LBB2_4:
0x6f: {  	s25 =	sshra.s32 s23, $0x2  }
0x70: {  	[sflag:s14] =	ssyncadd.s32 $0xFFFFC000;
	s23 =	smov.u32 s24;
	s26 =	sadd.s32 $0x400, s24  }
0x71: {  	[tilespmem:s18], [sflag:$0x1] =	stream.indirect.gather [hbm4b:s4+s17], $0x80, s25, s17, $0xb8;
	[tilespmem:$0x1E400] =	vst v63  }
0x72: {  	p0 =	sne.s32 s24, $0x4C00;
	s24 =	sadd.s32 $0x80, s25  }
0x73: {  	[tilespmem:s19], [sflag:$0x2] =	stream.indirect.gather [hbm4b:s4+s17], $0x80, s24, s17, $0xb8;
	[tilespmem:$0x1E400] =	vst v63  }
0x74: {  	_ =	swait.ge [sflag:s20], $0x4000  }
0x75: {  	[sflag:s20] =	ssyncset.done $0x0  }
0x76: {  	s24 =	sadd.s32 $0x1400, s25;
	[sflag:s20] =	ssyncadd.s32 $0xFFFFC000  }
0x77: {  	[spmem:s2] =	stream.indirect.scatter.add.f32 [tilespmem:s18], [sflag:$0x4], $0x80, s24, s17, $0xb8;
	[tilespmem:$0x1E400] =	vst v63  }
0x78: {  	_ =	swait.ge [sflag:s14], $0x4000  }
0x79: {  	[sflag:s14] =	ssyncset.done $0x0  }
0x7a: {  	[sflag:s14] =	ssyncadd.s32 $0xFFFFC000  }
0x7b: {  	_ =	swait.ge [sflag:s21], $0x4000  }
.Ltmp1:
0x7c: {  	[sflag:s21] =	ssyncset.done $0x0;
	(pc) =	sbr.rel @p0 .LBB2_4-.Ltmp1, $4  }
0x7d: {  	s24 =	sadd.s32 $0x1480, s25;
	[sflag:s21] =	ssyncadd.s32 $0xFFFFC000  }
0x7e: {  	[spmem:s2] =	stream.indirect.scatter.add.f32 [tilespmem:s19], [sflag:$0x4], $0x80, s24, s17, $0xb8;
	[tilespmem:$0x1E400] =	vst v63  }
0x7f: {  	_ =	swait.ge [sflag:s14], $0x4000  }
0x80: {  	s24 =	smov.u32 s26;
	[sflag:s14] =	ssyncset.done $0x0  }
0x81: {  	s23 =	sshra.s32 s23, $0x2;
	[sflag:s14] =	ssyncadd.s32 $0xFFFFC000  }
0x82: {  	[tilespmem:s18], [sflag:$0x1] =	stream.indirect.gather [hbm4b:s4+s17], $0x80, s23, s17, $0xb8;
	[tilespmem:$0x1E400] =	vst v63  }
0x83: {  	s24 =	sadd.s32 $0x80, s23  }
0x84: {  	[tilespmem:s19], [sflag:$0x2] =	stream.indirect.gather [hbm4b:s4+s17], $0x80, s24, s17, $0xb8;
	[tilespmem:$0x1E400] =	vst v63  }
0x85: {  	_ =	swait.ge [sflag:s20], $0x4000  }
0x86: {  	[sflag:s20] =	ssyncset.done $0x0  }
0x87: {  	s31 =	sadd.s32 $0x1400, s23;
	[sflag:s20] =	ssyncadd.s32 $0xFFFFC000  }
0x88: {  	[spmem:s2] =	stream.indirect.scatter.add.f32 [tilespmem:s18], [sflag:$0x4], $0x80, s31, s17, $0xb8;
	[tilespmem:$0x1E400] =	vst v63  }
0x89: {  	_ =	swait.ge [sflag:s14], $0x4000  }
0x8a: {  	[sflag:s14] =	ssyncset.done $0x0  }
0x8b: {  	[sflag:s14] =	ssyncadd.s32 $0xFFFFC000  }
0x8c: {  	_ =	swait.ge [sflag:s21], $0x4000  }
0x8d: {  	[sflag:s21] =	ssyncset.done $0x0  }
0x8e: {  	s23 =	sadd.s32 $0x1480, s23;
	[sflag:s21] =	ssyncadd.s32 $0xFFFFC000  }
0x8f: {  	[spmem:s2] =	stream.indirect.scatter.add.f32 [tilespmem:s19], [sflag:$0x4], $0x80, s23, s17, $0xb8;
	[tilespmem:$0x1E400] =	vst v63  }
0x90: {  	_ =	swait.ge [sflag:s14], $0x4000  }
0x91: {  	s22 =	sadd.s32 $0x1, s22;
	[sflag:s14] =	ssyncset.done $0x0  }
0x92: {  	p0 =	sne.s32 s22, s8;
	[sflag:s14] =	ssyncadd.s32 $0xFFFFC000  }
.Ltmp2:
0x93: {  	[bflag:$0x0] =	sbarrier.arrive $0xFFFF;
	(pc) =	sbr.rel @p0 .LBB2_1-.Ltmp2, $4  }
0x94: {  	[hbm:s7], [sflag:s6] =	dma.local [spmem:s13], $0x2780  }
0x95: {  	_ =	swait.ge [sflag:s14], $0x2780  }
0x96: {  	[sflag:s14] =	ssyncset.done $0x0  }
0x97: {  	[sflag:s14] =	ssyncadd.s32 $0xFFFFD880  }
0x98: {  	_ =	sfence.sel $0x180000  }
0x99: {  	[bflag:$0x0] =	sbarrier.arrive $0xFFFF  }
0x9a: {  	p0 =	sne.s32 s1, $0x0;
	_ =	strace $0x9000004A  }
0x9b: {  	s0 =	sadd.s32 @!p0 $0x100000, s0;
	[bflag:$0x2] =	sbarrier.arrive $0xFFFF  }
0x9c: {  	[sflag:s0] =	ssyncadd.tile.s32 @!p0 $0x1;
	_ =	shalt  }
.Lfunc_end2:
_tile_overlayer_lowered:
.L_overlay_start_2:
0x9d: {  	(tag) =	ssettag $0x2  }
0x9e: {  	s0 =	rddreg [dreg:$0x0];
	s2 =	stileid.u32  }
0x9f: {  	s1 =	rddreg [dreg:$0x1];
	p0 =	sne.s32 s2, $0x0  }
0xa0: {  	s3 =	rddreg [dreg:$0x2];
	[bflag:$0x3] =	sbarrier.arrive $0xFFFF;
	s2 =	simm.s32 @!p0 $0x1C04  }
0xa1: {  	[timem:s3], [sflag:s2] =	dma.local @!p0 [hbm:s0], s1  }
0xa2: {  	s0 =	simm.s32 @!p0 $0x4  }
0xa3: {  	_ =	swait.ge @!p0 [sflag:s0], s1  }
0xa4: {  	s1 =	ssub.s32 @!p0 $0x0, s1;
	[sflag:s0] =	ssyncset.done @!p0 $0x0  }
0xa5: {  	[sflag:s0] =	ssyncadd.s32 @!p0 s1  }
0xa6: {  	[bflag:$0x3] =	sbarrier.arrive $0xFFFF  }
0xa7: {  	_ =	shalt  }

// kernel: kernel.24.cloned.1.call-start
scs
__scs_entry_jumppad:
0x0: {  	(pc) =	sbr.rel $0x88, $3  }
0x1: {  	(tag) =	ssettag $0x0;
	lr =	simm.s32 $0x1  }
0x2: {  	[smem:$0x3F97] =	sst lr;
	_ =	strace $0xD0000000  }
0x3: {  	_ = 	snop  }
0x4: {  	_ = 	snop  }
0x5: {  	_ = 	snop  }
0x6: {  	_ = 	snop  }
0x7: {  	_ = 	snop  }
__scs_overlays_trampoline_lowered:
0x8: {  	[smem:$0x3FA6] =	sst s0  }
0x9: {  	[smem:$0x3FA7] =	sst s1  }
0xa: {  	[smem:$0x3FA8] =	sst s2  }
0xb: {  	[smem:$0x3FA9] =	sst s3  }
0xc: {  	[smem:$0x3FAA] =	sst s4  }
0xd: {  	[smem:$0x3FAB] =	sst s5  }
0xe: {  	[smem:$0x3FAC] =	sst s6  }
0xf: {  	[smem:$0x3FAD] =	sst s7  }
0x10: {  	[smem:$0x3FAE] =	sst s8  }
0x11: {  	[smem:$0x3FAF] =	sst s9;
	s0 =	simm.s32 @!p0 $0x0  }
0x12: {  	s1 =	sld [smem:$0x3F95];
	s0 =	simm.s32 @p0 $0x1  }
0x13: {  	[smem:$0x3FB0] =	sst s0;
	s0 =	simm.s32 @!p1 $0x0  }
0x14: {  	s2 =	sld [smem:$0x3F94];
	s0 =	simm.s32 @p1 $0x1  }
0x15: {  	[smem:$0x3FB1] =	sst s0;
	s0 =	simm.s32 @!p2 $0x0  }
0x16: {  	s3 =	sld [smem:$0x3FDB];
	s0 =	simm.s32 @p2 $0x1  }
0x17: {  	s4 =	simm.s32 $0x1BF5;
	[smem:$0x3FB3] =	sst s0  }
0x18: {  	s0 =	sld [smem:$0x3F96];
	_ =	swait.ge [sflag:s4], $0x0  }
0x19: {  	s7 =	sld [smem:$0x3F97]  }
0x1a: {  	s8 =	sadd.s32 $0xFFFFE003, lr  }
0x1b: {  	s9 =	sadd.s32 $0xFFFFFEF7, lr;
	s5 =	simm.s32 $0xFFFFFFFF;
	p2 =	slt.u32 s8, $0xFFFFF086  }
0x1c: {  	p1 =	slt.u32 s9, $0xF7A;
	s5 =	simm.s32 @!p2 $0x0  }
0x1d: {  	s5 =	simm.s32 @p1 $0x1;
	p0 =	seq.s32 s7, s2  }
0x1e: {  	s7 =	smul.u32 @!p0 $0xF7A, s2;
	p2 =	seq.s32 @!p0 s5, $0x0  }
0x1f: {  	s9 =	smul.u32 $0xF7A, s1;
	s8 =	simm.s32 @!p0 $0x1BF5;
	p2 =	por !p2, p0  }
0x20: {  	[sflag:s8] =	ssyncset.s32 @!p0 $0xFFFFF086;
	s6 =	sadd.s32 @!p0 s3, s7;
	s7 =	simm.s32 @!p0 $0x108  }
0x21: {  	s3 =	sadd.s32 s3, s9;
	s6 =	sadd.s32 @!p0 $0x88, s6;
	s7 =	simm.s32 @p2 $0x1082  }
0x22: {  	[simem:s7], [sflag:s8] =	dma.local @!p0 [hbm:s6], $0xF7A  }
0x23: {  	s9 =	sor.u32 $0xD0000000, s2;
	s6 =	simm.s32 $0x108;
	_ =	swait.ge @!p0 [sflag:s8], $0x0  }
0x24: {  	s3 =	sadd.s32 $0x88, s3;
	s6 =	simm.s32 @!p1 $0x1082;
	[sflag:s4] =	ssyncset.s32 $0xFFFFF086  }
0x25: {  	[simem:s6], [sflag:s4] =	dma.local [hbm:s3], $0xF7A  }
0x26: {  	[smem:$0x3F97] =	sst s1;
	(tag) =	ssettag s2;
	_ =	strace s9  }
0x27: {  	s1 =	sld [smem:$0x3FA7]  }
0x28: {  	s2 =	sld [smem:$0x3FA8]  }
0x29: {  	s4 =	sld [smem:$0x3FAA]  }
0x2a: {  	p0 =	seq.s32 s5, $0x0;
	s5 =	sld [smem:$0x3FAB]  }
0x2b: {  	s6 =	sld [smem:$0x3FAC]  }
0x2c: {  	s7 =	sld [smem:$0x3FAD]  }
0x2d: {  	s3 =	simm.s32 $0x108;
	s8 =	sld [smem:$0x3FAE]  }
0x2e: {  	s3 =	simm.s32 @!p0 $0x1082;
	s9 =	sld [smem:$0x3FAF]  }
0x2f: {  	lr =	sadd.s32 s0, s3;
	s0 =	sld [smem:$0x3FA6]  }
0x30: {  	s3 =	sld [smem:$0x3FA9]  }
0x31: {  	[smem:$0x3FB2] =	sst s10  }
0x32: {  	s10 =	sld [smem:$0x3FB0];
	_ =	sdelay $0x3  }
0x33: {  	p0 =	seq.s32 s10, $0x1;
	s10 =	sld [smem:$0x3FB2];
	_ =	sdelay $0x3  }
0x34: {  	[smem:$0x3FB2] =	sst s10  }
0x35: {  	s10 =	sld [smem:$0x3FB1];
	_ =	sdelay $0x3  }
0x36: {  	p1 =	seq.s32 s10, $0x1;
	s10 =	sld [smem:$0x3FB2];
	_ =	sdelay $0x3  }
0x37: {  	[smem:$0x3FB2] =	sst s10  }
0x38: {  	s10 =	sld [smem:$0x3FB3]  }
0x39: {  	_ = 	snop;
	(pc) =	sbr.ind lr, $3  }
0x3a: {  	_ = 	snop  }
0x3b: {  	_ = 	snop  }
0x3c: {  	p2 =	seq.s32 s10, $0x1;
	s10 =	sld [smem:$0x3FB2]  }
0x3d: {  	_ =	shalt  }
0x3e: {  	_ =	shalt  }
0x3f: {  	_ =	shalt  }
0x40: {  	_ =	shalt  }
0x41: {  	_ =	shalt  }
0x42: {  	_ =	shalt  }
0x43: {  	_ =	shalt  }
0x44: {  	_ =	shalt  }
0x45: {  	_ =	shalt  }
0x46: {  	_ =	shalt  }
0x47: {  	_ =	shalt  }
0x48: {  	_ =	shalt  }
0x49: {  	_ =	shalt  }
0x4a: {  	_ =	shalt  }
0x4b: {  	_ =	shalt  }
0x4c: {  	_ =	shalt  }
0x4d: {  	_ =	shalt  }
0x4e: {  	_ =	shalt  }
0x4f: {  	_ =	shalt  }
0x50: {  	_ =	shalt  }
0x51: {  	_ =	shalt  }
0x52: {  	_ =	shalt  }
0x53: {  	_ =	shalt  }
0x54: {  	_ =	shalt  }
0x55: {  	_ =	shalt  }
0x56: {  	_ =	shalt  }
0x57: {  	_ =	shalt  }
0x58: {  	_ =	shalt  }
0x59: {  	_ =	shalt  }
0x5a: {  	_ =	shalt  }
0x5b: {  	_ =	shalt  }
0x5c: {  	_ =	shalt  }
0x5d: {  	_ =	shalt  }
0x5e: {  	_ =	shalt  }
0x5f: {  	_ =	shalt  }
0x60: {  	_ =	shalt  }
0x61: {  	_ =	shalt  }
0x62: {  	_ =	shalt  }
0x63: {  	_ =	shalt  }
0x64: {  	_ =	shalt  }
0x65: {  	_ =	shalt  }
0x66: {  	_ =	shalt  }
0x67: {  	_ =	shalt  }
0x68: {  	_ =	shalt  }
0x69: {  	_ =	shalt  }
0x6a: {  	_ =	shalt  }
0x6b: {  	_ =	shalt  }
0x6c: {  	_ =	shalt  }
0x6d: {  	_ =	shalt  }
0x6e: {  	_ =	shalt  }
0x6f: {  	_ =	shalt  }
0x70: {  	_ =	shalt  }
0x71: {  	_ =	shalt  }
0x72: {  	_ =	shalt  }
0x73: {  	_ =	shalt  }
0x74: {  	_ =	shalt  }
0x75: {  	_ =	shalt  }
0x76: {  	_ =	shalt  }
0x77: {  	_ =	shalt  }
0x78: {  	_ =	shalt  }
0x79: {  	_ =	shalt  }
0x7a: {  	_ =	shalt  }
0x7b: {  	_ =	shalt  }
0x7c: {  	_ =	shalt  }
0x7d: {  	_ =	shalt  }
0x7e: {  	_ =	shalt  }
0x7f: {  	_ =	shalt  }
0x80: {  	_ =	shalt  }
0x81: {  	_ =	shalt  }
0x82: {  	_ =	shalt  }
0x83: {  	_ =	shalt  }
0x84: {  	_ =	shalt  }
0x85: {  	_ =	shalt  }
0x86: {  	_ =	shalt  }
0x87: {  	_ =	shalt  }
.Lfunc_end0:
.L_simem_size_0:
called_computation.2_lowered:
.L_overlay_start_0:
0x88: {  	s2 =	sld [smem:$0x3FD9]  }
0x89: {  	s3 =	sld [smem:$0x3FFE];
	_ =	sdelay $0x1  }
0x8a: {  	s1 =	srdreg.scid  }
0x8b: {  	s0 =	sand.u32 $0x1, s1  }
0x8c: {  	s17 =	sshll.u32 s0, $0xA;
	s2 =	sadd.s32 s3, s2  }
0x8d: {  	s2 =	sadd.s32 s2, s17  }
0x8e: {  	[smem:$0x3FBE] =	sst s2  }
0x8f: {  	_ = 	snop  }
0x90: {  	s2 =	sld [smem:$0x3FD0];
	(tm) =	ssettm $0x1  }
0x91: {  	s18 =	sld [smem:$0x3FFB];
	_ =	sdelay $0x3  }
0x92: {  	_ =	strace s18  }
0x93: {  	s3 =	sld [smem:$0x3FFC];
	_ =	sdelay $0x3  }
0x94: {  	_ =	strace s3  }
0x95: {  	s3 =	sld [smem:$0x3FFD];
	_ =	sdelay $0x3  }
0x96: {  	_ =	strace s3  }
0x97: {  	_ =	strace $0x8FFFFFFF  }
0x98: {  	s19 =	sld [smem:$0x3FDB];
	_ =	sdelay $0x1  }
0x99: {  	s4 =	simm.s32 $_scs_section_size  }
0x9a: {  	s5 =	simm.s32 $_size__tile_overlayer_lowered;
	s6 =	simm.s32 $_tile_overlayer_lowered  }
0x9b: {  	s22 =	simm.s32 $0x1BFF;
	s21 =	sshll.u32 s6, $0x1;
	s3 =	sadd.s32 s4, s19  }
0x9c: {  	s7 =	simm.s32 $0x0;
	s20 =	sshll.u32 s5, $0x1;
	s5 =	sadd.s32 s21, s3  }
0x9d: {  	[timem:s7], [sflag:s22] =	dma.local [hbm:s5], s20  }
0x9e: {  	_ =	swait.ge [sflag:s22], s20  }
0x9f: {  	s4 =	ssub.s32 $0x0, s20;
	[sflag:s22] =	ssyncset.done $0x0  }
0xa0: {  	[sflag:s22] =	ssyncadd.s32 s4;
	_ =	sdelay $0x1  }
0xa1: {  	s23 =	simm.s32 $0x1B8B  }
0xa2: {  	_ =	swait.ge [sflag:s23], $0x1  }
0xa3: {  	[sflag:s23] =	ssyncset.done $0x0  }
0xa4: {  	s25 =	simm.s32 $0x1B8E;
	s24 =	sld [smem:$0x3FFE];
	[sflag:s23] =	ssyncadd.s32 $0xFFFFFFFF  }
0xa5: {  	s26 =	simm.s32 $execute0_lowered;
	[smem:$0x3FD2] =	sst s25  }
0xa6: {  	s5 =	sshll.u32 s26, $0x1;
	_ =	strace $0x8000004C;
	[dreg:$0x1] =	wrdreg $0xFFFFFFFF  }
0xa7: {  	s28 =	simm.s32 $_size_execute0_lowered;
	s3 =	sadd.s32 s3, s5;
	[dreg:$0x0] =	wrdreg $0x0  }
0xa8: {  	s5 =	sshll.u32 s28, $0x1;
	[dreg:$0x2] =	wrdreg s3  }
0xa9: {  	[dreg:$0x3] =	wrdreg s5  }
0xaa: {  	[dreg:$0x4] =	wrdreg $0xC0  }
0xab: {  	_ =	task [dreg:s7], $0x5FFFF  }
0xac: {  	[dreg:$0x1] =	wrdreg $0xFFFFFFFF  }
0xad: {  	[dreg:$0x0] =	wrdreg $0x60  }
0xae: {  	[dreg:$0x2] =	wrdreg s24  }
0xaf: {  	[dreg:$0x3] =	wrdreg s2  }
0xb0: {  	[dreg:$0x4] =	wrdreg $0xA8000  }
0xb1: {  	[dreg:$0x5] =	wrdreg $0x9  }
0xb2: {  	_ =	task.clear_ibuf [dreg:s7], $0x6FFFF;
	_ =	strace $0x9000004C  }
0xb3: {  	s29 =	simm.s32 $0x9;
	_ =	strace $0x8000004E  }
0xb4: {  	_ =	swait.ge [sflag:s29], $0x1  }
0xb5: {  	[sflag:s29] =	ssyncadd.s32 $0xFFFFFFFF  }
0xb6: {  	_ =	strace $0x9000004E  }
0xb7: {  	_ =	sfence  }
0xb8: {  	s30 =	sld [smem:$0x0];
	_ =	sdelay $0x2  }
0xb9: {  	s31 =	sshll.u32 s1, $0xD;
	s1 =	sshrl.u32 s1, $0x2  }
0xba: {  	s3 =	sand.u32 $0x4000, s31;
	s1 =	sadd.s32 s1, s30  }
0xbb: {  	s0 =	sor.u32 s3, s0;
	s1 =	sshll.u32 s1, $0x11  }
0xbc: {  	s0 =	sor.u32 s1, s0  }
0xbd: {  	s0 =	sadd.s32 $0x8F2B, s0  }
0xbe: {  	[sflag:s0] =	ssyncadd.remote.s32 $0x1  }
0xbf: {  	_ =	sfence.sel $0xFFFF  }
0xc0: {  	[dreg:$0x0] =	wrdreg $0xFFFFFFFF;
	(pc) =	sbr.abs _section_cstart, $3  }
0xc1: {  	[dreg:$0x1] =	wrdreg $0xFFFFFFFF  }
0xc2: {  	_ =	task.clear_ibuf [dreg:s7], $0x2FFFF;
	_ =	strace $0x9FFFFFFF  }
0xc3: {  	(tm) =	ssettm $0x7FFFFFFF  }
tec
execute0_lowered:
.L_overlay_start_1:
0x0: {  	(tag) =	ssettag $0x1  }
0x1: {  	s5 =	rddreg [dreg:$0x0]  }
0x2: {  	s11 =	rddreg [dreg:$0x1]  }
0x3: {  	s2 =	rddreg [dreg:$0x2]  }
0x4: {  	s0 =	rddreg [dreg:$0x3]  }
0x5: {  	s1 =	stileid.u32;
	s4 =	srdreg.scid;
	s3 =	simm.s32 $0x0  }
0x6: {  	s16 =	simm.s32 $0x3;
	s17 =	simm.s32 $0x80;
	s18 =	simm.s32 $0x2800  }
0x7: {  	s19 =	simm.s32 $0x6800;
	s20 =	simm.s32 $0x1;
	s21 =	simm.s32 $0x2  }
0x8: {  	s22 =	simm.s32 $0x0;
	s6 =	smul.u32 $0x13C00, s1;
	s7 =	sand.u32 $0x1, s4  }
0x9: {  	[smem:$0x7FF] =	sst s3;
	s4 =	sadd.s32 $0x35200, s5;
	s12 =	sadd.s32 $0x2B200, s5  }
0xa: {  	s13 =	sshll.u32 s1, $0x1;
	s14 =	smul.u32 $0x4F000, s1;
	s28 =	sshll.u32 s1, $0x6  }
0xb: {  	s8 =	smul.u32 $0x13C000, s7;
	_ =	strace $0x8000004D;
	s24 =	ssub.s32 $0x2, s7  }
0xc: {  	s25 =	sor.u32 s7, s13;
	s9 =	sshrl.u32 s6, $0x3;
	s10 =	sshrl.u32 s24, $0x1  }
0xd: {  	s26 =	sshrl.u32 s14, $0x2;
	s29 =	smul.u32 $0x2800, s25;
	s6 =	sadd.s32 s6, s8  }
0xe: {  	s23 =	sadd.s32 s9, s5;
	s9 =	ssub.s32 s24, s10;
	s30 =	sadd.s32 s26, s2  }
0xf: {  	s6 =	sshrl.u32 s6, $0x3;
	s8 =	smax.u32 s9, $0x1;
	s31 =	sshrl.u32 s29, $0x3  }
0x10: {  	s13 =	sshrl.u32 s30, $0x3;
	s15 =	sadd.s32 s6, s5;
	s5 =	sadd.s32 $0x2A00, s23  }
0x11: {  	s6 =	sor.u32 $0x1C04, s28;
	s9 =	sadd.s32 s11, s31;
	s14 =	sadd.s32 $0x280, s31  }
0x12: {  	s10 =	sadd.s32 s12, s31;
	s7 =	sadd.s32 $0x2A6200, s15;
	s11 =	sadd.s32 s11, s14  }
0x13: {  	s12 =	sadd.s32 s12, s14;
	s14 =	simm.s32 $0x4;
	s15 =	simm.s32 $0x1400  }
.LBB2_1:
0x14: {  	[spmem:s13], [sflag:s6] =	dma.local [hbm:s5], $0x2780  }
0x15: {  	_ =	swait.ge [sflag:s14], $0x2780  }
0x16: {  	[sflag:s14] =	ssyncset.done $0x0  }
0x17: {  	[sflag:s14] =	ssyncadd.s32 $0xFFFFD880  }
0x18: {  	[bflag:$0x0] =	sbarrier.arrive $0xFFFF  }
0x19: {  	[tilespmem:s3], [sflag:$0x3] =	stream.linear.gather [hbm4b:s9+s3], $0x1400, $0x38;
	[tilespmem:$0x1E400] =	vst v63  }
0x1a: {  	_ = 	snop  }
0x1b: {  	[tilespmem:s15], [sflag:$0x3] =	stream.linear.gather [hbm4b:s10+s3], $0x1400, $0x38;
	[tilespmem:$0x1E400] =	vst v63  }
0x1c: {  	_ =	swait.ge [sflag:s16], $0x1400  }
0x1d: {  	[sflag:s16] =	ssyncset.done $0x0  }
0x1e: {  	[sflag:s16] =	ssyncadd.s32 $0xFFFFEC00  }
0x1f: {  	_ =	swait.ge [sflag:s16], $0x1400  }
0x20: {  	[sflag:s16] =	ssyncset.done $0x0  }
0x21: {  	s23 =	simm.s32 $0x0;
	[sflag:s16] =	ssyncadd.s32 $0xFFFFEC00  }
0x22: {  	[tilespmem:s18], [sflag:$0x1] =	stream.indirect.gather [hbm4b:s4+s17], $0x80, s23, s17, $0xb8;
	[tilespmem:$0x1E400] =	vst v63  }
0x23: {  	s29 =	simm.s32 $0x80  }
0x24: {  	[tilespmem:s19], [sflag:$0x2] =	stream.indirect.gather [hbm4b:s4+s17], $0x80, s29, s17, $0xb8;
	[tilespmem:$0x1E400] =	vst v63  }
0x25: {  	_ =	swait.ge [sflag:s20], $0x4000  }
0x26: {  	[sflag:s20] =	ssyncset.done $0x0  }
0x27: {  	s30 =	simm.s32 $0x1400;
	[sflag:s20] =	ssyncadd.s32 $0xFFFFC000  }
0x28: {  	[spmem:s2] =	stream.indirect.scatter.add.f32 [tilespmem:s18], [sflag:$0x4], $0x80, s30, s17, $0xb8;
	[tilespmem:$0x1E400] =	vst v63  }
0x29: {  	_ =	swait.ge [sflag:s14], $0x4000  }
0x2a: {  	[sflag:s14] =	ssyncset.done $0x0  }
0x2b: {  	[sflag:s14] =	ssyncadd.s32 $0xFFFFC000  }
0x2c: {  	_ =	swait.ge [sflag:s21], $0x4000  }
0x2d: {  	[sflag:s21] =	ssyncset.done $0x0  }
0x2e: {  	s31 =	simm.s32 $0x1480;
	[sflag:s21] =	ssyncadd.s32 $0xFFFFC000  }
0x2f: {  	[spmem:s2] =	stream.indirect.scatter.add.f32 [tilespmem:s19], [sflag:$0x4], $0x80, s31, s17, $0xb8;
	[tilespmem:$0x1E400] =	vst v63  }
0x30: {  	_ =	swait.ge [sflag:s14], $0x4000  }
0x31: {  	s24 =	simm.s32 $0x800;
	s23 =	simm.s32 $0x400;
	[sflag:s14] =	ssyncset.done $0x0  }
.LBB2_2:
0x32: {  	s25 =	sshra.s32 s23, $0x2  }
0x33: {  	[sflag:s14] =	ssyncadd.s32 $0xFFFFC000;
	s23 =	smov.u32 s24;
	s26 =	sadd.s32 $0x400, s24  }
0x34: {  	[tilespmem:s18], [sflag:$0x1] =	stream.indirect.gather [hbm4b:s4+s17], $0x80, s25, s17, $0xb8;
	[tilespmem:$0x1E400] =	vst v63  }
0x35: {  	p0 =	sne.s32 s24, $0x4C00;
	s24 =	sadd.s32 $0x80, s25  }
0x36: {  	[tilespmem:s19], [sflag:$0x2] =	stream.indirect.gather [hbm4b:s4+s17], $0x80, s24, s17, $0xb8;
	[tilespmem:$0x1E400] =	vst v63  }
0x37: {  	_ =	swait.ge [sflag:s20], $0x4000  }
0x38: {  	[sflag:s20] =	ssyncset.done $0x0  }
0x39: {  	s24 =	sadd.s32 $0x1400, s25;
	[sflag:s20] =	ssyncadd.s32 $0xFFFFC000  }
0x3a: {  	[spmem:s2] =	stream.indirect.scatter.add.f32 [tilespmem:s18], [sflag:$0x4], $0x80, s24, s17, $0xb8;
	[tilespmem:$0x1E400] =	vst v63  }
0x3b: {  	_ =	swait.ge [sflag:s14], $0x4000  }
0x3c: {  	[sflag:s14] =	ssyncset.done $0x0  }
0x3d: {  	[sflag:s14] =	ssyncadd.s32 $0xFFFFC000  }
0x3e: {  	_ =	swait.ge [sflag:s21], $0x4000  }
.Ltmp0:
0x3f: {  	[sflag:s21] =	ssyncset.done $0x0;
	(pc) =	sbr.rel @p0 .LBB2_2-.Ltmp0, $4  }
0x40: {  	s24 =	sadd.s32 $0x1480, s25;
	[sflag:s21] =	ssyncadd.s32 $0xFFFFC000  }
0x41: {  	[spmem:s2] =	stream.indirect.scatter.add.f32 [tilespmem:s19], [sflag:$0x4], $0x80, s24, s17, $0xb8;
	[tilespmem:$0x1E400] =	vst v63  }
0x42: {  	_ =	swait.ge [sflag:s14], $0x4000  }
0x43: {  	s24 =	smov.u32 s26;
	[sflag:s14] =	ssyncset.done $0x0  }
0x44: {  	s23 =	sshra.s32 s23, $0x2;
	[sflag:s14] =	ssyncadd.s32 $0xFFFFC000  }
0x45: {  	[tilespmem:s18], [sflag:$0x1] =	stream.indirect.gather [hbm4b:s4+s17], $0x80, s23, s17, $0xb8;
	[tilespmem:$0x1E400] =	vst v63  }
0x46: {  	s24 =	sadd.s32 $0x80, s23  }
0x47: {  	[tilespmem:s19], [sflag:$0x2] =	stream.indirect.gather [hbm4b:s4+s17], $0x80, s24, s17, $0xb8;
	[tilespmem:$0x1E400] =	vst v63  }
0x48: {  	_ =	swait.ge [sflag:s20], $0x4000  }
0x49: {  	[sflag:s20] =	ssyncset.done $0x0  }
0x4a: {  	s25 =	sadd.s32 $0x1400, s23;
	[sflag:s20] =	ssyncadd.s32 $0xFFFFC000  }
0x4b: {  	[spmem:s2] =	stream.indirect.scatter.add.f32 [tilespmem:s18], [sflag:$0x4], $0x80, s25, s17, $0xb8;
	[tilespmem:$0x1E400] =	vst v63  }
0x4c: {  	_ =	swait.ge [sflag:s14], $0x4000  }
0x4d: {  	[sflag:s14] =	ssyncset.done $0x0  }
0x4e: {  	[sflag:s14] =	ssyncadd.s32 $0xFFFFC000  }
0x4f: {  	_ =	swait.ge [sflag:s21], $0x4000  }
0x50: {  	[sflag:s21] =	ssyncset.done $0x0  }
0x51: {  	s23 =	sadd.s32 $0x1480, s23;
	[sflag:s21] =	ssyncadd.s32 $0xFFFFC000  }
0x52: {  	[spmem:s2] =	stream.indirect.scatter.add.f32 [tilespmem:s19], [sflag:$0x4], $0x80, s23, s17, $0xb8;
	[tilespmem:$0x1E400] =	vst v63  }
0x53: {  	_ =	swait.ge [sflag:s14], $0x4000  }
0x54: {  	[sflag:s14] =	ssyncset.done $0x0  }
0x55: {  	s26 =	simm.s32 $0x0;
	[sflag:s14] =	ssyncadd.s32 $0xFFFFC000  }
0x56: {  	[tilespmem:s26], [sflag:$0x3] =	stream.linear.gather [hbm4b:s11+s26], $0x1400, $0x38;
	[tilespmem:$0x1E400] =	vst v63  }
0x57: {  	_ = 	snop  }
0x58: {  	[tilespmem:s15], [sflag:$0x3] =	stream.linear.gather [hbm4b:s12+s26], $0x1400, $0x38;
	[tilespmem:$0x1E400] =	vst v63  }
0x59: {  	_ =	swait.ge [sflag:s16], $0x1400  }
0x5a: {  	[sflag:s16] =	ssyncset.done $0x0  }
0x5b: {  	[sflag:s16] =	ssyncadd.s32 $0xFFFFEC00  }
0x5c: {  	_ =	swait.ge [sflag:s16], $0x1400  }
0x5d: {  	[sflag:s16] =	ssyncset.done $0x0  }
0x5e: {  	s28 =	simm.s32 $0x0;
	[sflag:s16] =	ssyncadd.s32 $0xFFFFEC00  }
0x5f: {  	[tilespmem:s18], [sflag:$0x1] =	stream.indirect.gather [hbm4b:s4+s17], $0x80, s28, s17, $0xb8;
	[tilespmem:$0x1E400] =	vst v63  }
0x60: {  	s29 =	simm.s32 $0x80  }
0x61: {  	[tilespmem:s19], [sflag:$0x2] =	stream.indirect.gather [hbm4b:s4+s17], $0x80, s29, s17, $0xb8;
	[tilespmem:$0x1E400] =	vst v63  }
0x62: {  	_ =	swait.ge [sflag:s20], $0x4000  }
0x63: {  	[sflag:s20] =	ssyncset.done $0x0  }
0x64: {  	s30 =	simm.s32 $0x1400;
	[sflag:s20] =	ssyncadd.s32 $0xFFFFC000  }
0x65: {  	[spmem:s2] =	stream.indirect.scatter.add.f32 [tilespmem:s18], [sflag:$0x4], $0x80, s30, s17, $0xb8;
	[tilespmem:$0x1E400] =	vst v63  }
0x66: {  	_ =	swait.ge [sflag:s14], $0x4000  }
0x67: {  	[sflag:s14] =	ssyncset.done $0x0  }
0x68: {  	[sflag:s14] =	ssyncadd.s32 $0xFFFFC000  }
0x69: {  	_ =	swait.ge [sflag:s21], $0x4000  }
0x6a: {  	[sflag:s21] =	ssyncset.done $0x0  }
0x6b: {  	s31 =	simm.s32 $0x1480;
	[sflag:s21] =	ssyncadd.s32 $0xFFFFC000  }
0x6c: {  	[spmem:s2] =	stream.indirect.scatter.add.f32 [tilespmem:s19], [sflag:$0x4], $0x80, s31, s17, $0xb8;
	[tilespmem:$0x1E400] =	vst v63  }
0x6d: {  	_ =	swait.ge [sflag:s14], $0x4000  }
0x6e: {  	s24 =	simm.s32 $0x800;
	s23 =	simm.s32 $0x400;
	[sflag:s14] =	ssyncset.done $0x0  }
.LBB2_4:
0x6f: {  	s25 =	sshra.s32 s23, $0x2  }
0x70: {  	[sflag:s14] =	ssyncadd.s32 $0xFFFFC000;
	s23 =	smov.u32 s24;
	s26 =	sadd.s32 $0x400, s24  }
0x71: {  	[tilespmem:s18], [sflag:$0x1] =	stream.indirect.gather [hbm4b:s4+s17], $0x80, s25, s17, $0xb8;
	[tilespmem:$0x1E400] =	vst v63  }
0x72: {  	p0 =	sne.s32 s24, $0x4C00;
	s24 =	sadd.s32 $0x80, s25  }
0x73: {  	[tilespmem:s19], [sflag:$0x2] =	stream.indirect.gather [hbm4b:s4+s17], $0x80, s24, s17, $0xb8;
	[tilespmem:$0x1E400] =	vst v63  }
0x74: {  	_ =	swait.ge [sflag:s20], $0x4000  }
0x75: {  	[sflag:s20] =	ssyncset.done $0x0  }
0x76: {  	s24 =	sadd.s32 $0x1400, s25;
	[sflag:s20] =	ssyncadd.s32 $0xFFFFC000  }
0x77: {  	[spmem:s2] =	stream.indirect.scatter.add.f32 [tilespmem:s18], [sflag:$0x4], $0x80, s24, s17, $0xb8;
	[tilespmem:$0x1E400] =	vst v63  }
0x78: {  	_ =	swait.ge [sflag:s14], $0x4000  }
0x79: {  	[sflag:s14] =	ssyncset.done $0x0  }
0x7a: {  	[sflag:s14] =	ssyncadd.s32 $0xFFFFC000  }
0x7b: {  	_ =	swait.ge [sflag:s21], $0x4000  }
.Ltmp1:
0x7c: {  	[sflag:s21] =	ssyncset.done $0x0;
	(pc) =	sbr.rel @p0 .LBB2_4-.Ltmp1, $4  }
0x7d: {  	s24 =	sadd.s32 $0x1480, s25;
	[sflag:s21] =	ssyncadd.s32 $0xFFFFC000  }
0x7e: {  	[spmem:s2] =	stream.indirect.scatter.add.f32 [tilespmem:s19], [sflag:$0x4], $0x80, s24, s17, $0xb8;
	[tilespmem:$0x1E400] =	vst v63  }
0x7f: {  	_ =	swait.ge [sflag:s14], $0x4000  }
0x80: {  	s24 =	smov.u32 s26;
	[sflag:s14] =	ssyncset.done $0x0  }
0x81: {  	s23 =	sshra.s32 s23, $0x2;
	[sflag:s14] =	ssyncadd.s32 $0xFFFFC000  }
0x82: {  	[tilespmem:s18], [sflag:$0x1] =	stream.indirect.gather [hbm4b:s4+s17], $0x80, s23, s17, $0xb8;
	[tilespmem:$0x1E400] =	vst v63  }
0x83: {  	s24 =	sadd.s32 $0x80, s23  }
0x84: {  	[tilespmem:s19], [sflag:$0x2] =	stream.indirect.gather [hbm4b:s4+s17], $0x80, s24, s17, $0xb8;
	[tilespmem:$0x1E400] =	vst v63  }
0x85: {  	_ =	swait.ge [sflag:s20], $0x4000  }
0x86: {  	[sflag:s20] =	ssyncset.done $0x0  }
0x87: {  	s31 =	sadd.s32 $0x1400, s23;
	[sflag:s20] =	ssyncadd.s32 $0xFFFFC000  }
0x88: {  	[spmem:s2] =	stream.indirect.scatter.add.f32 [tilespmem:s18], [sflag:$0x4], $0x80, s31, s17, $0xb8;
	[tilespmem:$0x1E400] =	vst v63  }
0x89: {  	_ =	swait.ge [sflag:s14], $0x4000  }
0x8a: {  	[sflag:s14] =	ssyncset.done $0x0  }
0x8b: {  	[sflag:s14] =	ssyncadd.s32 $0xFFFFC000  }
0x8c: {  	_ =	swait.ge [sflag:s21], $0x4000  }
0x8d: {  	[sflag:s21] =	ssyncset.done $0x0  }
0x8e: {  	s23 =	sadd.s32 $0x1480, s23;
	[sflag:s21] =	ssyncadd.s32 $0xFFFFC000  }
0x8f: {  	[spmem:s2] =	stream.indirect.scatter.add.f32 [tilespmem:s19], [sflag:$0x4], $0x80, s23, s17, $0xb8;
	[tilespmem:$0x1E400] =	vst v63  }
0x90: {  	_ =	swait.ge [sflag:s14], $0x4000  }
0x91: {  	s22 =	sadd.s32 $0x1, s22;
	[sflag:s14] =	ssyncset.done $0x0  }
0x92: {  	p0 =	sne.s32 s22, s8;
	[sflag:s14] =	ssyncadd.s32 $0xFFFFC000  }
.Ltmp2:
0x93: {  	[bflag:$0x0] =	sbarrier.arrive $0xFFFF;
	(pc) =	sbr.rel @p0 .LBB2_1-.Ltmp2, $4  }
0x94: {  	[hbm:s7], [sflag:s6] =	dma.local [spmem:s13], $0x2780  }
0x95: {  	_ =	swait.ge [sflag:s14], $0x2780  }
0x96: {  	[sflag:s14] =	ssyncset.done $0x0  }
0x97: {  	[sflag:s14] =	ssyncadd.s32 $0xFFFFD880  }
0x98: {  	_ =	sfence.sel $0x180000  }
0x99: {  	[bflag:$0x0] =	sbarrier.arrive $0xFFFF  }
0x9a: {  	p0 =	sne.s32 s1, $0x0;
	_ =	strace $0x9000004D  }
0x9b: {  	s0 =	sadd.s32 @!p0 $0x100000, s0;
	[bflag:$0x2] =	sbarrier.arrive $0xFFFF  }
0x9c: {  	[sflag:s0] =	ssyncadd.tile.s32 @!p0 $0x1;
	_ =	shalt  }
.Lfunc_end2:
_tile_overlayer_lowered:
.L_overlay_start_2:
0x9d: {  	(tag) =	ssettag $0x2  }
0x9e: {  	s0 =	rddreg [dreg:$0x0];
	s2 =	stileid.u32  }
0x9f: {  	s1 =	rddreg [dreg:$0x1];
	p0 =	sne.s32 s2, $0x0  }
0xa0: {  	s3 =	rddreg [dreg:$0x2];
	[bflag:$0x3] =	sbarrier.arrive $0xFFFF;
	s2 =	simm.s32 @!p0 $0x1C04  }
0xa1: {  	[timem:s3], [sflag:s2] =	dma.local @!p0 [hbm:s0], s1  }
0xa2: {  	s0 =	simm.s32 @!p0 $0x4  }
0xa3: {  	_ =	swait.ge @!p0 [sflag:s0], s1  }
0xa4: {  	s1 =	ssub.s32 @!p0 $0x0, s1;
	[sflag:s0] =	ssyncset.done @!p0 $0x0  }
0xa5: {  	[sflag:s0] =	ssyncadd.s32 @!p0 s1  }
0xa6: {  	[bflag:$0x3] =	sbarrier.arrive $0xFFFF  }
0xa7: {  	_ =	shalt  }

// kernel: kernel.27.cloned.1.call-start
scs
__scs_entry_jumppad:
0x0: {  	(pc) =	sbr.rel $0x88, $3  }
0x1: {  	(tag) =	ssettag $0x0;
	lr =	simm.s32 $0x1  }
0x2: {  	[smem:$0x3F97] =	sst lr;
	_ =	strace $0xD0000000  }
0x3: {  	_ = 	snop  }
0x4: {  	_ = 	snop  }
0x5: {  	_ = 	snop  }
0x6: {  	_ = 	snop  }
0x7: {  	_ = 	snop  }
__scs_overlays_trampoline_lowered:
0x8: {  	[smem:$0x3FA6] =	sst s0  }
0x9: {  	[smem:$0x3FA7] =	sst s1  }
0xa: {  	[smem:$0x3FA8] =	sst s2  }
0xb: {  	[smem:$0x3FA9] =	sst s3  }
0xc: {  	[smem:$0x3FAA] =	sst s4  }
0xd: {  	[smem:$0x3FAB] =	sst s5  }
0xe: {  	[smem:$0x3FAC] =	sst s6  }
0xf: {  	[smem:$0x3FAD] =	sst s7  }
0x10: {  	[smem:$0x3FAE] =	sst s8  }
0x11: {  	[smem:$0x3FAF] =	sst s9;
	s0 =	simm.s32 @!p0 $0x0  }
0x12: {  	s1 =	sld [smem:$0x3F95];
	s0 =	simm.s32 @p0 $0x1  }
0x13: {  	[smem:$0x3FB0] =	sst s0;
	s0 =	simm.s32 @!p1 $0x0  }
0x14: {  	s2 =	sld [smem:$0x3F94];
	s0 =	simm.s32 @p1 $0x1  }
0x15: {  	[smem:$0x3FB1] =	sst s0;
	s0 =	simm.s32 @!p2 $0x0  }
0x16: {  	s3 =	sld [smem:$0x3FDB];
	s0 =	simm.s32 @p2 $0x1  }
0x17: {  	s4 =	simm.s32 $0x1BF5;
	[smem:$0x3FB3] =	sst s0  }
0x18: {  	s0 =	sld [smem:$0x3F96];
	_ =	swait.ge [sflag:s4], $0x0  }
0x19: {  	s7 =	sld [smem:$0x3F97]  }
0x1a: {  	s8 =	sadd.s32 $0xFFFFE003, lr  }
0x1b: {  	s9 =	sadd.s32 $0xFFFFFEF7, lr;
	s5 =	simm.s32 $0xFFFFFFFF;
	p2 =	slt.u32 s8, $0xFFFFF086  }
0x1c: {  	p1 =	slt.u32 s9, $0xF7A;
	s5 =	simm.s32 @!p2 $0x0  }
0x1d: {  	s5 =	simm.s32 @p1 $0x1;
	p0 =	seq.s32 s7, s2  }
0x1e: {  	s7 =	smul.u32 @!p0 $0xF7A, s2;
	p2 =	seq.s32 @!p0 s5, $0x0  }
0x1f: {  	s9 =	smul.u32 $0xF7A, s1;
	s8 =	simm.s32 @!p0 $0x1BF5;
	p2 =	por !p2, p0  }
0x20: {  	[sflag:s8] =	ssyncset.s32 @!p0 $0xFFFFF086;
	s6 =	sadd.s32 @!p0 s3, s7;
	s7 =	simm.s32 @!p0 $0x108  }
0x21: {  	s3 =	sadd.s32 s3, s9;
	s6 =	sadd.s32 @!p0 $0x88, s6;
	s7 =	simm.s32 @p2 $0x1082  }
0x22: {  	[simem:s7], [sflag:s8] =	dma.local @!p0 [hbm:s6], $0xF7A  }
0x23: {  	s9 =	sor.u32 $0xD0000000, s2;
	s6 =	simm.s32 $0x108;
	_ =	swait.ge @!p0 [sflag:s8], $0x0  }
0x24: {  	s3 =	sadd.s32 $0x88, s3;
	s6 =	simm.s32 @!p1 $0x1082;
	[sflag:s4] =	ssyncset.s32 $0xFFFFF086  }
0x25: {  	[simem:s6], [sflag:s4] =	dma.local [hbm:s3], $0xF7A  }
0x26: {  	[smem:$0x3F97] =	sst s1;
	(tag) =	ssettag s2;
	_ =	strace s9  }
0x27: {  	s1 =	sld [smem:$0x3FA7]  }
0x28: {  	s2 =	sld [smem:$0x3FA8]  }
0x29: {  	s4 =	sld [smem:$0x3FAA]  }
0x2a: {  	p0 =	seq.s32 s5, $0x0;
	s5 =	sld [smem:$0x3FAB]  }
0x2b: {  	s6 =	sld [smem:$0x3FAC]  }
0x2c: {  	s7 =	sld [smem:$0x3FAD]  }
0x2d: {  	s3 =	simm.s32 $0x108;
	s8 =	sld [smem:$0x3FAE]  }
0x2e: {  	s3 =	simm.s32 @!p0 $0x1082;
	s9 =	sld [smem:$0x3FAF]  }
0x2f: {  	lr =	sadd.s32 s0, s3;
	s0 =	sld [smem:$0x3FA6]  }
0x30: {  	s3 =	sld [smem:$0x3FA9]  }
0x31: {  	[smem:$0x3FB2] =	sst s10  }
0x32: {  	s10 =	sld [smem:$0x3FB0];
	_ =	sdelay $0x3  }
0x33: {  	p0 =	seq.s32 s10, $0x1;
	s10 =	sld [smem:$0x3FB2];
	_ =	sdelay $0x3  }
0x34: {  	[smem:$0x3FB2] =	sst s10  }
0x35: {  	s10 =	sld [smem:$0x3FB1];
	_ =	sdelay $0x3  }
0x36: {  	p1 =	seq.s32 s10, $0x1;
	s10 =	sld [smem:$0x3FB2];
	_ =	sdelay $0x3  }
0x37: {  	[smem:$0x3FB2] =	sst s10  }
0x38: {  	s10 =	sld [smem:$0x3FB3]  }
0x39: {  	_ = 	snop;
	(pc) =	sbr.ind lr, $3  }
0x3a: {  	_ = 	snop  }
0x3b: {  	_ = 	snop  }
0x3c: {  	p2 =	seq.s32 s10, $0x1;
	s10 =	sld [smem:$0x3FB2]  }
0x3d: {  	_ =	shalt  }
0x3e: {  	_ =	shalt  }
0x3f: {  	_ =	shalt  }
0x40: {  	_ =	shalt  }
0x41: {  	_ =	shalt  }
0x42: {  	_ =	shalt  }
0x43: {  	_ =	shalt  }
0x44: {  	_ =	shalt  }
0x45: {  	_ =	shalt  }
0x46: {  	_ =	shalt  }
0x47: {  	_ =	shalt  }
0x48: {  	_ =	shalt  }
0x49: {  	_ =	shalt  }
0x4a: {  	_ =	shalt  }
0x4b: {  	_ =	shalt  }
0x4c: {  	_ =	shalt  }
0x4d: {  	_ =	shalt  }
0x4e: {  	_ =	shalt  }
0x4f: {  	_ =	shalt  }
0x50: {  	_ =	shalt  }
0x51: {  	_ =	shalt  }
0x52: {  	_ =	shalt  }
0x53: {  	_ =	shalt  }
0x54: {  	_ =	shalt  }
0x55: {  	_ =	shalt  }
0x56: {  	_ =	shalt  }
0x57: {  	_ =	shalt  }
0x58: {  	_ =	shalt  }
0x59: {  	_ =	shalt  }
0x5a: {  	_ =	shalt  }
0x5b: {  	_ =	shalt  }
0x5c: {  	_ =	shalt  }
0x5d: {  	_ =	shalt  }
0x5e: {  	_ =	shalt  }
0x5f: {  	_ =	shalt  }
0x60: {  	_ =	shalt  }
0x61: {  	_ =	shalt  }
0x62: {  	_ =	shalt  }
0x63: {  	_ =	shalt  }
0x64: {  	_ =	shalt  }
0x65: {  	_ =	shalt  }
0x66: {  	_ =	shalt  }
0x67: {  	_ =	shalt  }
0x68: {  	_ =	shalt  }
0x69: {  	_ =	shalt  }
0x6a: {  	_ =	shalt  }
0x6b: {  	_ =	shalt  }
0x6c: {  	_ =	shalt  }
0x6d: {  	_ =	shalt  }
0x6e: {  	_ =	shalt  }
0x6f: {  	_ =	shalt  }
0x70: {  	_ =	shalt  }
0x71: {  	_ =	shalt  }
0x72: {  	_ =	shalt  }
0x73: {  	_ =	shalt  }
0x74: {  	_ =	shalt  }
0x75: {  	_ =	shalt  }
0x76: {  	_ =	shalt  }
0x77: {  	_ =	shalt  }
0x78: {  	_ =	shalt  }
0x79: {  	_ =	shalt  }
0x7a: {  	_ =	shalt  }
0x7b: {  	_ =	shalt  }
0x7c: {  	_ =	shalt  }
0x7d: {  	_ =	shalt  }
0x7e: {  	_ =	shalt  }
0x7f: {  	_ =	shalt  }
0x80: {  	_ =	shalt  }
0x81: {  	_ =	shalt  }
0x82: {  	_ =	shalt  }
0x83: {  	_ =	shalt  }
0x84: {  	_ =	shalt  }
0x85: {  	_ =	shalt  }
0x86: {  	_ =	shalt  }
0x87: {  	_ =	shalt  }
.Lfunc_end0:
.L_simem_size_0:
called_computation.3_lowered:
.L_overlay_start_0:
0x88: {  	s2 =	sld [smem:$0x3FD9]  }
0x89: {  	s3 =	sld [smem:$0x3FFE];
	_ =	sdelay $0x1  }
0x8a: {  	s1 =	srdreg.scid  }
0x8b: {  	s0 =	sand.u32 $0x1, s1  }
0x8c: {  	s17 =	sshll.u32 s0, $0xA;
	s2 =	sadd.s32 s3, s2  }
0x8d: {  	s2 =	sadd.s32 s2, s17  }
0x8e: {  	[smem:$0x3FBE] =	sst s2  }
0x8f: {  	_ = 	snop  }
0x90: {  	s2 =	sld [smem:$0x3FD0];
	(tm) =	ssettm $0x1  }
0x91: {  	s18 =	sld [smem:$0x3FFB];
	_ =	sdelay $0x3  }
0x92: {  	_ =	strace s18  }
0x93: {  	s3 =	sld [smem:$0x3FFC];
	_ =	sdelay $0x3  }
0x94: {  	_ =	strace s3  }
0x95: {  	s3 =	sld [smem:$0x3FFD];
	_ =	sdelay $0x3  }
0x96: {  	_ =	strace s3  }
0x97: {  	_ =	strace $0x8FFFFFFF  }
0x98: {  	s19 =	sld [smem:$0x3FDB];
	_ =	sdelay $0x1  }
0x99: {  	s4 =	simm.s32 $_scs_section_size  }
0x9a: {  	s5 =	simm.s32 $_size__tile_overlayer_lowered;
	s6 =	simm.s32 $_tile_overlayer_lowered  }
0x9b: {  	s22 =	simm.s32 $0x1BFF;
	s21 =	sshll.u32 s6, $0x1;
	s3 =	sadd.s32 s4, s19  }
0x9c: {  	s7 =	simm.s32 $0x0;
	s20 =	sshll.u32 s5, $0x1;
	s5 =	sadd.s32 s21, s3  }
0x9d: {  	[timem:s7], [sflag:s22] =	dma.local [hbm:s5], s20  }
0x9e: {  	_ =	swait.ge [sflag:s22], s20  }
0x9f: {  	s4 =	ssub.s32 $0x0, s20;
	[sflag:s22] =	ssyncset.done $0x0  }
0xa0: {  	[sflag:s22] =	ssyncadd.s32 s4;
	_ =	sdelay $0x1  }
0xa1: {  	s23 =	simm.s32 $0x1B8B  }
0xa2: {  	_ =	swait.ge [sflag:s23], $0x1  }
0xa3: {  	[sflag:s23] =	ssyncset.done $0x0  }
0xa4: {  	s25 =	simm.s32 $0x1B8E;
	s24 =	sld [smem:$0x3FFE];
	[sflag:s23] =	ssyncadd.s32 $0xFFFFFFFF  }
0xa5: {  	s26 =	simm.s32 $execute0_lowered;
	[smem:$0x3FD2] =	sst s25  }
0xa6: {  	s5 =	sshll.u32 s26, $0x1;
	_ =	strace $0x8000004F;
	[dreg:$0x1] =	wrdreg $0xFFFFFFFF  }
0xa7: {  	s28 =	simm.s32 $_size_execute0_lowered;
	s3 =	sadd.s32 s3, s5;
	[dreg:$0x0] =	wrdreg $0x0  }
0xa8: {  	s5 =	sshll.u32 s28, $0x1;
	[dreg:$0x2] =	wrdreg s3  }
0xa9: {  	[dreg:$0x3] =	wrdreg s5  }
0xaa: {  	[dreg:$0x4] =	wrdreg $0xC0  }
0xab: {  	_ =	task [dreg:s7], $0x5FFFF  }
0xac: {  	[dreg:$0x1] =	wrdreg $0xFFFFFFFF  }
0xad: {  	[dreg:$0x0] =	wrdreg $0x60  }
0xae: {  	[dreg:$0x2] =	wrdreg s24  }
0xaf: {  	[dreg:$0x3] =	wrdreg s2  }
0xb0: {  	[dreg:$0x4] =	wrdreg $0xA8000  }
0xb1: {  	[dreg:$0x5] =	wrdreg $0x9  }
0xb2: {  	_ =	task.clear_ibuf [dreg:s7], $0x6FFFF;
	_ =	strace $0x9000004F  }
0xb3: {  	s29 =	simm.s32 $0x9;
	_ =	strace $0x80000051  }
0xb4: {  	_ =	swait.ge [sflag:s29], $0x1  }
0xb5: {  	[sflag:s29] =	ssyncadd.s32 $0xFFFFFFFF  }
0xb6: {  	_ =	strace $0x90000051  }
0xb7: {  	_ =	sfence  }
0xb8: {  	s30 =	sld [smem:$0x0];
	_ =	sdelay $0x2  }
0xb9: {  	s31 =	sshll.u32 s1, $0xD;
	s1 =	sshrl.u32 s1, $0x2  }
0xba: {  	s3 =	sand.u32 $0x4000, s31;
	s1 =	sadd.s32 s1, s30  }
0xbb: {  	s0 =	sor.u32 s3, s0;
	s1 =	sshll.u32 s1, $0x11  }
0xbc: {  	s0 =	sor.u32 s1, s0  }
0xbd: {  	s0 =	sadd.s32 $0x8F2B, s0  }
0xbe: {  	[sflag:s0] =	ssyncadd.remote.s32 $0x1  }
0xbf: {  	_ =	sfence.sel $0xFFFF  }
0xc0: {  	[dreg:$0x0] =	wrdreg $0xFFFFFFFF;
	(pc) =	sbr.abs _section_cstart, $3  }
0xc1: {  	[dreg:$0x1] =	wrdreg $0xFFFFFFFF  }
0xc2: {  	_ =	task.clear_ibuf [dreg:s7], $0x2FFFF;
	_ =	strace $0x9FFFFFFF  }
0xc3: {  	(tm) =	ssettm $0x7FFFFFFF  }
tec
execute0_lowered:
.L_overlay_start_1:
0x0: {  	(tag) =	ssettag $0x1  }
0x1: {  	s5 =	rddreg [dreg:$0x0]  }
0x2: {  	s11 =	rddreg [dreg:$0x1]  }
0x3: {  	s2 =	rddreg [dreg:$0x2]  }
0x4: {  	s0 =	rddreg [dreg:$0x3]  }
0x5: {  	s1 =	stileid.u32;
	s4 =	srdreg.scid;
	s3 =	simm.s32 $0x0  }
0x6: {  	s16 =	simm.s32 $0x3;
	s17 =	simm.s32 $0x80;
	s18 =	simm.s32 $0x2800  }
0x7: {  	s19 =	simm.s32 $0x6800;
	s20 =	simm.s32 $0x1;
	s21 =	simm.s32 $0x2  }
0x8: {  	s22 =	simm.s32 $0x0;
	s6 =	smul.u32 $0x13C00, s1;
	s7 =	sand.u32 $0x1, s4  }
0x9: {  	[smem:$0x7FF] =	sst s3;
	s4 =	sadd.s32 $0x35200, s5;
	s12 =	sadd.s32 $0x2B200, s5  }
0xa: {  	s13 =	sshll.u32 s1, $0x1;
	s14 =	smul.u32 $0x4F000, s1;
	s28 =	sshll.u32 s1, $0x6  }
0xb: {  	s8 =	smul.u32 $0x13C000, s7;
	_ =	strace $0x80000050;
	s24 =	ssub.s32 $0x2, s7  }
0xc: {  	s25 =	sor.u32 s7, s13;
	s9 =	sshrl.u32 s6, $0x3;
	s10 =	sshrl.u32 s24, $0x1  }
0xd: {  	s26 =	sshrl.u32 s14, $0x2;
	s29 =	smul.u32 $0x2800, s25;
	s6 =	sadd.s32 s6, s8  }
0xe: {  	s23 =	sadd.s32 s9, s5;
	s9 =	ssub.s32 s24, s10;
	s30 =	sadd.s32 s26, s2  }
0xf: {  	s6 =	sshrl.u32 s6, $0x3;
	s8 =	smax.u32 s9, $0x1;
	s31 =	sshrl.u32 s29, $0x3  }
0x10: {  	s13 =	sshrl.u32 s30, $0x3;
	s15 =	sadd.s32 s6, s5;
	s5 =	sadd.s32 $0x2A00, s23  }
0x11: {  	s6 =	sor.u32 $0x1C04, s28;
	s9 =	sadd.s32 s11, s31;
	s14 =	sadd.s32 $0x280, s31  }
0x12: {  	s10 =	sadd.s32 s12, s31;
	s7 =	sadd.s32 $0x2A6200, s15;
	s11 =	sadd.s32 s11, s14  }
0x13: {  	s12 =	sadd.s32 s12, s14;
	s14 =	simm.s32 $0x4;
	s15 =	simm.s32 $0x1400  }
.LBB2_1:
0x14: {  	[spmem:s13], [sflag:s6] =	dma.local [hbm:s5], $0x2780  }
0x15: {  	_ =	swait.ge [sflag:s14], $0x2780  }
0x16: {  	[sflag:s14] =	ssyncset.done $0x0  }
0x17: {  	[sflag:s14] =	ssyncadd.s32 $0xFFFFD880  }
0x18: {  	[bflag:$0x0] =	sbarrier.arrive $0xFFFF  }
0x19: {  	[tilespmem:s3], [sflag:$0x3] =	stream.linear.gather [hbm4b:s9+s3], $0x1400, $0x38;
	[tilespmem:$0x1E400] =	vst v63  }
0x1a: {  	_ = 	snop  }
0x1b: {  	[tilespmem:s15], [sflag:$0x3] =	stream.linear.gather [hbm4b:s10+s3], $0x1400, $0x38;
	[tilespmem:$0x1E400] =	vst v63  }
0x1c: {  	_ =	swait.ge [sflag:s16], $0x1400  }
0x1d: {  	[sflag:s16] =	ssyncset.done $0x0  }
0x1e: {  	[sflag:s16] =	ssyncadd.s32 $0xFFFFEC00  }
0x1f: {  	_ =	swait.ge [sflag:s16], $0x1400  }
0x20: {  	[sflag:s16] =	ssyncset.done $0x0  }
0x21: {  	s23 =	simm.s32 $0x0;
	[sflag:s16] =	ssyncadd.s32 $0xFFFFEC00  }
0x22: {  	[tilespmem:s18], [sflag:$0x1] =	stream.indirect.gather [hbm4b:s4+s17], $0x80, s23, s17, $0xb8;
	[tilespmem:$0x1E400] =	vst v63  }
0x23: {  	s29 =	simm.s32 $0x80  }
0x24: {  	[tilespmem:s19], [sflag:$0x2] =	stream.indirect.gather [hbm4b:s4+s17], $0x80, s29, s17, $0xb8;
	[tilespmem:$0x1E400] =	vst v63  }
0x25: {  	_ =	swait.ge [sflag:s20], $0x4000  }
0x26: {  	[sflag:s20] =	ssyncset.done $0x0  }
0x27: {  	s30 =	simm.s32 $0x1400;
	[sflag:s20] =	ssyncadd.s32 $0xFFFFC000  }
0x28: {  	[spmem:s2] =	stream.indirect.scatter.add.f32 [tilespmem:s18], [sflag:$0x4], $0x80, s30, s17, $0xb8;
	[tilespmem:$0x1E400] =	vst v63  }
0x29: {  	_ =	swait.ge [sflag:s14], $0x4000  }
0x2a: {  	[sflag:s14] =	ssyncset.done $0x0  }
0x2b: {  	[sflag:s14] =	ssyncadd.s32 $0xFFFFC000  }
0x2c: {  	_ =	swait.ge [sflag:s21], $0x4000  }
0x2d: {  	[sflag:s21] =	ssyncset.done $0x0  }
0x2e: {  	s31 =	simm.s32 $0x1480;
	[sflag:s21] =	ssyncadd.s32 $0xFFFFC000  }
0x2f: {  	[spmem:s2] =	stream.indirect.scatter.add.f32 [tilespmem:s19], [sflag:$0x4], $0x80, s31, s17, $0xb8;
	[tilespmem:$0x1E400] =	vst v63  }
0x30: {  	_ =	swait.ge [sflag:s14], $0x4000  }
0x31: {  	s24 =	simm.s32 $0x800;
	s23 =	simm.s32 $0x400;
	[sflag:s14] =	ssyncset.done $0x0  }
.LBB2_2:
0x32: {  	s25 =	sshra.s32 s23, $0x2  }
0x33: {  	[sflag:s14] =	ssyncadd.s32 $0xFFFFC000;
	s23 =	smov.u32 s24;
	s26 =	sadd.s32 $0x400, s24  }
0x34: {  	[tilespmem:s18], [sflag:$0x1] =	stream.indirect.gather [hbm4b:s4+s17], $0x80, s25, s17, $0xb8;
	[tilespmem:$0x1E400] =	vst v63  }
0x35: {  	p0 =	sne.s32 s24, $0x4C00;
	s24 =	sadd.s32 $0x80, s25  }
0x36: {  	[tilespmem:s19], [sflag:$0x2] =	stream.indirect.gather [hbm4b:s4+s17], $0x80, s24, s17, $0xb8;
	[tilespmem:$0x1E400] =	vst v63  }
0x37: {  	_ =	swait.ge [sflag:s20], $0x4000  }
0x38: {  	[sflag:s20] =	ssyncset.done $0x0  }
0x39: {  	s24 =	sadd.s32 $0x1400, s25;
	[sflag:s20] =	ssyncadd.s32 $0xFFFFC000  }
0x3a: {  	[spmem:s2] =	stream.indirect.scatter.add.f32 [tilespmem:s18], [sflag:$0x4], $0x80, s24, s17, $0xb8;
	[tilespmem:$0x1E400] =	vst v63  }
0x3b: {  	_ =	swait.ge [sflag:s14], $0x4000  }
0x3c: {  	[sflag:s14] =	ssyncset.done $0x0  }
0x3d: {  	[sflag:s14] =	ssyncadd.s32 $0xFFFFC000  }
0x3e: {  	_ =	swait.ge [sflag:s21], $0x4000  }
.Ltmp0:
0x3f: {  	[sflag:s21] =	ssyncset.done $0x0;
	(pc) =	sbr.rel @p0 .LBB2_2-.Ltmp0, $4  }
0x40: {  	s24 =	sadd.s32 $0x1480, s25;
	[sflag:s21] =	ssyncadd.s32 $0xFFFFC000  }
0x41: {  	[spmem:s2] =	stream.indirect.scatter.add.f32 [tilespmem:s19], [sflag:$0x4], $0x80, s24, s17, $0xb8;
	[tilespmem:$0x1E400] =	vst v63  }
0x42: {  	_ =	swait.ge [sflag:s14], $0x4000  }
0x43: {  	s24 =	smov.u32 s26;
	[sflag:s14] =	ssyncset.done $0x0  }
0x44: {  	s23 =	sshra.s32 s23, $0x2;
	[sflag:s14] =	ssyncadd.s32 $0xFFFFC000  }
0x45: {  	[tilespmem:s18], [sflag:$0x1] =	stream.indirect.gather [hbm4b:s4+s17], $0x80, s23, s17, $0xb8;
	[tilespmem:$0x1E400] =	vst v63  }
0x46: {  	s24 =	sadd.s32 $0x80, s23  }
0x47: {  	[tilespmem:s19], [sflag:$0x2] =	stream.indirect.gather [hbm4b:s4+s17], $0x80, s24, s17, $0xb8;
	[tilespmem:$0x1E400] =	vst v63  }
0x48: {  	_ =	swait.ge [sflag:s20], $0x4000  }
0x49: {  	[sflag:s20] =	ssyncset.done $0x0  }
0x4a: {  	s25 =	sadd.s32 $0x1400, s23;
	[sflag:s20] =	ssyncadd.s32 $0xFFFFC000  }
0x4b: {  	[spmem:s2] =	stream.indirect.scatter.add.f32 [tilespmem:s18], [sflag:$0x4], $0x80, s25, s17, $0xb8;
	[tilespmem:$0x1E400] =	vst v63  }
0x4c: {  	_ =	swait.ge [sflag:s14], $0x4000  }
0x4d: {  	[sflag:s14] =	ssyncset.done $0x0  }
0x4e: {  	[sflag:s14] =	ssyncadd.s32 $0xFFFFC000  }
0x4f: {  	_ =	swait.ge [sflag:s21], $0x4000  }
0x50: {  	[sflag:s21] =	ssyncset.done $0x0  }
0x51: {  	s23 =	sadd.s32 $0x1480, s23;
	[sflag:s21] =	ssyncadd.s32 $0xFFFFC000  }
0x52: {  	[spmem:s2] =	stream.indirect.scatter.add.f32 [tilespmem:s19], [sflag:$0x4], $0x80, s23, s17, $0xb8;
	[tilespmem:$0x1E400] =	vst v63  }
0x53: {  	_ =	swait.ge [sflag:s14], $0x4000  }
0x54: {  	[sflag:s14] =	ssyncset.done $0x0  }
0x55: {  	s26 =	simm.s32 $0x0;
	[sflag:s14] =	ssyncadd.s32 $0xFFFFC000  }
0x56: {  	[tilespmem:s26], [sflag:$0x3] =	stream.linear.gather [hbm4b:s11+s26], $0x1400, $0x38;
	[tilespmem:$0x1E400] =	vst v63  }
0x57: {  	_ = 	snop  }
0x58: {  	[tilespmem:s15], [sflag:$0x3] =	stream.linear.gather [hbm4b:s12+s26], $0x1400, $0x38;
	[tilespmem:$0x1E400] =	vst v63  }
0x59: {  	_ =	swait.ge [sflag:s16], $0x1400  }
0x5a: {  	[sflag:s16] =	ssyncset.done $0x0  }
0x5b: {  	[sflag:s16] =	ssyncadd.s32 $0xFFFFEC00  }
0x5c: {  	_ =	swait.ge [sflag:s16], $0x1400  }
0x5d: {  	[sflag:s16] =	ssyncset.done $0x0  }
0x5e: {  	s28 =	simm.s32 $0x0;
	[sflag:s16] =	ssyncadd.s32 $0xFFFFEC00  }
0x5f: {  	[tilespmem:s18], [sflag:$0x1] =	stream.indirect.gather [hbm4b:s4+s17], $0x80, s28, s17, $0xb8;
	[tilespmem:$0x1E400] =	vst v63  }
0x60: {  	s29 =	simm.s32 $0x80  }
0x61: {  	[tilespmem:s19], [sflag:$0x2] =	stream.indirect.gather [hbm4b:s4+s17], $0x80, s29, s17, $0xb8;
	[tilespmem:$0x1E400] =	vst v63  }
0x62: {  	_ =	swait.ge [sflag:s20], $0x4000  }
0x63: {  	[sflag:s20] =	ssyncset.done $0x0  }
0x64: {  	s30 =	simm.s32 $0x1400;
	[sflag:s20] =	ssyncadd.s32 $0xFFFFC000  }
0x65: {  	[spmem:s2] =	stream.indirect.scatter.add.f32 [tilespmem:s18], [sflag:$0x4], $0x80, s30, s17, $0xb8;
	[tilespmem:$0x1E400] =	vst v63  }
0x66: {  	_ =	swait.ge [sflag:s14], $0x4000  }
0x67: {  	[sflag:s14] =	ssyncset.done $0x0  }
0x68: {  	[sflag:s14] =	ssyncadd.s32 $0xFFFFC000  }
0x69: {  	_ =	swait.ge [sflag:s21], $0x4000  }
0x6a: {  	[sflag:s21] =	ssyncset.done $0x0  }
0x6b: {  	s31 =	simm.s32 $0x1480;
	[sflag:s21] =	ssyncadd.s32 $0xFFFFC000  }
0x6c: {  	[spmem:s2] =	stream.indirect.scatter.add.f32 [tilespmem:s19], [sflag:$0x4], $0x80, s31, s17, $0xb8;
	[tilespmem:$0x1E400] =	vst v63  }
0x6d: {  	_ =	swait.ge [sflag:s14], $0x4000  }
0x6e: {  	s24 =	simm.s32 $0x800;
	s23 =	simm.s32 $0x400;
	[sflag:s14] =	ssyncset.done $0x0  }
.LBB2_4:
0x6f: {  	s25 =	sshra.s32 s23, $0x2  }
0x70: {  	[sflag:s14] =	ssyncadd.s32 $0xFFFFC000;
	s23 =	smov.u32 s24;
	s26 =	sadd.s32 $0x400, s24  }
0x71: {  	[tilespmem:s18], [sflag:$0x1] =	stream.indirect.gather [hbm4b:s4+s17], $0x80, s25, s17, $0xb8;
	[tilespmem:$0x1E400] =	vst v63  }
0x72: {  	p0 =	sne.s32 s24, $0x4C00;
	s24 =	sadd.s32 $0x80, s25  }
0x73: {  	[tilespmem:s19], [sflag:$0x2] =	stream.indirect.gather [hbm4b:s4+s17], $0x80, s24, s17, $0xb8;
	[tilespmem:$0x1E400] =	vst v63  }
0x74: {  	_ =	swait.ge [sflag:s20], $0x4000  }
0x75: {  	[sflag:s20] =	ssyncset.done $0x0  }
0x76: {  	s24 =	sadd.s32 $0x1400, s25;
	[sflag:s20] =	ssyncadd.s32 $0xFFFFC000  }
0x77: {  	[spmem:s2] =	stream.indirect.scatter.add.f32 [tilespmem:s18], [sflag:$0x4], $0x80, s24, s17, $0xb8;
	[tilespmem:$0x1E400] =	vst v63  }
0x78: {  	_ =	swait.ge [sflag:s14], $0x4000  }
0x79: {  	[sflag:s14] =	ssyncset.done $0x0  }
0x7a: {  	[sflag:s14] =	ssyncadd.s32 $0xFFFFC000  }
0x7b: {  	_ =	swait.ge [sflag:s21], $0x4000  }
.Ltmp1:
0x7c: {  	[sflag:s21] =	ssyncset.done $0x0;
	(pc) =	sbr.rel @p0 .LBB2_4-.Ltmp1, $4  }
0x7d: {  	s24 =	sadd.s32 $0x1480, s25;
	[sflag:s21] =	ssyncadd.s32 $0xFFFFC000  }
0x7e: {  	[spmem:s2] =	stream.indirect.scatter.add.f32 [tilespmem:s19], [sflag:$0x4], $0x80, s24, s17, $0xb8;
	[tilespmem:$0x1E400] =	vst v63  }
0x7f: {  	_ =	swait.ge [sflag:s14], $0x4000  }
0x80: {  	s24 =	smov.u32 s26;
	[sflag:s14] =	ssyncset.done $0x0  }
0x81: {  	s23 =	sshra.s32 s23, $0x2;
	[sflag:s14] =	ssyncadd.s32 $0xFFFFC000  }
0x82: {  	[tilespmem:s18], [sflag:$0x1] =	stream.indirect.gather [hbm4b:s4+s17], $0x80, s23, s17, $0xb8;
	[tilespmem:$0x1E400] =	vst v63  }
0x83: {  	s24 =	sadd.s32 $0x80, s23  }
0x84: {  	[tilespmem:s19], [sflag:$0x2] =	stream.indirect.gather [hbm4b:s4+s17], $0x80, s24, s17, $0xb8;
	[tilespmem:$0x1E400] =	vst v63  }
0x85: {  	_ =	swait.ge [sflag:s20], $0x4000  }
0x86: {  	[sflag:s20] =	ssyncset.done $0x0  }
0x87: {  	s31 =	sadd.s32 $0x1400, s23;
	[sflag:s20] =	ssyncadd.s32 $0xFFFFC000  }
0x88: {  	[spmem:s2] =	stream.indirect.scatter.add.f32 [tilespmem:s18], [sflag:$0x4], $0x80, s31, s17, $0xb8;
	[tilespmem:$0x1E400] =	vst v63  }
0x89: {  	_ =	swait.ge [sflag:s14], $0x4000  }
0x8a: {  	[sflag:s14] =	ssyncset.done $0x0  }
0x8b: {  	[sflag:s14] =	ssyncadd.s32 $0xFFFFC000  }
0x8c: {  	_ =	swait.ge [sflag:s21], $0x4000  }
0x8d: {  	[sflag:s21] =	ssyncset.done $0x0  }
0x8e: {  	s23 =	sadd.s32 $0x1480, s23;
	[sflag:s21] =	ssyncadd.s32 $0xFFFFC000  }
0x8f: {  	[spmem:s2] =	stream.indirect.scatter.add.f32 [tilespmem:s19], [sflag:$0x4], $0x80, s23, s17, $0xb8;
	[tilespmem:$0x1E400] =	vst v63  }
0x90: {  	_ =	swait.ge [sflag:s14], $0x4000  }
0x91: {  	s22 =	sadd.s32 $0x1, s22;
	[sflag:s14] =	ssyncset.done $0x0  }
0x92: {  	p0 =	sne.s32 s22, s8;
	[sflag:s14] =	ssyncadd.s32 $0xFFFFC000  }
.Ltmp2:
0x93: {  	[bflag:$0x0] =	sbarrier.arrive $0xFFFF;
	(pc) =	sbr.rel @p0 .LBB2_1-.Ltmp2, $4  }
0x94: {  	[hbm:s7], [sflag:s6] =	dma.local [spmem:s13], $0x2780  }
0x95: {  	_ =	swait.ge [sflag:s14], $0x2780  }
0x96: {  	[sflag:s14] =	ssyncset.done $0x0  }
0x97: {  	[sflag:s14] =	ssyncadd.s32 $0xFFFFD880  }
0x98: {  	_ =	sfence.sel $0x180000  }
0x99: {  	[bflag:$0x0] =	sbarrier.arrive $0xFFFF  }
0x9a: {  	p0 =	sne.s32 s1, $0x0;
	_ =	strace $0x90000050  }
0x9b: {  	s0 =	sadd.s32 @!p0 $0x100000, s0;
	[bflag:$0x2] =	sbarrier.arrive $0xFFFF  }
0x9c: {  	[sflag:s0] =	ssyncadd.tile.s32 @!p0 $0x1;
	_ =	shalt  }
.Lfunc_end2:
_tile_overlayer_lowered:
.L_overlay_start_2:
0x9d: {  	(tag) =	ssettag $0x2  }
0x9e: {  	s0 =	rddreg [dreg:$0x0];
	s2 =	stileid.u32  }
0x9f: {  	s1 =	rddreg [dreg:$0x1];
	p0 =	sne.s32 s2, $0x0  }
0xa0: {  	s3 =	rddreg [dreg:$0x2];
	[bflag:$0x3] =	sbarrier.arrive $0xFFFF;
	s2 =	simm.s32 @!p0 $0x1C04  }
0xa1: {  	[timem:s3], [sflag:s2] =	dma.local @!p0 [hbm:s0], s1  }
0xa2: {  	s0 =	simm.s32 @!p0 $0x4  }
0xa3: {  	_ =	swait.ge @!p0 [sflag:s0], s1  }
0xa4: {  	s1 =	ssub.s32 @!p0 $0x0, s1;
	[sflag:s0] =	ssyncset.done @!p0 $0x0  }
0xa5: {  	[sflag:s0] =	ssyncadd.s32 @!p0 s1  }
0xa6: {  	[bflag:$0x3] =	sbarrier.arrive $0xFFFF  }
0xa7: {  	_ =	shalt  }

// kernel: kernel.30.cloned.1.call-start
scs
__scs_entry_jumppad:
0x0: {  	(pc) =	sbr.rel $0x88, $3  }
0x1: {  	(tag) =	ssettag $0x0;
	lr =	simm.s32 $0x1  }
0x2: {  	[smem:$0x3F97] =	sst lr;
	_ =	strace $0xD0000000  }
0x3: {  	_ = 	snop  }
0x4: {  	_ = 	snop  }
0x5: {  	_ = 	snop  }
0x6: {  	_ = 	snop  }
0x7: {  	_ = 	snop  }
__scs_overlays_trampoline_lowered:
0x8: {  	[smem:$0x3FA6] =	sst s0  }
0x9: {  	[smem:$0x3FA7] =	sst s1  }
0xa: {  	[smem:$0x3FA8] =	sst s2  }
0xb: {  	[smem:$0x3FA9] =	sst s3  }
0xc: {  	[smem:$0x3FAA] =	sst s4  }
0xd: {  	[smem:$0x3FAB] =	sst s5  }
0xe: {  	[smem:$0x3FAC] =	sst s6  }
0xf: {  	[smem:$0x3FAD] =	sst s7  }
0x10: {  	[smem:$0x3FAE] =	sst s8  }
0x11: {  	[smem:$0x3FAF] =	sst s9;
	s0 =	simm.s32 @!p0 $0x0  }
0x12: {  	s1 =	sld [smem:$0x3F95];
	s0 =	simm.s32 @p0 $0x1  }
0x13: {  	[smem:$0x3FB0] =	sst s0;
	s0 =	simm.s32 @!p1 $0x0  }
0x14: {  	s2 =	sld [smem:$0x3F94];
	s0 =	simm.s32 @p1 $0x1  }
0x15: {  	[smem:$0x3FB1] =	sst s0;
	s0 =	simm.s32 @!p2 $0x0  }
0x16: {  	s3 =	sld [smem:$0x3FDB];
	s0 =	simm.s32 @p2 $0x1  }
0x17: {  	s4 =	simm.s32 $0x1BF5;
	[smem:$0x3FB3] =	sst s0  }
0x18: {  	s0 =	sld [smem:$0x3F96];
	_ =	swait.ge [sflag:s4], $0x0  }
0x19: {  	s7 =	sld [smem:$0x3F97]  }
0x1a: {  	s8 =	sadd.s32 $0xFFFFE003, lr  }
0x1b: {  	s9 =	sadd.s32 $0xFFFFFEF7, lr;
	s5 =	simm.s32 $0xFFFFFFFF;
	p2 =	slt.u32 s8, $0xFFFFF086  }
0x1c: {  	p1 =	slt.u32 s9, $0xF7A;
	s5 =	simm.s32 @!p2 $0x0  }
0x1d: {  	s5 =	simm.s32 @p1 $0x1;
	p0 =	seq.s32 s7, s2  }
0x1e: {  	s7 =	smul.u32 @!p0 $0xF7A, s2;
	p2 =	seq.s32 @!p0 s5, $0x0  }
0x1f: {  	s9 =	smul.u32 $0xF7A, s1;
	s8 =	simm.s32 @!p0 $0x1BF5;
	p2 =	por !p2, p0  }
0x20: {  	[sflag:s8] =	ssyncset.s32 @!p0 $0xFFFFF086;
	s6 =	sadd.s32 @!p0 s3, s7;
	s7 =	simm.s32 @!p0 $0x108  }
0x21: {  	s3 =	sadd.s32 s3, s9;
	s6 =	sadd.s32 @!p0 $0x88, s6;
	s7 =	simm.s32 @p2 $0x1082  }
0x22: {  	[simem:s7], [sflag:s8] =	dma.local @!p0 [hbm:s6], $0xF7A  }
0x23: {  	s9 =	sor.u32 $0xD0000000, s2;
	s6 =	simm.s32 $0x108;
	_ =	swait.ge @!p0 [sflag:s8], $0x0  }
0x24: {  	s3 =	sadd.s32 $0x88, s3;
	s6 =	simm.s32 @!p1 $0x1082;
	[sflag:s4] =	ssyncset.s32 $0xFFFFF086  }
0x25: {  	[simem:s6], [sflag:s4] =	dma.local [hbm:s3], $0xF7A  }
0x26: {  	[smem:$0x3F97] =	sst s1;
	(tag) =	ssettag s2;
	_ =	strace s9  }
0x27: {  	s1 =	sld [smem:$0x3FA7]  }
0x28: {  	s2 =	sld [smem:$0x3FA8]  }
0x29: {  	s4 =	sld [smem:$0x3FAA]  }
0x2a: {  	p0 =	seq.s32 s5, $0x0;
	s5 =	sld [smem:$0x3FAB]  }
0x2b: {  	s6 =	sld [smem:$0x3FAC]  }
0x2c: {  	s7 =	sld [smem:$0x3FAD]  }
0x2d: {  	s3 =	simm.s32 $0x108;
	s8 =	sld [smem:$0x3FAE]  }
0x2e: {  	s3 =	simm.s32 @!p0 $0x1082;
	s9 =	sld [smem:$0x3FAF]  }
0x2f: {  	lr =	sadd.s32 s0, s3;
	s0 =	sld [smem:$0x3FA6]  }
0x30: {  	s3 =	sld [smem:$0x3FA9]  }
0x31: {  	[smem:$0x3FB2] =	sst s10  }
0x32: {  	s10 =	sld [smem:$0x3FB0];
	_ =	sdelay $0x3  }
0x33: {  	p0 =	seq.s32 s10, $0x1;
	s10 =	sld [smem:$0x3FB2];
	_ =	sdelay $0x3  }
0x34: {  	[smem:$0x3FB2] =	sst s10  }
0x35: {  	s10 =	sld [smem:$0x3FB1];
	_ =	sdelay $0x3  }
0x36: {  	p1 =	seq.s32 s10, $0x1;
	s10 =	sld [smem:$0x3FB2];
	_ =	sdelay $0x3  }
0x37: {  	[smem:$0x3FB2] =	sst s10  }
0x38: {  	s10 =	sld [smem:$0x3FB3]  }
0x39: {  	_ = 	snop;
	(pc) =	sbr.ind lr, $3  }
0x3a: {  	_ = 	snop  }
0x3b: {  	_ = 	snop  }
0x3c: {  	p2 =	seq.s32 s10, $0x1;
	s10 =	sld [smem:$0x3FB2]  }
0x3d: {  	_ =	shalt  }
0x3e: {  	_ =	shalt  }
0x3f: {  	_ =	shalt  }
0x40: {  	_ =	shalt  }
0x41: {  	_ =	shalt  }
0x42: {  	_ =	shalt  }
0x43: {  	_ =	shalt  }
0x44: {  	_ =	shalt  }
0x45: {  	_ =	shalt  }
0x46: {  	_ =	shalt  }
0x47: {  	_ =	shalt  }
0x48: {  	_ =	shalt  }
0x49: {  	_ =	shalt  }
0x4a: {  	_ =	shalt  }
0x4b: {  	_ =	shalt  }
0x4c: {  	_ =	shalt  }
0x4d: {  	_ =	shalt  }
0x4e: {  	_ =	shalt  }
0x4f: {  	_ =	shalt  }
0x50: {  	_ =	shalt  }
0x51: {  	_ =	shalt  }
0x52: {  	_ =	shalt  }
0x53: {  	_ =	shalt  }
0x54: {  	_ =	shalt  }
0x55: {  	_ =	shalt  }
0x56: {  	_ =	shalt  }
0x57: {  	_ =	shalt  }
0x58: {  	_ =	shalt  }
0x59: {  	_ =	shalt  }
0x5a: {  	_ =	shalt  }
0x5b: {  	_ =	shalt  }
0x5c: {  	_ =	shalt  }
0x5d: {  	_ =	shalt  }
0x5e: {  	_ =	shalt  }
0x5f: {  	_ =	shalt  }
0x60: {  	_ =	shalt  }
0x61: {  	_ =	shalt  }
0x62: {  	_ =	shalt  }
0x63: {  	_ =	shalt  }
0x64: {  	_ =	shalt  }
0x65: {  	_ =	shalt  }
0x66: {  	_ =	shalt  }
0x67: {  	_ =	shalt  }
0x68: {  	_ =	shalt  }
0x69: {  	_ =	shalt  }
0x6a: {  	_ =	shalt  }
0x6b: {  	_ =	shalt  }
0x6c: {  	_ =	shalt  }
0x6d: {  	_ =	shalt  }
0x6e: {  	_ =	shalt  }
0x6f: {  	_ =	shalt  }
0x70: {  	_ =	shalt  }
0x71: {  	_ =	shalt  }
0x72: {  	_ =	shalt  }
0x73: {  	_ =	shalt  }
0x74: {  	_ =	shalt  }
0x75: {  	_ =	shalt  }
0x76: {  	_ =	shalt  }
0x77: {  	_ =	shalt  }
0x78: {  	_ =	shalt  }
0x79: {  	_ =	shalt  }
0x7a: {  	_ =	shalt  }
0x7b: {  	_ =	shalt  }
0x7c: {  	_ =	shalt  }
0x7d: {  	_ =	shalt  }
0x7e: {  	_ =	shalt  }
0x7f: {  	_ =	shalt  }
0x80: {  	_ =	shalt  }
0x81: {  	_ =	shalt  }
0x82: {  	_ =	shalt  }
0x83: {  	_ =	shalt  }
0x84: {  	_ =	shalt  }
0x85: {  	_ =	shalt  }
0x86: {  	_ =	shalt  }
0x87: {  	_ =	shalt  }
.Lfunc_end0:
.L_simem_size_0:
called_computation.4_lowered:
.L_overlay_start_0:
0x88: {  	s2 =	sld [smem:$0x3FD9]  }
0x89: {  	s3 =	sld [smem:$0x3FFE];
	_ =	sdelay $0x1  }
0x8a: {  	s1 =	srdreg.scid  }
0x8b: {  	s0 =	sand.u32 $0x1, s1  }
0x8c: {  	s17 =	sshll.u32 s0, $0xA;
	s2 =	sadd.s32 s3, s2  }
0x8d: {  	s2 =	sadd.s32 s2, s17  }
0x8e: {  	[smem:$0x3FBE] =	sst s2  }
0x8f: {  	_ = 	snop  }
0x90: {  	s2 =	sld [smem:$0x3FD0];
	(tm) =	ssettm $0x1  }
0x91: {  	s18 =	sld [smem:$0x3FFB];
	_ =	sdelay $0x3  }
0x92: {  	_ =	strace s18  }
0x93: {  	s3 =	sld [smem:$0x3FFC];
	_ =	sdelay $0x3  }
0x94: {  	_ =	strace s3  }
0x95: {  	s3 =	sld [smem:$0x3FFD];
	_ =	sdelay $0x3  }
0x96: {  	_ =	strace s3  }
0x97: {  	_ =	strace $0x8FFFFFFF  }
0x98: {  	s19 =	sld [smem:$0x3FDB];
	_ =	sdelay $0x1  }
0x99: {  	s4 =	simm.s32 $_scs_section_size  }
0x9a: {  	s5 =	simm.s32 $_size__tile_overlayer_lowered;
	s6 =	simm.s32 $_tile_overlayer_lowered  }
0x9b: {  	s22 =	simm.s32 $0x1BFF;
	s21 =	sshll.u32 s6, $0x1;
	s3 =	sadd.s32 s4, s19  }
0x9c: {  	s7 =	simm.s32 $0x0;
	s20 =	sshll.u32 s5, $0x1;
	s5 =	sadd.s32 s21, s3  }
0x9d: {  	[timem:s7], [sflag:s22] =	dma.local [hbm:s5], s20  }
0x9e: {  	_ =	swait.ge [sflag:s22], s20  }
0x9f: {  	s4 =	ssub.s32 $0x0, s20;
	[sflag:s22] =	ssyncset.done $0x0  }
0xa0: {  	[sflag:s22] =	ssyncadd.s32 s4;
	_ =	sdelay $0x1  }
0xa1: {  	s23 =	simm.s32 $0x1B8B  }
0xa2: {  	_ =	swait.ge [sflag:s23], $0x1  }
0xa3: {  	[sflag:s23] =	ssyncset.done $0x0  }
0xa4: {  	s25 =	simm.s32 $0x1B8E;
	s24 =	sld [smem:$0x3FFE];
	[sflag:s23] =	ssyncadd.s32 $0xFFFFFFFF  }
0xa5: {  	s26 =	simm.s32 $execute0_lowered;
	[smem:$0x3FD2] =	sst s25  }
0xa6: {  	s5 =	sshll.u32 s26, $0x1;
	_ =	strace $0x80000052;
	[dreg:$0x1] =	wrdreg $0xFFFFFFFF  }
0xa7: {  	s28 =	simm.s32 $_size_execute0_lowered;
	s3 =	sadd.s32 s3, s5;
	[dreg:$0x0] =	wrdreg $0x0  }
0xa8: {  	s5 =	sshll.u32 s28, $0x1;
	[dreg:$0x2] =	wrdreg s3  }
0xa9: {  	[dreg:$0x3] =	wrdreg s5  }
0xaa: {  	[dreg:$0x4] =	wrdreg $0xC0  }
0xab: {  	_ =	task [dreg:s7], $0x5FFFF  }
0xac: {  	[dreg:$0x1] =	wrdreg $0xFFFFFFFF  }
0xad: {  	[dreg:$0x0] =	wrdreg $0x60  }
0xae: {  	[dreg:$0x2] =	wrdreg s24  }
0xaf: {  	[dreg:$0x3] =	wrdreg s2  }
0xb0: {  	[dreg:$0x4] =	wrdreg $0xA8000  }
0xb1: {  	[dreg:$0x5] =	wrdreg $0x9  }
0xb2: {  	_ =	task.clear_ibuf [dreg:s7], $0x6FFFF;
	_ =	strace $0x90000052  }
0xb3: {  	s29 =	simm.s32 $0x9;
	_ =	strace $0x80000054  }
0xb4: {  	_ =	swait.ge [sflag:s29], $0x1  }
0xb5: {  	[sflag:s29] =	ssyncadd.s32 $0xFFFFFFFF  }
0xb6: {  	_ =	strace $0x90000054  }
0xb7: {  	_ =	sfence  }
0xb8: {  	s30 =	sld [smem:$0x0];
	_ =	sdelay $0x2  }
0xb9: {  	s31 =	sshll.u32 s1, $0xD;
	s1 =	sshrl.u32 s1, $0x2  }
0xba: {  	s3 =	sand.u32 $0x4000, s31;
	s1 =	sadd.s32 s1, s30  }
0xbb: {  	s0 =	sor.u32 s3, s0;
	s1 =	sshll.u32 s1, $0x11  }
0xbc: {  	s0 =	sor.u32 s1, s0  }
0xbd: {  	s0 =	sadd.s32 $0x8F2B, s0  }
0xbe: {  	[sflag:s0] =	ssyncadd.remote.s32 $0x1  }
0xbf: {  	_ =	sfence.sel $0xFFFF  }
0xc0: {  	[dreg:$0x0] =	wrdreg $0xFFFFFFFF;
	(pc) =	sbr.abs _section_cstart, $3  }
0xc1: {  	[dreg:$0x1] =	wrdreg $0xFFFFFFFF  }
0xc2: {  	_ =	task.clear_ibuf [dreg:s7], $0x2FFFF;
	_ =	strace $0x9FFFFFFF  }
0xc3: {  	(tm) =	ssettm $0x7FFFFFFF  }
tec
execute0_lowered:
.L_overlay_start_1:
0x0: {  	(tag) =	ssettag $0x1  }
0x1: {  	s5 =	rddreg [dreg:$0x0]  }
0x2: {  	s11 =	rddreg [dreg:$0x1]  }
0x3: {  	s2 =	rddreg [dreg:$0x2]  }
0x4: {  	s0 =	rddreg [dreg:$0x3]  }
0x5: {  	s1 =	stileid.u32;
	s4 =	srdreg.scid;
	s3 =	simm.s32 $0x0  }
0x6: {  	s16 =	simm.s32 $0x3;
	s17 =	simm.s32 $0x80;
	s18 =	simm.s32 $0x2800  }
0x7: {  	s19 =	simm.s32 $0x6800;
	s20 =	simm.s32 $0x1;
	s21 =	simm.s32 $0x2  }
0x8: {  	s22 =	simm.s32 $0x0;
	s6 =	smul.u32 $0x13C00, s1;
	s7 =	sand.u32 $0x1, s4  }
0x9: {  	[smem:$0x7FF] =	sst s3;
	s4 =	sadd.s32 $0x35200, s5;
	s12 =	sadd.s32 $0x2B200, s5  }
0xa: {  	s13 =	sshll.u32 s1, $0x1;
	s14 =	smul.u32 $0x4F000, s1;
	s28 =	sshll.u32 s1, $0x6  }
0xb: {  	s8 =	smul.u32 $0x13C000, s7;
	_ =	strace $0x80000053;
	s24 =	ssub.s32 $0x2, s7  }
0xc: {  	s25 =	sor.u32 s7, s13;
	s9 =	sshrl.u32 s6, $0x3;
	s10 =	sshrl.u32 s24, $0x1  }
0xd: {  	s26 =	sshrl.u32 s14, $0x2;
	s29 =	smul.u32 $0x2800, s25;
	s6 =	sadd.s32 s6, s8  }
0xe: {  	s23 =	sadd.s32 s9, s5;
	s9 =	ssub.s32 s24, s10;
	s30 =	sadd.s32 s26, s2  }
0xf: {  	s6 =	sshrl.u32 s6, $0x3;
	s8 =	smax.u32 s9, $0x1;
	s31 =	sshrl.u32 s29, $0x3  }
0x10: {  	s13 =	sshrl.u32 s30, $0x3;
	s15 =	sadd.s32 s6, s5;
	s5 =	sadd.s32 $0x2A00, s23  }
0x11: {  	s6 =	sor.u32 $0x1C04, s28;
	s9 =	sadd.s32 s11, s31;
	s14 =	sadd.s32 $0x280, s31  }
0x12: {  	s10 =	sadd.s32 s12, s31;
	s7 =	sadd.s32 $0x2A6200, s15;
	s11 =	sadd.s32 s11, s14  }
0x13: {  	s12 =	sadd.s32 s12, s14;
	s14 =	simm.s32 $0x4;
	s15 =	simm.s32 $0x1400  }
.LBB2_1:
0x14: {  	[spmem:s13], [sflag:s6] =	dma.local [hbm:s5], $0x2780  }
0x15: {  	_ =	swait.ge [sflag:s14], $0x2780  }
0x16: {  	[sflag:s14] =	ssyncset.done $0x0  }
0x17: {  	[sflag:s14] =	ssyncadd.s32 $0xFFFFD880  }
0x18: {  	[bflag:$0x0] =	sbarrier.arrive $0xFFFF  }
0x19: {  	[tilespmem:s3], [sflag:$0x3] =	stream.linear.gather [hbm4b:s9+s3], $0x1400, $0x38;
	[tilespmem:$0x1E400] =	vst v63  }
0x1a: {  	_ = 	snop  }
0x1b: {  	[tilespmem:s15], [sflag:$0x3] =	stream.linear.gather [hbm4b:s10+s3], $0x1400, $0x38;
	[tilespmem:$0x1E400] =	vst v63  }
0x1c: {  	_ =	swait.ge [sflag:s16], $0x1400  }
0x1d: {  	[sflag:s16] =	ssyncset.done $0x0  }
0x1e: {  	[sflag:s16] =	ssyncadd.s32 $0xFFFFEC00  }
0x1f: {  	_ =	swait.ge [sflag:s16], $0x1400  }
0x20: {  	[sflag:s16] =	ssyncset.done $0x0  }
0x21: {  	s23 =	simm.s32 $0x0;
	[sflag:s16] =	ssyncadd.s32 $0xFFFFEC00  }
0x22: {  	[tilespmem:s18], [sflag:$0x1] =	stream.indirect.gather [hbm4b:s4+s17], $0x80, s23, s17, $0xb8;
	[tilespmem:$0x1E400] =	vst v63  }
0x23: {  	s29 =	simm.s32 $0x80  }
0x24: {  	[tilespmem:s19], [sflag:$0x2] =	stream.indirect.gather [hbm4b:s4+s17], $0x80, s29, s17, $0xb8;
	[tilespmem:$0x1E400] =	vst v63  }
0x25: {  	_ =	swait.ge [sflag:s20], $0x4000  }
0x26: {  	[sflag:s20] =	ssyncset.done $0x0  }
0x27: {  	s30 =	simm.s32 $0x1400;
	[sflag:s20] =	ssyncadd.s32 $0xFFFFC000  }
0x28: {  	[spmem:s2] =	stream.indirect.scatter.add.f32 [tilespmem:s18], [sflag:$0x4], $0x80, s30, s17, $0xb8;
	[tilespmem:$0x1E400] =	vst v63  }
0x29: {  	_ =	swait.ge [sflag:s14], $0x4000  }
0x2a: {  	[sflag:s14] =	ssyncset.done $0x0  }
0x2b: {  	[sflag:s14] =	ssyncadd.s32 $0xFFFFC000  }
0x2c: {  	_ =	swait.ge [sflag:s21], $0x4000  }
0x2d: {  	[sflag:s21] =	ssyncset.done $0x0  }
0x2e: {  	s31 =	simm.s32 $0x1480;
	[sflag:s21] =	ssyncadd.s32 $0xFFFFC000  }
0x2f: {  	[spmem:s2] =	stream.indirect.scatter.add.f32 [tilespmem:s19], [sflag:$0x4], $0x80, s31, s17, $0xb8;
	[tilespmem:$0x1E400] =	vst v63  }
0x30: {  	_ =	swait.ge [sflag:s14], $0x4000  }
0x31: {  	s24 =	simm.s32 $0x800;
	s23 =	simm.s32 $0x400;
	[sflag:s14] =	ssyncset.done $0x0  }
.LBB2_2:
0x32: {  	s25 =	sshra.s32 s23, $0x2  }
0x33: {  	[sflag:s14] =	ssyncadd.s32 $0xFFFFC000;
	s23 =	smov.u32 s24;
	s26 =	sadd.s32 $0x400, s24  }
0x34: {  	[tilespmem:s18], [sflag:$0x1] =	stream.indirect.gather [hbm4b:s4+s17], $0x80, s25, s17, $0xb8;
	[tilespmem:$0x1E400] =	vst v63  }
0x35: {  	p0 =	sne.s32 s24, $0x4C00;
	s24 =	sadd.s32 $0x80, s25  }
0x36: {  	[tilespmem:s19], [sflag:$0x2] =	stream.indirect.gather [hbm4b:s4+s17], $0x80, s24, s17, $0xb8;
	[tilespmem:$0x1E400] =	vst v63  }
0x37: {  	_ =	swait.ge [sflag:s20], $0x4000  }
0x38: {  	[sflag:s20] =	ssyncset.done $0x0  }
0x39: {  	s24 =	sadd.s32 $0x1400, s25;
	[sflag:s20] =	ssyncadd.s32 $0xFFFFC000  }
0x3a: {  	[spmem:s2] =	stream.indirect.scatter.add.f32 [tilespmem:s18], [sflag:$0x4], $0x80, s24, s17, $0xb8;
	[tilespmem:$0x1E400] =	vst v63  }
0x3b: {  	_ =	swait.ge [sflag:s14], $0x4000  }
0x3c: {  	[sflag:s14] =	ssyncset.done $0x0  }
0x3d: {  	[sflag:s14] =	ssyncadd.s32 $0xFFFFC000  }
0x3e: {  	_ =	swait.ge [sflag:s21], $0x4000  }
.Ltmp0:
0x3f: {  	[sflag:s21] =	ssyncset.done $0x0;
	(pc) =	sbr.rel @p0 .LBB2_2-.Ltmp0, $4  }
0x40: {  	s24 =	sadd.s32 $0x1480, s25;
	[sflag:s21] =	ssyncadd.s32 $0xFFFFC000  }
0x41: {  	[spmem:s2] =	stream.indirect.scatter.add.f32 [tilespmem:s19], [sflag:$0x4], $0x80, s24, s17, $0xb8;
	[tilespmem:$0x1E400] =	vst v63  }
0x42: {  	_ =	swait.ge [sflag:s14], $0x4000  }
0x43: {  	s24 =	smov.u32 s26;
	[sflag:s14] =	ssyncset.done $0x0  }
0x44: {  	s23 =	sshra.s32 s23, $0x2;
	[sflag:s14] =	ssyncadd.s32 $0xFFFFC000  }
0x45: {  	[tilespmem:s18], [sflag:$0x1] =	stream.indirect.gather [hbm4b:s4+s17], $0x80, s23, s17, $0xb8;
	[tilespmem:$0x1E400] =	vst v63  }
0x46: {  	s24 =	sadd.s32 $0x80, s23  }
0x47: {  	[tilespmem:s19], [sflag:$0x2] =	stream.indirect.gather [hbm4b:s4+s17], $0x80, s24, s17, $0xb8;
	[tilespmem:$0x1E400] =	vst v63  }
0x48: {  	_ =	swait.ge [sflag:s20], $0x4000  }
0x49: {  	[sflag:s20] =	ssyncset.done $0x0  }
0x4a: {  	s25 =	sadd.s32 $0x1400, s23;
	[sflag:s20] =	ssyncadd.s32 $0xFFFFC000  }
0x4b: {  	[spmem:s2] =	stream.indirect.scatter.add.f32 [tilespmem:s18], [sflag:$0x4], $0x80, s25, s17, $0xb8;
	[tilespmem:$0x1E400] =	vst v63  }
0x4c: {  	_ =	swait.ge [sflag:s14], $0x4000  }
0x4d: {  	[sflag:s14] =	ssyncset.done $0x0  }
0x4e: {  	[sflag:s14] =	ssyncadd.s32 $0xFFFFC000  }
0x4f: {  	_ =	swait.ge [sflag:s21], $0x4000  }
0x50: {  	[sflag:s21] =	ssyncset.done $0x0  }
0x51: {  	s23 =	sadd.s32 $0x1480, s23;
	[sflag:s21] =	ssyncadd.s32 $0xFFFFC000  }
0x52: {  	[spmem:s2] =	stream.indirect.scatter.add.f32 [tilespmem:s19], [sflag:$0x4], $0x80, s23, s17, $0xb8;
	[tilespmem:$0x1E400] =	vst v63  }
0x53: {  	_ =	swait.ge [sflag:s14], $0x4000  }
0x54: {  	[sflag:s14] =	ssyncset.done $0x0  }
0x55: {  	s26 =	simm.s32 $0x0;
	[sflag:s14] =	ssyncadd.s32 $0xFFFFC000  }
0x56: {  	[tilespmem:s26], [sflag:$0x3] =	stream.linear.gather [hbm4b:s11+s26], $0x1400, $0x38;
	[tilespmem:$0x1E400] =	vst v63  }
0x57: {  	_ = 	snop  }
0x58: {  	[tilespmem:s15], [sflag:$0x3] =	stream.linear.gather [hbm4b:s12+s26], $0x1400, $0x38;
	[tilespmem:$0x1E400] =	vst v63  }
0x59: {  	_ =	swait.ge [sflag:s16], $0x1400  }
0x5a: {  	[sflag:s16] =	ssyncset.done $0x0  }
0x5b: {  	[sflag:s16] =	ssyncadd.s32 $0xFFFFEC00  }
0x5c: {  	_ =	swait.ge [sflag:s16], $0x1400  }
0x5d: {  	[sflag:s16] =	ssyncset.done $0x0  }
0x5e: {  	s28 =	simm.s32 $0x0;
	[sflag:s16] =	ssyncadd.s32 $0xFFFFEC00  }
0x5f: {  	[tilespmem:s18], [sflag:$0x1] =	stream.indirect.gather [hbm4b:s4+s17], $0x80, s28, s17, $0xb8;
	[tilespmem:$0x1E400] =	vst v63  }
0x60: {  	s29 =	simm.s32 $0x80  }
0x61: {  	[tilespmem:s19], [sflag:$0x2] =	stream.indirect.gather [hbm4b:s4+s17], $0x80, s29, s17, $0xb8;
	[tilespmem:$0x1E400] =	vst v63  }
0x62: {  	_ =	swait.ge [sflag:s20], $0x4000  }
0x63: {  	[sflag:s20] =	ssyncset.done $0x0  }
0x64: {  	s30 =	simm.s32 $0x1400;
	[sflag:s20] =	ssyncadd.s32 $0xFFFFC000  }
0x65: {  	[spmem:s2] =	stream.indirect.scatter.add.f32 [tilespmem:s18], [sflag:$0x4], $0x80, s30, s17, $0xb8;
	[tilespmem:$0x1E400] =	vst v63  }
0x66: {  	_ =	swait.ge [sflag:s14], $0x4000  }
0x67: {  	[sflag:s14] =	ssyncset.done $0x0  }
0x68: {  	[sflag:s14] =	ssyncadd.s32 $0xFFFFC000  }
0x69: {  	_ =	swait.ge [sflag:s21], $0x4000  }
0x6a: {  	[sflag:s21] =	ssyncset.done $0x0  }
0x6b: {  	s31 =	simm.s32 $0x1480;
	[sflag:s21] =	ssyncadd.s32 $0xFFFFC000  }
0x6c: {  	[spmem:s2] =	stream.indirect.scatter.add.f32 [tilespmem:s19], [sflag:$0x4], $0x80, s31, s17, $0xb8;
	[tilespmem:$0x1E400] =	vst v63  }
0x6d: {  	_ =	swait.ge [sflag:s14], $0x4000  }
0x6e: {  	s24 =	simm.s32 $0x800;
	s23 =	simm.s32 $0x400;
	[sflag:s14] =	ssyncset.done $0x0  }
.LBB2_4:
0x6f: {  	s25 =	sshra.s32 s23, $0x2  }
0x70: {  	[sflag:s14] =	ssyncadd.s32 $0xFFFFC000;
	s23 =	smov.u32 s24;
	s26 =	sadd.s32 $0x400, s24  }
0x71: {  	[tilespmem:s18], [sflag:$0x1] =	stream.indirect.gather [hbm4b:s4+s17], $0x80, s25, s17, $0xb8;
	[tilespmem:$0x1E400] =	vst v63  }
0x72: {  	p0 =	sne.s32 s24, $0x4C00;
	s24 =	sadd.s32 $0x80, s25  }
0x73: {  	[tilespmem:s19], [sflag:$0x2] =	stream.indirect.gather [hbm4b:s4+s17], $0x80, s24, s17, $0xb8;
	[tilespmem:$0x1E400] =	vst v63  }
0x74: {  	_ =	swait.ge [sflag:s20], $0x4000  }
0x75: {  	[sflag:s20] =	ssyncset.done $0x0  }
0x76: {  	s24 =	sadd.s32 $0x1400, s25;
	[sflag:s20] =	ssyncadd.s32 $0xFFFFC000  }
0x77: {  	[spmem:s2] =	stream.indirect.scatter.add.f32 [tilespmem:s18], [sflag:$0x4], $0x80, s24, s17, $0xb8;
	[tilespmem:$0x1E400] =	vst v63  }
0x78: {  	_ =	swait.ge [sflag:s14], $0x4000  }
0x79: {  	[sflag:s14] =	ssyncset.done $0x0  }
0x7a: {  	[sflag:s14] =	ssyncadd.s32 $0xFFFFC000  }
0x7b: {  	_ =	swait.ge [sflag:s21], $0x4000  }
.Ltmp1:
0x7c: {  	[sflag:s21] =	ssyncset.done $0x0;
	(pc) =	sbr.rel @p0 .LBB2_4-.Ltmp1, $4  }
0x7d: {  	s24 =	sadd.s32 $0x1480, s25;
	[sflag:s21] =	ssyncadd.s32 $0xFFFFC000  }
0x7e: {  	[spmem:s2] =	stream.indirect.scatter.add.f32 [tilespmem:s19], [sflag:$0x4], $0x80, s24, s17, $0xb8;
	[tilespmem:$0x1E400] =	vst v63  }
0x7f: {  	_ =	swait.ge [sflag:s14], $0x4000  }
0x80: {  	s24 =	smov.u32 s26;
	[sflag:s14] =	ssyncset.done $0x0  }
0x81: {  	s23 =	sshra.s32 s23, $0x2;
	[sflag:s14] =	ssyncadd.s32 $0xFFFFC000  }
0x82: {  	[tilespmem:s18], [sflag:$0x1] =	stream.indirect.gather [hbm4b:s4+s17], $0x80, s23, s17, $0xb8;
	[tilespmem:$0x1E400] =	vst v63  }
0x83: {  	s24 =	sadd.s32 $0x80, s23  }
0x84: {  	[tilespmem:s19], [sflag:$0x2] =	stream.indirect.gather [hbm4b:s4+s17], $0x80, s24, s17, $0xb8;
	[tilespmem:$0x1E400] =	vst v63  }
0x85: {  	_ =	swait.ge [sflag:s20], $0x4000  }
0x86: {  	[sflag:s20] =	ssyncset.done $0x0  }
0x87: {  	s31 =	sadd.s32 $0x1400, s23;
	[sflag:s20] =	ssyncadd.s32 $0xFFFFC000  }
0x88: {  	[spmem:s2] =	stream.indirect.scatter.add.f32 [tilespmem:s18], [sflag:$0x4], $0x80, s31, s17, $0xb8;
	[tilespmem:$0x1E400] =	vst v63  }
0x89: {  	_ =	swait.ge [sflag:s14], $0x4000  }
0x8a: {  	[sflag:s14] =	ssyncset.done $0x0  }
0x8b: {  	[sflag:s14] =	ssyncadd.s32 $0xFFFFC000  }
0x8c: {  	_ =	swait.ge [sflag:s21], $0x4000  }
0x8d: {  	[sflag:s21] =	ssyncset.done $0x0  }
0x8e: {  	s23 =	sadd.s32 $0x1480, s23;
	[sflag:s21] =	ssyncadd.s32 $0xFFFFC000  }
0x8f: {  	[spmem:s2] =	stream.indirect.scatter.add.f32 [tilespmem:s19], [sflag:$0x4], $0x80, s23, s17, $0xb8;
	[tilespmem:$0x1E400] =	vst v63  }
0x90: {  	_ =	swait.ge [sflag:s14], $0x4000  }
0x91: {  	s22 =	sadd.s32 $0x1, s22;
	[sflag:s14] =	ssyncset.done $0x0  }
0x92: {  	p0 =	sne.s32 s22, s8;
	[sflag:s14] =	ssyncadd.s32 $0xFFFFC000  }
.Ltmp2:
0x93: {  	[bflag:$0x0] =	sbarrier.arrive $0xFFFF;
	(pc) =	sbr.rel @p0 .LBB2_1-.Ltmp2, $4  }
0x94: {  	[hbm:s7], [sflag:s6] =	dma.local [spmem:s13], $0x2780  }
0x95: {  	_ =	swait.ge [sflag:s14], $0x2780  }
0x96: {  	[sflag:s14] =	ssyncset.done $0x0  }
0x97: {  	[sflag:s14] =	ssyncadd.s32 $0xFFFFD880  }
0x98: {  	_ =	sfence.sel $0x180000  }
0x99: {  	[bflag:$0x0] =	sbarrier.arrive $0xFFFF  }
0x9a: {  	p0 =	sne.s32 s1, $0x0;
	_ =	strace $0x90000053  }
0x9b: {  	s0 =	sadd.s32 @!p0 $0x100000, s0;
	[bflag:$0x2] =	sbarrier.arrive $0xFFFF  }
0x9c: {  	[sflag:s0] =	ssyncadd.tile.s32 @!p0 $0x1;
	_ =	shalt  }
.Lfunc_end2:
_tile_overlayer_lowered:
.L_overlay_start_2:
0x9d: {  	(tag) =	ssettag $0x2  }
0x9e: {  	s0 =	rddreg [dreg:$0x0];
	s2 =	stileid.u32  }
0x9f: {  	s1 =	rddreg [dreg:$0x1];
	p0 =	sne.s32 s2, $0x0  }
0xa0: {  	s3 =	rddreg [dreg:$0x2];
	[bflag:$0x3] =	sbarrier.arrive $0xFFFF;
	s2 =	simm.s32 @!p0 $0x1C04  }
0xa1: {  	[timem:s3], [sflag:s2] =	dma.local @!p0 [hbm:s0], s1  }
0xa2: {  	s0 =	simm.s32 @!p0 $0x4  }
0xa3: {  	_ =	swait.ge @!p0 [sflag:s0], s1  }
0xa4: {  	s1 =	ssub.s32 @!p0 $0x0, s1;
	[sflag:s0] =	ssyncset.done @!p0 $0x0  }
0xa5: {  	[sflag:s0] =	ssyncadd.s32 @!p0 s1  }
0xa6: {  	[bflag:$0x3] =	sbarrier.arrive $0xFFFF  }
0xa7: {  	_ =	shalt  }

// kernel: kernel.33.cloned.1.call-start
scs
__scs_entry_jumppad:
0x0: {  	(pc) =	sbr.rel $0x88, $3  }
0x1: {  	(tag) =	ssettag $0x0;
	lr =	simm.s32 $0x1  }
0x2: {  	[smem:$0x3F97] =	sst lr;
	_ =	strace $0xD0000000  }
0x3: {  	_ = 	snop  }
0x4: {  	_ = 	snop  }
0x5: {  	_ = 	snop  }
0x6: {  	_ = 	snop  }
0x7: {  	_ = 	snop  }
__scs_overlays_trampoline_lowered:
0x8: {  	[smem:$0x3FA6] =	sst s0  }
0x9: {  	[smem:$0x3FA7] =	sst s1  }
0xa: {  	[smem:$0x3FA8] =	sst s2  }
0xb: {  	[smem:$0x3FA9] =	sst s3  }
0xc: {  	[smem:$0x3FAA] =	sst s4  }
0xd: {  	[smem:$0x3FAB] =	sst s5  }
0xe: {  	[smem:$0x3FAC] =	sst s6  }
0xf: {  	[smem:$0x3FAD] =	sst s7  }
0x10: {  	[smem:$0x3FAE] =	sst s8  }
0x11: {  	[smem:$0x3FAF] =	sst s9;
	s0 =	simm.s32 @!p0 $0x0  }
0x12: {  	s1 =	sld [smem:$0x3F95];
	s0 =	simm.s32 @p0 $0x1  }
0x13: {  	[smem:$0x3FB0] =	sst s0;
	s0 =	simm.s32 @!p1 $0x0  }
0x14: {  	s2 =	sld [smem:$0x3F94];
	s0 =	simm.s32 @p1 $0x1  }
0x15: {  	[smem:$0x3FB1] =	sst s0;
	s0 =	simm.s32 @!p2 $0x0  }
0x16: {  	s3 =	sld [smem:$0x3FDB];
	s0 =	simm.s32 @p2 $0x1  }
0x17: {  	s4 =	simm.s32 $0x1BF5;
	[smem:$0x3FB3] =	sst s0  }
0x18: {  	s0 =	sld [smem:$0x3F96];
	_ =	swait.ge [sflag:s4], $0x0  }
0x19: {  	s7 =	sld [smem:$0x3F97]  }
0x1a: {  	s8 =	sadd.s32 $0xFFFFE003, lr  }
0x1b: {  	s9 =	sadd.s32 $0xFFFFFEF7, lr;
	s5 =	simm.s32 $0xFFFFFFFF;
	p2 =	slt.u32 s8, $0xFFFFF086  }
0x1c: {  	p1 =	slt.u32 s9, $0xF7A;
	s5 =	simm.s32 @!p2 $0x0  }
0x1d: {  	s5 =	simm.s32 @p1 $0x1;
	p0 =	seq.s32 s7, s2  }
0x1e: {  	s7 =	smul.u32 @!p0 $0xF7A, s2;
	p2 =	seq.s32 @!p0 s5, $0x0  }
0x1f: {  	s9 =	smul.u32 $0xF7A, s1;
	s8 =	simm.s32 @!p0 $0x1BF5;
	p2 =	por !p2, p0  }
0x20: {  	[sflag:s8] =	ssyncset.s32 @!p0 $0xFFFFF086;
	s6 =	sadd.s32 @!p0 s3, s7;
	s7 =	simm.s32 @!p0 $0x108  }
0x21: {  	s3 =	sadd.s32 s3, s9;
	s6 =	sadd.s32 @!p0 $0x88, s6;
	s7 =	simm.s32 @p2 $0x1082  }
0x22: {  	[simem:s7], [sflag:s8] =	dma.local @!p0 [hbm:s6], $0xF7A  }
0x23: {  	s9 =	sor.u32 $0xD0000000, s2;
	s6 =	simm.s32 $0x108;
	_ =	swait.ge @!p0 [sflag:s8], $0x0  }
0x24: {  	s3 =	sadd.s32 $0x88, s3;
	s6 =	simm.s32 @!p1 $0x1082;
	[sflag:s4] =	ssyncset.s32 $0xFFFFF086  }
0x25: {  	[simem:s6], [sflag:s4] =	dma.local [hbm:s3], $0xF7A  }
0x26: {  	[smem:$0x3F97] =	sst s1;
	(tag) =	ssettag s2;
	_ =	strace s9  }
0x27: {  	s1 =	sld [smem:$0x3FA7]  }
0x28: {  	s2 =	sld [smem:$0x3FA8]  }
0x29: {  	s4 =	sld [smem:$0x3FAA]  }
0x2a: {  	p0 =	seq.s32 s5, $0x0;
	s5 =	sld [smem:$0x3FAB]  }
0x2b: {  	s6 =	sld [smem:$0x3FAC]  }
0x2c: {  	s7 =	sld [smem:$0x3FAD]  }
0x2d: {  	s3 =	simm.s32 $0x108;
	s8 =	sld [smem:$0x3FAE]  }
0x2e: {  	s3 =	simm.s32 @!p0 $0x1082;
	s9 =	sld [smem:$0x3FAF]  }
0x2f: {  	lr =	sadd.s32 s0, s3;
	s0 =	sld [smem:$0x3FA6]  }
0x30: {  	s3 =	sld [smem:$0x3FA9]  }
0x31: {  	[smem:$0x3FB2] =	sst s10  }
0x32: {  	s10 =	sld [smem:$0x3FB0];
	_ =	sdelay $0x3  }
0x33: {  	p0 =	seq.s32 s10, $0x1;
	s10 =	sld [smem:$0x3FB2];
	_ =	sdelay $0x3  }
0x34: {  	[smem:$0x3FB2] =	sst s10  }
0x35: {  	s10 =	sld [smem:$0x3FB1];
	_ =	sdelay $0x3  }
0x36: {  	p1 =	seq.s32 s10, $0x1;
	s10 =	sld [smem:$0x3FB2];
	_ =	sdelay $0x3  }
0x37: {  	[smem:$0x3FB2] =	sst s10  }
0x38: {  	s10 =	sld [smem:$0x3FB3]  }
0x39: {  	_ = 	snop;
	(pc) =	sbr.ind lr, $3  }
0x3a: {  	_ = 	snop  }
0x3b: {  	_ = 	snop  }
0x3c: {  	p2 =	seq.s32 s10, $0x1;
	s10 =	sld [smem:$0x3FB2]  }
0x3d: {  	_ =	shalt  }
0x3e: {  	_ =	shalt  }
0x3f: {  	_ =	shalt  }
0x40: {  	_ =	shalt  }
0x41: {  	_ =	shalt  }
0x42: {  	_ =	shalt  }
0x43: {  	_ =	shalt  }
0x44: {  	_ =	shalt  }
0x45: {  	_ =	shalt  }
0x46: {  	_ =	shalt  }
0x47: {  	_ =	shalt  }
0x48: {  	_ =	shalt  }
0x49: {  	_ =	shalt  }
0x4a: {  	_ =	shalt  }
0x4b: {  	_ =	shalt  }
0x4c: {  	_ =	shalt  }
0x4d: {  	_ =	shalt  }
0x4e: {  	_ =	shalt  }
0x4f: {  	_ =	shalt  }
0x50: {  	_ =	shalt  }
0x51: {  	_ =	shalt  }
0x52: {  	_ =	shalt  }
0x53: {  	_ =	shalt  }
0x54: {  	_ =	shalt  }
0x55: {  	_ =	shalt  }
0x56: {  	_ =	shalt  }
0x57: {  	_ =	shalt  }
0x58: {  	_ =	shalt  }
0x59: {  	_ =	shalt  }
0x5a: {  	_ =	shalt  }
0x5b: {  	_ =	shalt  }
0x5c: {  	_ =	shalt  }
0x5d: {  	_ =	shalt  }
0x5e: {  	_ =	shalt  }
0x5f: {  	_ =	shalt  }
0x60: {  	_ =	shalt  }
0x61: {  	_ =	shalt  }
0x62: {  	_ =	shalt  }
0x63: {  	_ =	shalt  }
0x64: {  	_ =	shalt  }
0x65: {  	_ =	shalt  }
0x66: {  	_ =	shalt  }
0x67: {  	_ =	shalt  }
0x68: {  	_ =	shalt  }
0x69: {  	_ =	shalt  }
0x6a: {  	_ =	shalt  }
0x6b: {  	_ =	shalt  }
0x6c: {  	_ =	shalt  }
0x6d: {  	_ =	shalt  }
0x6e: {  	_ =	shalt  }
0x6f: {  	_ =	shalt  }
0x70: {  	_ =	shalt  }
0x71: {  	_ =	shalt  }
0x72: {  	_ =	shalt  }
0x73: {  	_ =	shalt  }
0x74: {  	_ =	shalt  }
0x75: {  	_ =	shalt  }
0x76: {  	_ =	shalt  }
0x77: {  	_ =	shalt  }
0x78: {  	_ =	shalt  }
0x79: {  	_ =	shalt  }
0x7a: {  	_ =	shalt  }
0x7b: {  	_ =	shalt  }
0x7c: {  	_ =	shalt  }
0x7d: {  	_ =	shalt  }
0x7e: {  	_ =	shalt  }
0x7f: {  	_ =	shalt  }
0x80: {  	_ =	shalt  }
0x81: {  	_ =	shalt  }
0x82: {  	_ =	shalt  }
0x83: {  	_ =	shalt  }
0x84: {  	_ =	shalt  }
0x85: {  	_ =	shalt  }
0x86: {  	_ =	shalt  }
0x87: {  	_ =	shalt  }
.Lfunc_end0:
.L_simem_size_0:
called_computation.5_lowered:
.L_overlay_start_0:
0x88: {  	s2 =	sld [smem:$0x3FD9]  }
0x89: {  	s3 =	sld [smem:$0x3FFE];
	_ =	sdelay $0x1  }
0x8a: {  	s1 =	srdreg.scid  }
0x8b: {  	s0 =	sand.u32 $0x1, s1  }
0x8c: {  	s17 =	sshll.u32 s0, $0xA;
	s2 =	sadd.s32 s3, s2  }
0x8d: {  	s2 =	sadd.s32 s2, s17  }
0x8e: {  	[smem:$0x3FBE] =	sst s2  }
0x8f: {  	_ = 	snop  }
0x90: {  	s2 =	sld [smem:$0x3FD0];
	(tm) =	ssettm $0x1  }
0x91: {  	s18 =	sld [smem:$0x3FFB];
	_ =	sdelay $0x3  }
0x92: {  	_ =	strace s18  }
0x93: {  	s3 =	sld [smem:$0x3FFC];
	_ =	sdelay $0x3  }
0x94: {  	_ =	strace s3  }
0x95: {  	s3 =	sld [smem:$0x3FFD];
	_ =	sdelay $0x3  }
0x96: {  	_ =	strace s3  }
0x97: {  	_ =	strace $0x8FFFFFFF  }
0x98: {  	s19 =	sld [smem:$0x3FDB];
	_ =	sdelay $0x1  }
0x99: {  	s4 =	simm.s32 $_scs_section_size  }
0x9a: {  	s5 =	simm.s32 $_size__tile_overlayer_lowered;
	s6 =	simm.s32 $_tile_overlayer_lowered  }
0x9b: {  	s22 =	simm.s32 $0x1BFF;
	s21 =	sshll.u32 s6, $0x1;
	s3 =	sadd.s32 s4, s19  }
0x9c: {  	s7 =	simm.s32 $0x0;
	s20 =	sshll.u32 s5, $0x1;
	s5 =	sadd.s32 s21, s3  }
0x9d: {  	[timem:s7], [sflag:s22] =	dma.local [hbm:s5], s20  }
0x9e: {  	_ =	swait.ge [sflag:s22], s20  }
0x9f: {  	s4 =	ssub.s32 $0x0, s20;
	[sflag:s22] =	ssyncset.done $0x0  }
0xa0: {  	[sflag:s22] =	ssyncadd.s32 s4;
	_ =	sdelay $0x1  }
0xa1: {  	s23 =	simm.s32 $0x1B8B  }
0xa2: {  	_ =	swait.ge [sflag:s23], $0x1  }
0xa3: {  	[sflag:s23] =	ssyncset.done $0x0  }
0xa4: {  	s25 =	simm.s32 $0x1B8E;
	s24 =	sld [smem:$0x3FFE];
	[sflag:s23] =	ssyncadd.s32 $0xFFFFFFFF  }
0xa5: {  	s26 =	simm.s32 $execute0_lowered;
	[smem:$0x3FD2] =	sst s25  }
0xa6: {  	s5 =	sshll.u32 s26, $0x1;
	_ =	strace $0x80000055;
	[dreg:$0x1] =	wrdreg $0xFFFFFFFF  }
0xa7: {  	s28 =	simm.s32 $_size_execute0_lowered;
	s3 =	sadd.s32 s3, s5;
	[dreg:$0x0] =	wrdreg $0x0  }
0xa8: {  	s5 =	sshll.u32 s28, $0x1;
	[dreg:$0x2] =	wrdreg s3  }
0xa9: {  	[dreg:$0x3] =	wrdreg s5  }
0xaa: {  	[dreg:$0x4] =	wrdreg $0xC0  }
0xab: {  	_ =	task [dreg:s7], $0x5FFFF  }
0xac: {  	[dreg:$0x1] =	wrdreg $0xFFFFFFFF  }
0xad: {  	[dreg:$0x0] =	wrdreg $0x60  }
0xae: {  	[dreg:$0x2] =	wrdreg s24  }
0xaf: {  	[dreg:$0x3] =	wrdreg s2  }
0xb0: {  	[dreg:$0x4] =	wrdreg $0xA8000  }
0xb1: {  	[dreg:$0x5] =	wrdreg $0x9  }
0xb2: {  	_ =	task.clear_ibuf [dreg:s7], $0x6FFFF;
	_ =	strace $0x90000055  }
0xb3: {  	s29 =	simm.s32 $0x9;
	_ =	strace $0x80000057  }
0xb4: {  	_ =	swait.ge [sflag:s29], $0x1  }
0xb5: {  	[sflag:s29] =	ssyncadd.s32 $0xFFFFFFFF  }
0xb6: {  	_ =	strace $0x90000057  }
0xb7: {  	_ =	sfence  }
0xb8: {  	s30 =	sld [smem:$0x0];
	_ =	sdelay $0x2  }
0xb9: {  	s31 =	sshll.u32 s1, $0xD;
	s1 =	sshrl.u32 s1, $0x2  }
0xba: {  	s3 =	sand.u32 $0x4000, s31;
	s1 =	sadd.s32 s1, s30  }
0xbb: {  	s0 =	sor.u32 s3, s0;
	s1 =	sshll.u32 s1, $0x11  }
0xbc: {  	s0 =	sor.u32 s1, s0  }
0xbd: {  	s0 =	sadd.s32 $0x8F2B, s0  }
0xbe: {  	[sflag:s0] =	ssyncadd.remote.s32 $0x1  }
0xbf: {  	_ =	sfence.sel $0xFFFF  }
0xc0: {  	[dreg:$0x0] =	wrdreg $0xFFFFFFFF;
	(pc) =	sbr.abs _section_cstart, $3  }
0xc1: {  	[dreg:$0x1] =	wrdreg $0xFFFFFFFF  }
0xc2: {  	_ =	task.clear_ibuf [dreg:s7], $0x2FFFF;
	_ =	strace $0x9FFFFFFF  }
0xc3: {  	(tm) =	ssettm $0x7FFFFFFF  }
tec
execute0_lowered:
.L_overlay_start_1:
0x0: {  	(tag) =	ssettag $0x1  }
0x1: {  	s5 =	rddreg [dreg:$0x0]  }
0x2: {  	s11 =	rddreg [dreg:$0x1]  }
0x3: {  	s2 =	rddreg [dreg:$0x2]  }
0x4: {  	s0 =	rddreg [dreg:$0x3]  }
0x5: {  	s1 =	stileid.u32;
	s4 =	srdreg.scid;
	s3 =	simm.s32 $0x0  }
0x6: {  	s16 =	simm.s32 $0x3;
	s17 =	simm.s32 $0x80;
	s18 =	simm.s32 $0x2800  }
0x7: {  	s19 =	simm.s32 $0x6800;
	s20 =	simm.s32 $0x1;
	s21 =	simm.s32 $0x2  }
0x8: {  	s22 =	simm.s32 $0x0;
	s6 =	smul.u32 $0x13C00, s1;
	s7 =	sand.u32 $0x1, s4  }
0x9: {  	[smem:$0x7FF] =	sst s3;
	s4 =	sadd.s32 $0x35200, s5;
	s12 =	sadd.s32 $0x2B200, s5  }
0xa: {  	s13 =	sshll.u32 s1, $0x1;
	s14 =	smul.u32 $0x4F000, s1;
	s28 =	sshll.u32 s1, $0x6  }
0xb: {  	s8 =	smul.u32 $0x13C000, s7;
	_ =	strace $0x80000056;
	s24 =	ssub.s32 $0x2, s7  }
0xc: {  	s25 =	sor.u32 s7, s13;
	s9 =	sshrl.u32 s6, $0x3;
	s10 =	sshrl.u32 s24, $0x1  }
0xd: {  	s26 =	sshrl.u32 s14, $0x2;
	s29 =	smul.u32 $0x2800, s25;
	s6 =	sadd.s32 s6, s8  }
0xe: {  	s23 =	sadd.s32 s9, s5;
	s9 =	ssub.s32 s24, s10;
	s30 =	sadd.s32 s26, s2  }
0xf: {  	s6 =	sshrl.u32 s6, $0x3;
	s8 =	smax.u32 s9, $0x1;
	s31 =	sshrl.u32 s29, $0x3  }
0x10: {  	s13 =	sshrl.u32 s30, $0x3;
	s15 =	sadd.s32 s6, s5;
	s5 =	sadd.s32 $0x2A00, s23  }
0x11: {  	s6 =	sor.u32 $0x1C04, s28;
	s9 =	sadd.s32 s11, s31;
	s14 =	sadd.s32 $0x280, s31  }
0x12: {  	s10 =	sadd.s32 s12, s31;
	s7 =	sadd.s32 $0x2A6200, s15;
	s11 =	sadd.s32 s11, s14  }
0x13: {  	s12 =	sadd.s32 s12, s14;
	s14 =	simm.s32 $0x4;
	s15 =	simm.s32 $0x1400  }
.LBB2_1:
0x14: {  	[spmem:s13], [sflag:s6] =	dma.local [hbm:s5], $0x2780  }
0x15: {  	_ =	swait.ge [sflag:s14], $0x2780  }
0x16: {  	[sflag:s14] =	ssyncset.done $0x0  }
0x17: {  	[sflag:s14] =	ssyncadd.s32 $0xFFFFD880  }
0x18: {  	[bflag:$0x0] =	sbarrier.arrive $0xFFFF  }
0x19: {  	[tilespmem:s3], [sflag:$0x3] =	stream.linear.gather [hbm4b:s9+s3], $0x1400, $0x38;
	[tilespmem:$0x1E400] =	vst v63  }
0x1a: {  	_ = 	snop  }
0x1b: {  	[tilespmem:s15], [sflag:$0x3] =	stream.linear.gather [hbm4b:s10+s3], $0x1400, $0x38;
	[tilespmem:$0x1E400] =	vst v63  }
0x1c: {  	_ =	swait.ge [sflag:s16], $0x1400  }
0x1d: {  	[sflag:s16] =	ssyncset.done $0x0  }
0x1e: {  	[sflag:s16] =	ssyncadd.s32 $0xFFFFEC00  }
0x1f: {  	_ =	swait.ge [sflag:s16], $0x1400  }
0x20: {  	[sflag:s16] =	ssyncset.done $0x0  }
0x21: {  	s23 =	simm.s32 $0x0;
	[sflag:s16] =	ssyncadd.s32 $0xFFFFEC00  }
0x22: {  	[tilespmem:s18], [sflag:$0x1] =	stream.indirect.gather [hbm4b:s4+s17], $0x80, s23, s17, $0xb8;
	[tilespmem:$0x1E400] =	vst v63  }
0x23: {  	s29 =	simm.s32 $0x80  }
0x24: {  	[tilespmem:s19], [sflag:$0x2] =	stream.indirect.gather [hbm4b:s4+s17], $0x80, s29, s17, $0xb8;
	[tilespmem:$0x1E400] =	vst v63  }
0x25: {  	_ =	swait.ge [sflag:s20], $0x4000  }
0x26: {  	[sflag:s20] =	ssyncset.done $0x0  }
0x27: {  	s30 =	simm.s32 $0x1400;
	[sflag:s20] =	ssyncadd.s32 $0xFFFFC000  }
0x28: {  	[spmem:s2] =	stream.indirect.scatter.add.f32 [tilespmem:s18], [sflag:$0x4], $0x80, s30, s17, $0xb8;
	[tilespmem:$0x1E400] =	vst v63  }
0x29: {  	_ =	swait.ge [sflag:s14], $0x4000  }
0x2a: {  	[sflag:s14] =	ssyncset.done $0x0  }
0x2b: {  	[sflag:s14] =	ssyncadd.s32 $0xFFFFC000  }
0x2c: {  	_ =	swait.ge [sflag:s21], $0x4000  }
0x2d: {  	[sflag:s21] =	ssyncset.done $0x0  }
0x2e: {  	s31 =	simm.s32 $0x1480;
	[sflag:s21] =	ssyncadd.s32 $0xFFFFC000  }
0x2f: {  	[spmem:s2] =	stream.indirect.scatter.add.f32 [tilespmem:s19], [sflag:$0x4], $0x80, s31, s17, $0xb8;
	[tilespmem:$0x1E400] =	vst v63  }
0x30: {  	_ =	swait.ge [sflag:s14], $0x4000  }
0x31: {  	s24 =	simm.s32 $0x800;
	s23 =	simm.s32 $0x400;
	[sflag:s14] =	ssyncset.done $0x0  }
.LBB2_2:
0x32: {  	s25 =	sshra.s32 s23, $0x2  }
0x33: {  	[sflag:s14] =	ssyncadd.s32 $0xFFFFC000;
	s23 =	smov.u32 s24;
	s26 =	sadd.s32 $0x400, s24  }
0x34: {  	[tilespmem:s18], [sflag:$0x1] =	stream.indirect.gather [hbm4b:s4+s17], $0x80, s25, s17, $0xb8;
	[tilespmem:$0x1E400] =	vst v63  }
0x35: {  	p0 =	sne.s32 s24, $0x4C00;
	s24 =	sadd.s32 $0x80, s25  }
0x36: {  	[tilespmem:s19], [sflag:$0x2] =	stream.indirect.gather [hbm4b:s4+s17], $0x80, s24, s17, $0xb8;
	[tilespmem:$0x1E400] =	vst v63  }
0x37: {  	_ =	swait.ge [sflag:s20], $0x4000  }
0x38: {  	[sflag:s20] =	ssyncset.done $0x0  }
0x39: {  	s24 =	sadd.s32 $0x1400, s25;
	[sflag:s20] =	ssyncadd.s32 $0xFFFFC000  }
0x3a: {  	[spmem:s2] =	stream.indirect.scatter.add.f32 [tilespmem:s18], [sflag:$0x4], $0x80, s24, s17, $0xb8;
	[tilespmem:$0x1E400] =	vst v63  }
0x3b: {  	_ =	swait.ge [sflag:s14], $0x4000  }
0x3c: {  	[sflag:s14] =	ssyncset.done $0x0  }
0x3d: {  	[sflag:s14] =	ssyncadd.s32 $0xFFFFC000  }
0x3e: {  	_ =	swait.ge [sflag:s21], $0x4000  }
.Ltmp0:
0x3f: {  	[sflag:s21] =	ssyncset.done $0x0;
	(pc) =	sbr.rel @p0 .LBB2_2-.Ltmp0, $4  }
0x40: {  	s24 =	sadd.s32 $0x1480, s25;
	[sflag:s21] =	ssyncadd.s32 $0xFFFFC000  }
0x41: {  	[spmem:s2] =	stream.indirect.scatter.add.f32 [tilespmem:s19], [sflag:$0x4], $0x80, s24, s17, $0xb8;
	[tilespmem:$0x1E400] =	vst v63  }
0x42: {  	_ =	swait.ge [sflag:s14], $0x4000  }
0x43: {  	s24 =	smov.u32 s26;
	[sflag:s14] =	ssyncset.done $0x0  }
0x44: {  	s23 =	sshra.s32 s23, $0x2;
	[sflag:s14] =	ssyncadd.s32 $0xFFFFC000  }
0x45: {  	[tilespmem:s18], [sflag:$0x1] =	stream.indirect.gather [hbm4b:s4+s17], $0x80, s23, s17, $0xb8;
	[tilespmem:$0x1E400] =	vst v63  }
0x46: {  	s24 =	sadd.s32 $0x80, s23  }
0x47: {  	[tilespmem:s19], [sflag:$0x2] =	stream.indirect.gather [hbm4b:s4+s17], $0x80, s24, s17, $0xb8;
	[tilespmem:$0x1E400] =	vst v63  }
0x48: {  	_ =	swait.ge [sflag:s20], $0x4000  }
0x49: {  	[sflag:s20] =	ssyncset.done $0x0  }
0x4a: {  	s25 =	sadd.s32 $0x1400, s23;
	[sflag:s20] =	ssyncadd.s32 $0xFFFFC000  }
0x4b: {  	[spmem:s2] =	stream.indirect.scatter.add.f32 [tilespmem:s18], [sflag:$0x4], $0x80, s25, s17, $0xb8;
	[tilespmem:$0x1E400] =	vst v63  }
0x4c: {  	_ =	swait.ge [sflag:s14], $0x4000  }
0x4d: {  	[sflag:s14] =	ssyncset.done $0x0  }
0x4e: {  	[sflag:s14] =	ssyncadd.s32 $0xFFFFC000  }
0x4f: {  	_ =	swait.ge [sflag:s21], $0x4000  }
0x50: {  	[sflag:s21] =	ssyncset.done $0x0  }
0x51: {  	s23 =	sadd.s32 $0x1480, s23;
	[sflag:s21] =	ssyncadd.s32 $0xFFFFC000  }
0x52: {  	[spmem:s2] =	stream.indirect.scatter.add.f32 [tilespmem:s19], [sflag:$0x4], $0x80, s23, s17, $0xb8;
	[tilespmem:$0x1E400] =	vst v63  }
0x53: {  	_ =	swait.ge [sflag:s14], $0x4000  }
0x54: {  	[sflag:s14] =	ssyncset.done $0x0  }
0x55: {  	s26 =	simm.s32 $0x0;
	[sflag:s14] =	ssyncadd.s32 $0xFFFFC000  }
0x56: {  	[tilespmem:s26], [sflag:$0x3] =	stream.linear.gather [hbm4b:s11+s26], $0x1400, $0x38;
	[tilespmem:$0x1E400] =	vst v63  }
0x57: {  	_ = 	snop  }
0x58: {  	[tilespmem:s15], [sflag:$0x3] =	stream.linear.gather [hbm4b:s12+s26], $0x1400, $0x38;
	[tilespmem:$0x1E400] =	vst v63  }
0x59: {  	_ =	swait.ge [sflag:s16], $0x1400  }
0x5a: {  	[sflag:s16] =	ssyncset.done $0x0  }
0x5b: {  	[sflag:s16] =	ssyncadd.s32 $0xFFFFEC00  }
0x5c: {  	_ =	swait.ge [sflag:s16], $0x1400  }
0x5d: {  	[sflag:s16] =	ssyncset.done $0x0  }
0x5e: {  	s28 =	simm.s32 $0x0;
	[sflag:s16] =	ssyncadd.s32 $0xFFFFEC00  }
0x5f: {  	[tilespmem:s18], [sflag:$0x1] =	stream.indirect.gather [hbm4b:s4+s17], $0x80, s28, s17, $0xb8;
	[tilespmem:$0x1E400] =	vst v63  }
0x60: {  	s29 =	simm.s32 $0x80  }
0x61: {  	[tilespmem:s19], [sflag:$0x2] =	stream.indirect.gather [hbm4b:s4+s17], $0x80, s29, s17, $0xb8;
	[tilespmem:$0x1E400] =	vst v63  }
0x62: {  	_ =	swait.ge [sflag:s20], $0x4000  }
0x63: {  	[sflag:s20] =	ssyncset.done $0x0  }
0x64: {  	s30 =	simm.s32 $0x1400;
	[sflag:s20] =	ssyncadd.s32 $0xFFFFC000  }
0x65: {  	[spmem:s2] =	stream.indirect.scatter.add.f32 [tilespmem:s18], [sflag:$0x4], $0x80, s30, s17, $0xb8;
	[tilespmem:$0x1E400] =	vst v63  }
0x66: {  	_ =	swait.ge [sflag:s14], $0x4000  }
0x67: {  	[sflag:s14] =	ssyncset.done $0x0  }
0x68: {  	[sflag:s14] =	ssyncadd.s32 $0xFFFFC000  }
0x69: {  	_ =	swait.ge [sflag:s21], $0x4000  }
0x6a: {  	[sflag:s21] =	ssyncset.done $0x0  }
0x6b: {  	s31 =	simm.s32 $0x1480;
	[sflag:s21] =	ssyncadd.s32 $0xFFFFC000  }
0x6c: {  	[spmem:s2] =	stream.indirect.scatter.add.f32 [tilespmem:s19], [sflag:$0x4], $0x80, s31, s17, $0xb8;
	[tilespmem:$0x1E400] =	vst v63  }
0x6d: {  	_ =	swait.ge [sflag:s14], $0x4000  }
0x6e: {  	s24 =	simm.s32 $0x800;
	s23 =	simm.s32 $0x400;
	[sflag:s14] =	ssyncset.done $0x0  }
.LBB2_4:
0x6f: {  	s25 =	sshra.s32 s23, $0x2  }
0x70: {  	[sflag:s14] =	ssyncadd.s32 $0xFFFFC000;
	s23 =	smov.u32 s24;
	s26 =	sadd.s32 $0x400, s24  }
0x71: {  	[tilespmem:s18], [sflag:$0x1] =	stream.indirect.gather [hbm4b:s4+s17], $0x80, s25, s17, $0xb8;
	[tilespmem:$0x1E400] =	vst v63  }
0x72: {  	p0 =	sne.s32 s24, $0x4C00;
	s24 =	sadd.s32 $0x80, s25  }
0x73: {  	[tilespmem:s19], [sflag:$0x2] =	stream.indirect.gather [hbm4b:s4+s17], $0x80, s24, s17, $0xb8;
	[tilespmem:$0x1E400] =	vst v63  }
0x74: {  	_ =	swait.ge [sflag:s20], $0x4000  }
0x75: {  	[sflag:s20] =	ssyncset.done $0x0  }
0x76: {  	s24 =	sadd.s32 $0x1400, s25;
	[sflag:s20] =	ssyncadd.s32 $0xFFFFC000  }
0x77: {  	[spmem:s2] =	stream.indirect.scatter.add.f32 [tilespmem:s18], [sflag:$0x4], $0x80, s24, s17, $0xb8;
	[tilespmem:$0x1E400] =	vst v63  }
0x78: {  	_ =	swait.ge [sflag:s14], $0x4000  }
0x79: {  	[sflag:s14] =	ssyncset.done $0x0  }
0x7a: {  	[sflag:s14] =	ssyncadd.s32 $0xFFFFC000  }
0x7b: {  	_ =	swait.ge [sflag:s21], $0x4000  }
.Ltmp1:
0x7c: {  	[sflag:s21] =	ssyncset.done $0x0;
	(pc) =	sbr.rel @p0 .LBB2_4-.Ltmp1, $4  }
0x7d: {  	s24 =	sadd.s32 $0x1480, s25;
	[sflag:s21] =	ssyncadd.s32 $0xFFFFC000  }
0x7e: {  	[spmem:s2] =	stream.indirect.scatter.add.f32 [tilespmem:s19], [sflag:$0x4], $0x80, s24, s17, $0xb8;
	[tilespmem:$0x1E400] =	vst v63  }
0x7f: {  	_ =	swait.ge [sflag:s14], $0x4000  }
0x80: {  	s24 =	smov.u32 s26;
	[sflag:s14] =	ssyncset.done $0x0  }
0x81: {  	s23 =	sshra.s32 s23, $0x2;
	[sflag:s14] =	ssyncadd.s32 $0xFFFFC000  }
0x82: {  	[tilespmem:s18], [sflag:$0x1] =	stream.indirect.gather [hbm4b:s4+s17], $0x80, s23, s17, $0xb8;
	[tilespmem:$0x1E400] =	vst v63  }
0x83: {  	s24 =	sadd.s32 $0x80, s23  }
0x84: {  	[tilespmem:s19], [sflag:$0x2] =	stream.indirect.gather [hbm4b:s4+s17], $0x80, s24, s17, $0xb8;
	[tilespmem:$0x1E400] =	vst v63  }
0x85: {  	_ =	swait.ge [sflag:s20], $0x4000  }
0x86: {  	[sflag:s20] =	ssyncset.done $0x0  }
0x87: {  	s31 =	sadd.s32 $0x1400, s23;
	[sflag:s20] =	ssyncadd.s32 $0xFFFFC000  }
0x88: {  	[spmem:s2] =	stream.indirect.scatter.add.f32 [tilespmem:s18], [sflag:$0x4], $0x80, s31, s17, $0xb8;
	[tilespmem:$0x1E400] =	vst v63  }
0x89: {  	_ =	swait.ge [sflag:s14], $0x4000  }
0x8a: {  	[sflag:s14] =	ssyncset.done $0x0  }
0x8b: {  	[sflag:s14] =	ssyncadd.s32 $0xFFFFC000  }
0x8c: {  	_ =	swait.ge [sflag:s21], $0x4000  }
0x8d: {  	[sflag:s21] =	ssyncset.done $0x0  }
0x8e: {  	s23 =	sadd.s32 $0x1480, s23;
	[sflag:s21] =	ssyncadd.s32 $0xFFFFC000  }
0x8f: {  	[spmem:s2] =	stream.indirect.scatter.add.f32 [tilespmem:s19], [sflag:$0x4], $0x80, s23, s17, $0xb8;
	[tilespmem:$0x1E400] =	vst v63  }
0x90: {  	_ =	swait.ge [sflag:s14], $0x4000  }
0x91: {  	s22 =	sadd.s32 $0x1, s22;
	[sflag:s14] =	ssyncset.done $0x0  }
0x92: {  	p0 =	sne.s32 s22, s8;
	[sflag:s14] =	ssyncadd.s32 $0xFFFFC000  }
.Ltmp2:
0x93: {  	[bflag:$0x0] =	sbarrier.arrive $0xFFFF;
	(pc) =	sbr.rel @p0 .LBB2_1-.Ltmp2, $4  }
0x94: {  	[hbm:s7], [sflag:s6] =	dma.local [spmem:s13], $0x2780  }
0x95: {  	_ =	swait.ge [sflag:s14], $0x2780  }
0x96: {  	[sflag:s14] =	ssyncset.done $0x0  }
0x97: {  	[sflag:s14] =	ssyncadd.s32 $0xFFFFD880  }
0x98: {  	_ =	sfence.sel $0x180000  }
0x99: {  	[bflag:$0x0] =	sbarrier.arrive $0xFFFF  }
0x9a: {  	p0 =	sne.s32 s1, $0x0;
	_ =	strace $0x90000056  }
0x9b: {  	s0 =	sadd.s32 @!p0 $0x100000, s0;
	[bflag:$0x2] =	sbarrier.arrive $0xFFFF  }
0x9c: {  	[sflag:s0] =	ssyncadd.tile.s32 @!p0 $0x1;
	_ =	shalt  }
.Lfunc_end2:
_tile_overlayer_lowered:
.L_overlay_start_2:
0x9d: {  	(tag) =	ssettag $0x2  }
0x9e: {  	s0 =	rddreg [dreg:$0x0];
	s2 =	stileid.u32  }
0x9f: {  	s1 =	rddreg [dreg:$0x1];
	p0 =	sne.s32 s2, $0x0  }
0xa0: {  	s3 =	rddreg [dreg:$0x2];
	[bflag:$0x3] =	sbarrier.arrive $0xFFFF;
	s2 =	simm.s32 @!p0 $0x1C04  }
0xa1: {  	[timem:s3], [sflag:s2] =	dma.local @!p0 [hbm:s0], s1  }
0xa2: {  	s0 =	simm.s32 @!p0 $0x4  }
0xa3: {  	_ =	swait.ge @!p0 [sflag:s0], s1  }
0xa4: {  	s1 =	ssub.s32 @!p0 $0x0, s1;
	[sflag:s0] =	ssyncset.done @!p0 $0x0  }
0xa5: {  	[sflag:s0] =	ssyncadd.s32 @!p0 s1  }
0xa6: {  	[bflag:$0x3] =	sbarrier.arrive $0xFFFF  }
0xa7: {  	_ =	shalt  }

</sc_bundles>
